<compile_context>
chip_gen: v7x
topology: tpu7x:2x2x1
jax: 0.10.2.dev20260603
libtpu: 0.0.44.dev20260713+nightly
codegen_flags: <defaults>
</compile_context>

<pallas_src>
import jax
import jax.numpy as jnp
from jax import lax
from jax.experimental import pallas as pl
from jax.experimental.pallas import tpu as pltpu
from jax.experimental.pallas import tpu_sc as plsc

B, N, D, E = 4, 10000, 128, 320000
HEADS = 4
HID = 128
C = HID // HEADS
NT = B * N

ROW_BLK = 1024

NCORE = 2
NSUB = 16
NWORK = NCORE * NSUB
K = 384
ETOT = B * E + NT
EP = ((ETOT + NWORK * K - 1) // (NWORK * K)) * (NWORK * K)
R = 40960
SPARE = NT
STRIPE = R // NSUB


def _dense_stage_kernel(h_ref, w_ref, a_ref,
                        x0_ref, x1_ref, x2_ref, x3_ref, as_ref, ad_ref):
    xl = jnp.dot(h_ref[...], w_ref[...], preferred_element_type=jnp.float32)
    x0_ref[...] = xl[:, 0:32]
    x1_ref[...] = xl[:, 32:64]
    x2_ref[...] = xl[:, 64:96]
    x3_ref[...] = xl[:, 96:128]
    al = jnp.dot(xl, a_ref[...], preferred_element_type=jnp.float32)
    as_ref[...] = al[:, 0:16]
    ad_ref[...] = al[:, 16:32]


def _dense_stage(h, w, a_pack):
    grid = (R // ROW_BLK,)
    nrows = h.shape[0]
    hp = jnp.concatenate([h, jnp.zeros((R - nrows, D), jnp.float32)], axis=0)
    out32 = pl.BlockSpec((ROW_BLK, 32), lambda i: (i, 0))
    out16 = pl.BlockSpec((ROW_BLK, 16), lambda i: (i, 0))
    return pl.pallas_call(
        _dense_stage_kernel,
        grid=grid,
        in_specs=[
            pl.BlockSpec((ROW_BLK, D), lambda i: (i, 0)),
            pl.BlockSpec((D, HID), lambda i: (0, 0)),
            pl.BlockSpec((HID, 32), lambda i: (0, 0)),
        ],
        out_specs=[out32, out32, out32, out32, out16, out16],
        out_shape=[jax.ShapeDtypeStruct((R, 32), jnp.float32)] * 4
        + [jax.ShapeDtypeStruct((R, 16), jnp.float32)] * 2,
    )(hp, w, a_pack)


def _pack_attn(a_s, a_d):
    eye = jnp.eye(HEADS, dtype=jnp.float32)
    blk_s = (a_s.reshape(HEADS, C)[:, :, None] * eye[:, None, :]).reshape(HID, HEADS)
    blk_d = (a_d.reshape(HEADS, C)[:, :, None] * eye[:, None, :]).reshape(HID, HEADS)
    z12 = jnp.zeros((HID, 12), jnp.float32)
    return jnp.concatenate([blk_s, z12, blk_d, z12], axis=1)


_MESH = plsc.VectorSubcoreMesh(
    core_axis_name="c", subcore_axis_name="s", num_cores=NCORE, num_subcores=NSUB
)

_NBLK_A = EP // (NWORK * K)

_SC_PARAMS = pltpu.CompilerParams(
    needs_layout_passes=False, use_tc_tiling_on_sc=False
)


def _edge_ex_kernel(s_hbm, d_hbm, as_hbm, ad_hbm, bnd_hbm, z16_hbm,
                    ex_hbm, den_hbm,
                    sidx, didx, asr, adr, exc, exr, bnd,
                    semL, semG, semE, den_acc):
    cid = lax.axis_index("c")
    sid = lax.axis_index("s")
    wid = sid * NCORE + cid
    nb = _NBLK_A
    bufs = [(sidx[b], didx[b], asr[b], adr[b], exc[b], semL[b], semG[b],
             semE[b]) for b in range(NBUF)]

    pltpu.sync_copy(z16_hbm, den_acc.at[pl.ds(sid * STRIPE, STRIPE)])
    pltpu.sync_copy(bnd_hbm, bnd)
    plsc.subcore_barrier()

    lanes = lax.iota(jnp.int32, 16)
    row_pat = lanes >> 2
    col_pat = lanes & 3
    bv = bnd[...]

    def issue_loads(t, buf):
        (si, di, sem) = (buf[0], buf[1], buf[5])
        bs = wid * (nb * K) + t * K
        pltpu.async_copy(s_hbm.at[pl.ds(bs, K)], si, sem)
        pltpu.async_copy(d_hbm.at[pl.ds(bs, K)], di.at[0], sem)

    def wait_loads(buf):
        (si, di, sem) = (buf[0], buf[1], buf[5])
        pltpu.make_async_copy(s_hbm.at[pl.ds(0, K)], si, sem).wait()
        pltpu.make_async_copy(d_hbm.at[pl.ds(0, K)], di.at[0], sem).wait()

    def issue_gathers(buf):
        (si, di, ar, dr, sem) = (buf[0], buf[1], buf[2], buf[3], buf[6])
        pltpu.async_copy(as_hbm.at[si], ar, sem)
        pltpu.async_copy(ad_hbm.at[di.at[0]], dr, sem)

    def wait_gathers(buf):
        (si, di, ar, dr, sem) = (buf[0], buf[1], buf[2], buf[3], buf[6])
        pltpu.make_async_copy(as_hbm.at[si], ar, sem).wait()
        pltpu.make_async_copy(ad_hbm.at[di.at[0]], dr, sem).wait()

    def body(t, b):
        cur = bufs[b]
        (si, di, ar, dr, ec, semL_, semG_, semE_) = cur
        wait_gathers(cur)

        @pl.loop(0, K, unroll=16)
        def _(j):
            a = ar[j] + dr[j]
            t_ = jnp.maximum(a, a * 0.2)
            exr[j] = jnp.exp(t_ - bv)

        pltpu.sync_copy(exr, den_acc.at[di.at[0]], add=True)

        @pl.when(t >= NBUF)
        def _():
            pltpu.make_async_copy(ec, ex_hbm.at[pl.ds(0, 4 * K)], semE_).wait()

        @pl.loop(0, K // 4, unroll=4)
        def _(g):
            v = plsc.load_gather(exr, [4 * g + row_pat, col_pat])
            ec[pl.ds(16 * g, 16)] = v

        bs = wid * (nb * K) + t * K
        pltpu.async_copy(ec, ex_hbm.at[pl.ds(4 * bs, 4 * K)], semE_)

        @pl.when(t + NBUF < nb)
        def _():
            issue_loads(t + NBUF, cur)

        @pl.when(t + NBUF - 1 < nb)
        def _():
            nxt = bufs[(b + NBUF - 1) % NBUF]
            wait_loads(nxt)
            issue_gathers(nxt)

    for b in range(NBUF):
        issue_loads(b, bufs[b])
    for b in range(NBUF - 1):
        wait_loads(bufs[b])
        issue_gathers(bufs[b])

    @pl.loop(0, nb // NBUF)
    def _(tp):
        for b in range(NBUF):
            body(NBUF * tp + b, b)

    for b in range(NBUF):
        pltpu.make_async_copy(exc[b], ex_hbm.at[pl.ds(0, 4 * K)],
                              semE[b]).wait()

    plsc.subcore_barrier()
    off = sid * STRIPE
    pltpu.sync_copy(den_acc.at[pl.ds(off, STRIPE)],
                    den_hbm.at[pl.ds(cid * R + off, STRIPE)])


@jax.jit
def _edge_ex(s, d, as_tab, ad_tab, bound, z16):
    return pl.kernel(
        _edge_ex_kernel,
        out_type=[
            jax.ShapeDtypeStruct((4 * EP,), jnp.float32),
            jax.ShapeDtypeStruct((NCORE * R, 16), jnp.float32),
        ],
        mesh=_MESH,
        scratch_types=[
            [pltpu.VMEM((K,), jnp.int32) for _ in range(NBUF)],
            [pltpu.VMEM((1, K), jnp.int32) for _ in range(NBUF)],
            [pltpu.VMEM((K, 16), jnp.float32) for _ in range(NBUF)],
            [pltpu.VMEM((K, 16), jnp.float32) for _ in range(NBUF)],
            [pltpu.VMEM((4 * K,), jnp.float32) for _ in range(NBUF)],
            pltpu.VMEM((K, 16), jnp.float32),
            pltpu.VMEM((16,), jnp.float32),
            [pltpu.SemaphoreType.DMA for _ in range(NBUF)],
            [pltpu.SemaphoreType.DMA for _ in range(NBUF)],
            [pltpu.SemaphoreType.DMA for _ in range(NBUF)],
            pltpu.VMEM_SHARED((R, 16), jnp.float32),
        ],
        compiler_params=_SC_PARAMS,
    )(s, d, as_tab, ad_tab, bound, z16)


KB = 256
NBUF = 4
_NBLK_B = EP // (NSUB * KB)


def _aggregate_kernel(s_hbm, d_hbm, ex_hbm, x0_hbm, x1_hbm, x2_hbm, x3_hbm,
                      z32_hbm, out_hbm, sidx, didx, msg, exb, semL, semG,
                      out_acc):
    cid = lax.axis_index("c")
    sid = lax.axis_index("s")
    nb = _NBLK_B
    off = sid * STRIPE
    bufs = [(sidx[b], didx[b], msg[b], exb[b], semL[b], semG[b])
            for b in range(NBUF)]

    def issue_loads(t, buf):
        (si, di, eb, sem) = (buf[0], buf[1], buf[3], buf[4])
        bs = sid * (nb * KB) + t * KB
        pltpu.async_copy(s_hbm.at[pl.ds(bs, KB)], si, sem)
        pltpu.async_copy(d_hbm.at[pl.ds(bs, KB)], di.at[0], sem)
        pltpu.async_copy(ex_hbm.at[pl.ds(4 * bs, 4 * KB)], eb, sem)

    def wait_loads(buf):
        (si, di, eb, sem) = (buf[0], buf[1], buf[3], buf[4])
        pltpu.make_async_copy(s_hbm.at[pl.ds(0, KB)], si, sem).wait()
        pltpu.make_async_copy(d_hbm.at[pl.ds(0, KB)], di.at[0], sem).wait()
        pltpu.make_async_copy(ex_hbm.at[pl.ds(0, 4 * KB)], eb, sem).wait()

    def one_pass(hbase, xa_hbm, xb_hbm):
        head = hbase + cid

        def issue_gather(buf):
            (si, mg, sem) = (buf[0], buf[2], buf[5])

            @pl.when(cid == 0)
            def _():
                pltpu.async_copy(xa_hbm.at[si], mg, sem)

            @pl.when(cid == 1)
            def _():
                pltpu.async_copy(xb_hbm.at[si], mg, sem)

        def wait_gather(buf):
            (si, mg, sem) = (buf[0], buf[2], buf[5])
            pltpu.make_async_copy(xa_hbm.at[si], mg, sem).wait()

        def body(t, b):
            cur = bufs[b]
            (si, di, mg, eb, semL_, semG_) = cur
            wait_gather(cur)

            @pl.loop(0, KB, unroll=16)
            def _(j):
                ebc = plsc.load_gather(
                    eb, [jnp.full((16,), 4 * j, jnp.int32) + head])
                mg[j, pl.ds(0, 16)] = mg[j, pl.ds(0, 16)] * ebc
                mg[j, pl.ds(16, 16)] = mg[j, pl.ds(16, 16)] * ebc

            pltpu.sync_copy(mg, out_acc.at[di.at[0]], add=True)

            @pl.when(t + NBUF < nb)
            def _():
                issue_loads(t + NBUF, cur)

            @pl.when(t + NBUF - 1 < nb)
            def _():
                nxt = bufs[(b + NBUF - 1) % NBUF]
                wait_loads(nxt)
                issue_gather(nxt)

        for b in range(NBUF):
            issue_loads(b, bufs[b])
        for b in range(NBUF - 1):
            wait_loads(bufs[b])
            issue_gather(bufs[b])

        @pl.loop(0, nb // NBUF)
        def _(tp):
            for b in range(NBUF):
                body(NBUF * tp + b, b)

        plsc.subcore_barrier()
        pltpu.sync_copy(out_acc.at[pl.ds(off, STRIPE)],
                        out_hbm.at[pl.ds((hbase + cid) * R + off, STRIPE)])
        plsc.subcore_barrier()

    pltpu.sync_copy(z32_hbm, out_acc.at[pl.ds(off, STRIPE)])
    plsc.subcore_barrier()
    one_pass(0, x0_hbm, x1_hbm)
    pltpu.sync_copy(z32_hbm, out_acc.at[pl.ds(off, STRIPE)])
    plsc.subcore_barrier()
    one_pass(2, x2_hbm, x3_hbm)


@jax.jit
def _aggregate(s, d, ex, x0, x1, x2, x3, z32):
    return pl.kernel(
        _aggregate_kernel,
        out_type=jax.ShapeDtypeStruct((HEADS * R, 32), jnp.float32),
        mesh=_MESH,
        scratch_types=[
            [pltpu.VMEM((KB,), jnp.int32) for _ in range(NBUF)],
            [pltpu.VMEM((1, KB), jnp.int32) for _ in range(NBUF)],
            [pltpu.VMEM((KB, 32), jnp.float32) for _ in range(NBUF)],
            [pltpu.VMEM((4 * KB,), jnp.float32) for _ in range(NBUF)],
            [pltpu.SemaphoreType.DMA for _ in range(NBUF)],
            [pltpu.SemaphoreType.DMA for _ in range(NBUF)],
            pltpu.VMEM_SHARED((R, 32), jnp.float32),
        ],
        compiler_params=_SC_PARAMS,
    )(s, d, ex, x0, x1, x2, x3, z32)


def _gat_layer(h, s, d, p, i, z16, z32):
    w, a_s, a_d = p[f"W{i}"], p[f"as{i}"], p[f"ad{i}"]
    x0, x1, x2, x3, as_tab, ad_tab = _dense_stage(h, w, _pack_attn(a_s, a_d))

    z = as_tab[:NT, :HEADS].max(axis=0) + ad_tab[:NT, :HEADS].max(axis=0)
    bound4 = jnp.maximum(z, 0.2 * z)
    bound = jnp.concatenate([bound4, jnp.full((12,), 88.0, jnp.float32)])

    ex, den_parts = _edge_ex(s, d, as_tab, ad_tab, bound, z16)
    den = den_parts[:R][:NT, :HEADS] + den_parts[R:][:NT, :HEADS]

    o = _aggregate(s, d, ex, x0, x1, x2, x3, z32)

    inv = 1.0 / (den + 1e-16)
    heads = [o[hh * R : hh * R + NT] * inv[:, hh : hh + 1]
             for hh in range(HEADS)]
    return jnp.concatenate(heads, axis=1) + p[f"b{i}"]


def _gnorm_relu(h, g, bt, ms, res=None):
    hb = h.reshape(B, N, -1)
    mean = hb.mean(axis=1, keepdims=True)
    hc = hb - ms * mean
    var = (hc * hc).mean(axis=1, keepdims=True)
    out = g * hc / jnp.sqrt(var + 1e-5) + bt
    out = out.reshape(NT, -1)
    if res is not None:
        out = out + res
    return jax.nn.relu(out)


def kernel(x, edge_index, params):
    p = params
    xt = jnp.transpose(x, (0, 2, 1)).reshape(NT, D)
    off = jnp.arange(B, dtype=edge_index.dtype) * N
    src = (edge_index[0][None, :] + off[:, None]).reshape(-1)
    dst = (edge_index[1][None, :] + off[:, None]).reshape(-1)
    loop = jnp.arange(NT, dtype=src.dtype)
    pad = jnp.full((EP - ETOT,), SPARE, jnp.int32)
    s = jnp.concatenate([src, loop, pad])
    d = jnp.concatenate([dst, loop, pad])
    z16 = jnp.zeros((STRIPE, 16), jnp.float32)
    z32 = jnp.zeros((STRIPE, 32), jnp.float32)

    h = _gat_layer(xt, s, d, p, 1, z16, z32)
    h = _gnorm_relu(h, p["g1"], p["bt1"], p["ms1"])
    h0 = h
    h = _gat_layer(h0, s, d, p, 2, z16, z32)
    h = _gnorm_relu(h, p["g2"], p["bt2"], p["ms2"], res=h0)
    h0 = h
    h = _gat_layer(h0, s, d, p, 3, z16, z32)
    h = _gnorm_relu(h, p["g3"], p["bt3"], p["ms3"], res=h0)

    pooled = h.reshape(B, N, HID).sum(axis=1) / float(N)
    return pooled @ p["Wc"] + p["bc"]

# --- scband reference (transcript-rebuilt; emitter-appended) ---
"""Pipeline reference for scband-gat-52604759441721 (READ-ONLY COPY).

The authoritative reference and input builder live on the scoring server;
editing this copy changes nothing except your own understanding.
"""

import jax, jax.numpy as jnp
import numpy as np

B, N, D, E = 4, 10000, 128, 320000
HEADS = 4
HID = 128


def _glorot(k, shape):
    if len(shape) == 2:
        fan = shape[0] + shape[1]
    else:
        fan = int(np.prod(shape))
    return jax.random.normal(k, shape, jnp.float32) * np.sqrt(2.0 / fan)


def _init_params(key):
    ks = jax.random.split(key, 12)
    p = {}
    dims = [(D, HID), (HID, HID), (HID, HID)]
    for i, (din, dout) in enumerate(dims, start=1):
        c = dout // HEADS
        p[f"W{i}"] = _glorot(ks[3 * (i - 1)], (din, dout))
        p[f"as{i}"] = _glorot(ks[3 * (i - 1) + 1], (1, HEADS, c))
        p[f"ad{i}"] = _glorot(ks[3 * (i - 1) + 2], (1, HEADS, c))
        p[f"b{i}"] = jnp.zeros((dout,), jnp.float32)
        p[f"g{i}"] = jnp.ones((dout,), jnp.float32)
        p[f"bt{i}"] = jnp.zeros((dout,), jnp.float32)
        p[f"ms{i}"] = jnp.ones((dout,), jnp.float32)
    p["Wc"] = _glorot(ks[9], (HID, 1))
    p["bc"] = jnp.zeros((1,), jnp.float32)
    return p


def setup_inputs(seed: int = 0) -> dict:
    key = jax.random.key(seed)
    k1, k2, k3 = jax.random.split(key, 3)
    x = jax.random.normal(k1, (B, D, N), jnp.float32)
    edge_index = jax.random.randint(k2, (2, E), 0, N, jnp.int32)
    params = _init_params(k3)
    return {"x": x, "edge_index": edge_index, "params": params}


def _gat(h, src, dst, nt, W, a_s, a_d, b):
    c = W.shape[1] // HEADS
    xl = (h @ W).reshape(-1, HEADS, c)
    loop = jnp.arange(nt, dtype=src.dtype)
    s = jnp.concatenate([src, loop])
    d = jnp.concatenate([dst, loop])
    al_s = (xl * a_s).sum(-1)  # [nt, H]
    al_d = (xl * a_d).sum(-1)  # [nt, H]
    alpha = jax.nn.leaky_relu(al_s[s] + al_d[d], 0.2)  # [Etot, H]
    m = jax.ops.segment_max(alpha, d, num_segments=nt)
    ex = jnp.exp(alpha - m[d])
    den = jax.ops.segment_sum(ex, d, num_segments=nt)
    att = ex / (den[d] + 1e-16)
    out = jax.ops.segment_sum(xl[s] * att[:, :, None], d, num_segments=nt)
    return out.reshape(nt, HEADS * c) + b


def _gnorm(h, batch, nb, g, bt, ms):
    cnt = jax.ops.segment_sum(jnp.ones((h.shape[0],), h.dtype), batch, num_segments=nb)
    mean = jax.ops.segment_sum(h, batch, num_segments=nb) / cnt[:, None]
    hc = h - ms * mean[batch]
    var = jax.ops.segment_sum(hc * hc, batch, num_segments=nb) / cnt[:, None]
    std = jnp.sqrt(var + 1e-5)
    return g * hc / std[batch] + bt


def _forward(x, edge_index, p):
    xt = jnp.transpose(x, (0, 2, 1)).reshape(B * N, D)
    off = jnp.arange(B, dtype=edge_index.dtype) * N
    src = (edge_index[0][None, :] + off[:, None]).reshape(-1)
    dst = (edge_index[1][None, :] + off[:, None]).reshape(-1)
    batch = jnp.repeat(jnp.arange(B), N)
    nt = B * N
    h = _gat(xt, src, dst, nt, p["W1"], p["as1"], p["ad1"], p["b1"])
    h = _gnorm(h, batch, B, p["g1"], p["bt1"], p["ms1"])
    h = jax.nn.relu(h)
    h0 = h
    h = _gat(h0, src, dst, nt, p["W2"], p["as2"], p["ad2"], p["b2"])
    h = _gnorm(h, batch, B, p["g2"], p["bt2"], p["ms2"])
    h = jax.nn.relu(h + h0)
    h0 = h
    h = _gat(h0, src, dst, nt, p["W3"], p["as3"], p["ad3"], p["b3"])
    h = _gnorm(h, batch, B, p["g3"], p["bt3"], p["ms3"])
    h = jax.nn.relu(h + h0)
    pooled = jax.ops.segment_sum(h, batch, num_segments=B) / float(N)
    return pooled @ p["Wc"] + p["bc"]


def reference(x, edge_index, params):
    return _forward(x, edge_index, params)

if __name__ == "__main__":
    import jax
    _d = setup_inputs()
    print(jax.jit(kernel)(*tuple(_d.values())))

</pallas_src>

<mosaic_0001>
#map = affine_map<(d0, d1) -> (0)>
#map1 = affine_map<(d0, d1) -> (0, 0)>
module attributes {stable_mosaic.version = 14 : i64} {
  func.func @_edge_ex_kernel(%arg0: i32, %arg1: i32, %arg2: memref<1327104xi32, #tpu.memory_space<hbm>>, %arg3: memref<1327104xi32, #tpu.memory_space<hbm>>, %arg4: memref<40960x16xf32, #tpu.memory_space<hbm>>, %arg5: memref<40960x16xf32, #tpu.memory_space<hbm>>, %arg6: memref<16xf32, #tpu.memory_space<hbm>>, %arg7: memref<2560x16xf32, #tpu.memory_space<hbm>>, %arg8: memref<5308416xf32, #tpu.memory_space<hbm>>, %arg9: memref<81920x16xf32, #tpu.memory_space<hbm>>, %arg10: memref<384xi32, #tpu.memory_space<vmem>>, %arg11: memref<384xi32, #tpu.memory_space<vmem>>, %arg12: memref<384xi32, #tpu.memory_space<vmem>>, %arg13: memref<384xi32, #tpu.memory_space<vmem>>, %arg14: memref<1x384xi32, #tpu.memory_space<vmem>>, %arg15: memref<1x384xi32, #tpu.memory_space<vmem>>, %arg16: memref<1x384xi32, #tpu.memory_space<vmem>>, %arg17: memref<1x384xi32, #tpu.memory_space<vmem>>, %arg18: memref<384x16xf32, #tpu.memory_space<vmem>>, %arg19: memref<384x16xf32, #tpu.memory_space<vmem>>, %arg20: memref<384x16xf32, #tpu.memory_space<vmem>>, %arg21: memref<384x16xf32, #tpu.memory_space<vmem>>, %arg22: memref<384x16xf32, #tpu.memory_space<vmem>>, %arg23: memref<384x16xf32, #tpu.memory_space<vmem>>, %arg24: memref<384x16xf32, #tpu.memory_space<vmem>>, %arg25: memref<384x16xf32, #tpu.memory_space<vmem>>, %arg26: memref<1536xf32, #tpu.memory_space<vmem>>, %arg27: memref<1536xf32, #tpu.memory_space<vmem>>, %arg28: memref<1536xf32, #tpu.memory_space<vmem>>, %arg29: memref<1536xf32, #tpu.memory_space<vmem>>, %arg30: memref<384x16xf32, #tpu.memory_space<vmem>>, %arg31: memref<16xf32, #tpu.memory_space<vmem>>, %arg32: memref<!tpu.dma_semaphore, #tpu.memory_space<semaphore_mem>>, %arg33: memref<!tpu.dma_semaphore, #tpu.memory_space<semaphore_mem>>, %arg34: memref<!tpu.dma_semaphore, #tpu.memory_space<semaphore_mem>>, %arg35: memref<!tpu.dma_semaphore, #tpu.memory_space<semaphore_mem>>, %arg36: memref<!tpu.dma_semaphore, #tpu.memory_space<semaphore_mem>>, %arg37: memref<!tpu.dma_semaphore, #tpu.memory_space<semaphore_mem>>, %arg38: memref<!tpu.dma_semaphore, #tpu.memory_space<semaphore_mem>>, %arg39: memref<!tpu.dma_semaphore, #tpu.memory_space<semaphore_mem>>, %arg40: memref<!tpu.dma_semaphore, #tpu.memory_space<semaphore_mem>>, %arg41: memref<!tpu.dma_semaphore, #tpu.memory_space<semaphore_mem>>, %arg42: memref<!tpu.dma_semaphore, #tpu.memory_space<semaphore_mem>>, %arg43: memref<!tpu.dma_semaphore, #tpu.memory_space<semaphore_mem>>, %arg44: memref<40960x16xf32, #tpu.memory_space<vmem_shared>>) attributes {dimension_semantics = [#tpu.dimension_semantics<core_parallel>, #tpu.dimension_semantics<subcore_parallel>], iteration_bounds = array<i64: 2, 16>, scalar_prefetch = 0 : i64, scratch_operands = 35 : i64, tpu.core_type = #tpu.core_type<sc_vector_subcore>, window_params = [{transform_indices = #map}, {transform_indices = #map}, {transform_indices = #map1}, {transform_indices = #map1}, {transform_indices = #map}, {transform_indices = #map1}, {transform_indices = #map}, {transform_indices = #map1}]} {
    %mul3A = arith.constant 2 : i32
    %mul3A_0 = arith.muli %arg1, %mul3A : i32
    %add3A = arith.addi %mul3A_0, %arg0 : i32
    %mul3A_1 = arith.constant 2560 : i32
    %mul3A_2 = arith.muli %arg1, %mul3A_1 : i32
    "tpu.region"() ({
      %run_scoped3A = tpu.sem_alloc : memref<!tpu.dma_semaphore, #tpu.memory_space<semaphore_mem>>
      %dma_start3A_167 = arith.constant 0 : i32
      %dma_start3A_168 = tpu.memref_slice %arg44[%mul3A_2, %dma_start3A_167] : memref<40960x16xf32, #tpu.memory_space<vmem_shared>> -> memref<2560x16xf32, #tpu.memory_space<vmem_shared>>
      tpu.enqueue_dma source(%arg7 : memref<2560x16xf32, #tpu.memory_space<hbm>>) target(%dma_start3A_168 : memref<2560x16xf32, #tpu.memory_space<vmem_shared>>) target_semaphore(%run_scoped3A : memref<!tpu.dma_semaphore, #tpu.memory_space<semaphore_mem>>)
      %dma_wait3A_169 = arith.constant 0 : i32
      %dma_wait3A_170 = tpu.memref_slice %arg44[%mul3A_2, %dma_wait3A_169] : memref<40960x16xf32, #tpu.memory_space<vmem_shared>> -> memref<2560x16xf32, #tpu.memory_space<vmem_shared>>
      tpu.wait_dma2 semaphore(%run_scoped3A : memref<!tpu.dma_semaphore, #tpu.memory_space<semaphore_mem>>) src(%arg7 : memref<2560x16xf32, #tpu.memory_space<hbm>>) dst(%dma_wait3A_170 : memref<2560x16xf32, #tpu.memory_space<vmem_shared>>)
      tpu.yield
    }) : () -> ()
    "tpu.region"() ({
      %run_scoped3A = tpu.sem_alloc : memref<!tpu.dma_semaphore, #tpu.memory_space<semaphore_mem>>
      tpu.enqueue_dma source(%arg6 : memref<16xf32, #tpu.memory_space<hbm>>) target(%arg31 : memref<16xf32, #tpu.memory_space<vmem>>) target_semaphore(%run_scoped3A : memref<!tpu.dma_semaphore, #tpu.memory_space<semaphore_mem>>)
      tpu.wait_dma2 semaphore(%run_scoped3A : memref<!tpu.dma_semaphore, #tpu.memory_space<semaphore_mem>>) src(%arg6 : memref<16xf32, #tpu.memory_space<hbm>>) dst(%arg31 : memref<16xf32, #tpu.memory_space<vmem>>)
      tpu.yield
    }) : () -> ()
    %barrier3A = arith.constant 0 : index
    tpu.barrier barrier_id(%barrier3A)
    %iota3A = tpu.iota {dimensions = array<i32: 0>} : vector<16xi32>
    %shift_right_arithmetic3A = arith.constant 2 : i32
    %shift_right_arithmetic3A_3 = vector.broadcast %shift_right_arithmetic3A : i32 to vector<16xi32>
    %shift_right_arithmetic3A_4 = arith.shrsi %iota3A, %shift_right_arithmetic3A_3 : vector<16xi32>
    %and3A = arith.constant 3 : i32
    %and3A_5 = vector.broadcast %and3A : i32 to vector<16xi32>
    %and3A_6 = arith.andi %iota3A, %and3A_5 : vector<16xi32>
    %get3A = arith.constant 0 : index
    %get3A_7 = tpu.vector_load %arg31[%get3A] {strides = array<i32>} : memref<16xf32, #tpu.memory_space<vmem>>, vector<16xf32>,
    %mul3A_8 = arith.constant 41472 : i32
    %mul3A_9 = arith.muli %add3A, %mul3A_8 : i32
    %add3A_10 = arith.constant 0 : i32
    %add3A_11 = arith.addi %mul3A_9, %add3A_10 : i32
    %dma_start3A = tpu.memref_slice %arg2[%add3A_11] : memref<1327104xi32, #tpu.memory_space<hbm>> -> memref<384xi32, #tpu.memory_space<hbm>>
    %dma_start3A_12 = tpu.memref_slice %arg2[%add3A_11] : memref<1327104xi32, #tpu.memory_space<hbm>> -> memref<384xi32, #tpu.memory_space<hbm>>
    tpu.enqueue_dma source(%dma_start3A_12 : memref<384xi32, #tpu.memory_space<hbm>>) target(%arg10 : memref<384xi32, #tpu.memory_space<vmem>>) target_semaphore(%arg32 : memref<!tpu.dma_semaphore, #tpu.memory_space<semaphore_mem>>)
    %dma_start3A_13 = arith.constant 0 : i32
    %dma_start3A_14 = arith.constant 0 : i32
    %dma_start3A_15 = tpu.memref_slice %arg14[%dma_start3A_13, %dma_start3A_14] : memref<1x384xi32, #tpu.memory_space<vmem>> -> memref<1x384xi32, #tpu.memory_space<vmem>>
    %dma_start3A_16 = tpu.memref_squeeze %dma_start3A_15 : memref<1x384xi32, #tpu.memory_space<vmem>> -> memref<384xi32, #tpu.memory_space<vmem>>
    %dma_start3A_17 = tpu.memref_slice %arg3[%add3A_11] : memref<1327104xi32, #tpu.memory_space<hbm>> -> memref<384xi32, #tpu.memory_space<hbm>>
    %dma_start3A_18 = arith.constant 0 : i32
    %dma_start3A_19 = tpu.memref_slice %arg14[%dma_start3A_13, %dma_start3A_18] : memref<1x384xi32, #tpu.memory_space<vmem>> -> memref<1x384xi32, #tpu.memory_space<vmem>>
    %dma_start3A_20 = tpu.memref_squeeze %dma_start3A_19 : memref<1x384xi32, #tpu.memory_space<vmem>> -> memref<384xi32, #tpu.memory_space<vmem>>
    %dma_start3A_21 = tpu.memref_slice %arg3[%add3A_11] : memref<1327104xi32, #tpu.memory_space<hbm>> -> memref<384xi32, #tpu.memory_space<hbm>>
    tpu.enqueue_dma source(%dma_start3A_21 : memref<384xi32, #tpu.memory_space<hbm>>) target(%dma_start3A_20 : memref<384xi32, #tpu.memory_space<vmem>>) target_semaphore(%arg32 : memref<!tpu.dma_semaphore, #tpu.memory_space<semaphore_mem>>)
    %mul3A_22 = arith.constant 41472 : i32
    %mul3A_23 = arith.muli %add3A, %mul3A_22 : i32
    %add3A_24 = arith.constant 384 : i32
    %add3A_25 = arith.addi %mul3A_23, %add3A_24 : i32
    %dma_start3A_26 = tpu.memref_slice %arg2[%add3A_25] : memref<1327104xi32, #tpu.memory_space<hbm>> -> memref<384xi32, #tpu.memory_space<hbm>>
    %dma_start3A_27 = tpu.memref_slice %arg2[%add3A_25] : memref<1327104xi32, #tpu.memory_space<hbm>> -> memref<384xi32, #tpu.memory_space<hbm>>
    tpu.enqueue_dma source(%dma_start3A_27 : memref<384xi32, #tpu.memory_space<hbm>>) target(%arg11 : memref<384xi32, #tpu.memory_space<vmem>>) target_semaphore(%arg33 : memref<!tpu.dma_semaphore, #tpu.memory_space<semaphore_mem>>)
    %dma_start3A_28 = arith.constant 0 : i32
    %dma_start3A_29 = arith.constant 0 : i32
    %dma_start3A_30 = tpu.memref_slice %arg15[%dma_start3A_28, %dma_start3A_29] : memref<1x384xi32, #tpu.memory_space<vmem>> -> memref<1x384xi32, #tpu.memory_space<vmem>>
    %dma_start3A_31 = tpu.memref_squeeze %dma_start3A_30 : memref<1x384xi32, #tpu.memory_space<vmem>> -> memref<384xi32, #tpu.memory_space<vmem>>
    %dma_start3A_32 = tpu.memref_slice %arg3[%add3A_25] : memref<1327104xi32, #tpu.memory_space<hbm>> -> memref<384xi32, #tpu.memory_space<hbm>>
    %dma_start3A_33 = arith.constant 0 : i32
    %dma_start3A_34 = tpu.memref_slice %arg15[%dma_start3A_28, %dma_start3A_33] : memref<1x384xi32, #tpu.memory_space<vmem>> -> memref<1x384xi32, #tpu.memory_space<vmem>>
    %dma_start3A_35 = tpu.memref_squeeze %dma_start3A_34 : memref<1x384xi32, #tpu.memory_space<vmem>> -> memref<384xi32, #tpu.memory_space<vmem>>
    %dma_start3A_36 = tpu.memref_slice %arg3[%add3A_25] : memref<1327104xi32, #tpu.memory_space<hbm>> -> memref<384xi32, #tpu.memory_space<hbm>>
    tpu.enqueue_dma source(%dma_start3A_36 : memref<384xi32, #tpu.memory_space<hbm>>) target(%dma_start3A_35 : memref<384xi32, #tpu.memory_space<vmem>>) target_semaphore(%arg33 : memref<!tpu.dma_semaphore, #tpu.memory_space<semaphore_mem>>)
    %mul3A_37 = arith.constant 41472 : i32
    %mul3A_38 = arith.muli %add3A, %mul3A_37 : i32
    %add3A_39 = arith.constant 768 : i32
    %add3A_40 = arith.addi %mul3A_38, %add3A_39 : i32
    %dma_start3A_41 = tpu.memref_slice %arg2[%add3A_40] : memref<1327104xi32, #tpu.memory_space<hbm>> -> memref<384xi32, #tpu.memory_space<hbm>>
    %dma_start3A_42 = tpu.memref_slice %arg2[%add3A_40] : memref<1327104xi32, #tpu.memory_space<hbm>> -> memref<384xi32, #tpu.memory_space<hbm>>
    tpu.enqueue_dma source(%dma_start3A_42 : memref<384xi32, #tpu.memory_space<hbm>>) target(%arg12 : memref<384xi32, #tpu.memory_space<vmem>>) target_semaphore(%arg34 : memref<!tpu.dma_semaphore, #tpu.memory_space<semaphore_mem>>)
    %dma_start3A_43 = arith.constant 0 : i32
    %dma_start3A_44 = arith.constant 0 : i32
    %dma_start3A_45 = tpu.memref_slice %arg16[%dma_start3A_43, %dma_start3A_44] : memref<1x384xi32, #tpu.memory_space<vmem>> -> memref<1x384xi32, #tpu.memory_space<vmem>>
    %dma_start3A_46 = tpu.memref_squeeze %dma_start3A_45 : memref<1x384xi32, #tpu.memory_space<vmem>> -> memref<384xi32, #tpu.memory_space<vmem>>
    %dma_start3A_47 = tpu.memref_slice %arg3[%add3A_40] : memref<1327104xi32, #tpu.memory_space<hbm>> -> memref<384xi32, #tpu.memory_space<hbm>>
    %dma_start3A_48 = arith.constant 0 : i32
    %dma_start3A_49 = tpu.memref_slice %arg16[%dma_start3A_43, %dma_start3A_48] : memref<1x384xi32, #tpu.memory_space<vmem>> -> memref<1x384xi32, #tpu.memory_space<vmem>>
    %dma_start3A_50 = tpu.memref_squeeze %dma_start3A_49 : memref<1x384xi32, #tpu.memory_space<vmem>> -> memref<384xi32, #tpu.memory_space<vmem>>
    %dma_start3A_51 = tpu.memref_slice %arg3[%add3A_40] : memref<1327104xi32, #tpu.memory_space<hbm>> -> memref<384xi32, #tpu.memory_space<hbm>>
    tpu.enqueue_dma source(%dma_start3A_51 : memref<384xi32, #tpu.memory_space<hbm>>) target(%dma_start3A_50 : memref<384xi32, #tpu.memory_space<vmem>>) target_semaphore(%arg34 : memref<!tpu.dma_semaphore, #tpu.memory_space<semaphore_mem>>)
    %mul3A_52 = arith.constant 41472 : i32
    %mul3A_53 = arith.muli %add3A, %mul3A_52 : i32
    %add3A_54 = arith.constant 1152 : i32
    %add3A_55 = arith.addi %mul3A_53, %add3A_54 : i32
    %dma_start3A_56 = tpu.memref_slice %arg2[%add3A_55] : memref<1327104xi32, #tpu.memory_space<hbm>> -> memref<384xi32, #tpu.memory_space<hbm>>
    %dma_start3A_57 = tpu.memref_slice %arg2[%add3A_55] : memref<1327104xi32, #tpu.memory_space<hbm>> -> memref<384xi32, #tpu.memory_space<hbm>>
    tpu.enqueue_dma source(%dma_start3A_57 : memref<384xi32, #tpu.memory_space<hbm>>) target(%arg13 : memref<384xi32, #tpu.memory_space<vmem>>) target_semaphore(%arg35 : memref<!tpu.dma_semaphore, #tpu.memory_space<semaphore_mem>>)
    %dma_start3A_58 = arith.constant 0 : i32
    %dma_start3A_59 = arith.constant 0 : i32
    %dma_start3A_60 = tpu.memref_slice %arg17[%dma_start3A_58, %dma_start3A_59] : memref<1x384xi32, #tpu.memory_space<vmem>> -> memref<1x384xi32, #tpu.memory_space<vmem>>
    %dma_start3A_61 = tpu.memref_squeeze %dma_start3A_60 : memref<1x384xi32, #tpu.memory_space<vmem>> -> memref<384xi32, #tpu.memory_space<vmem>>
    %dma_start3A_62 = tpu.memref_slice %arg3[%add3A_55] : memref<1327104xi32, #tpu.memory_space<hbm>> -> memref<384xi32, #tpu.memory_space<hbm>>
    %dma_start3A_63 = arith.constant 0 : i32
    %dma_start3A_64 = tpu.memref_slice %arg17[%dma_start3A_58, %dma_start3A_63] : memref<1x384xi32, #tpu.memory_space<vmem>> -> memref<1x384xi32, #tpu.memory_space<vmem>>
    %dma_start3A_65 = tpu.memref_squeeze %dma_start3A_64 : memref<1x384xi32, #tpu.memory_space<vmem>> -> memref<384xi32, #tpu.memory_space<vmem>>
    %dma_start3A_66 = tpu.memref_slice %arg3[%add3A_55] : memref<1327104xi32, #tpu.memory_space<hbm>> -> memref<384xi32, #tpu.memory_space<hbm>>
    tpu.enqueue_dma source(%dma_start3A_66 : memref<384xi32, #tpu.memory_space<hbm>>) target(%dma_start3A_65 : memref<384xi32, #tpu.memory_space<vmem>>) target_semaphore(%arg35 : memref<!tpu.dma_semaphore, #tpu.memory_space<semaphore_mem>>)
    %dma_wait3A = arith.constant 0 : i32
    %dma_wait3A_67 = tpu.memref_slice %arg2[%dma_wait3A] : memref<1327104xi32, #tpu.memory_space<hbm>> -> memref<384xi32, #tpu.memory_space<hbm>>
    %dma_wait3A_68 = arith.constant 0 : i32
    %dma_wait3A_69 = tpu.memref_slice %arg2[%dma_wait3A_68] : memref<1327104xi32, #tpu.memory_space<hbm>> -> memref<384xi32, #tpu.memory_space<hbm>>
    tpu.wait_dma2 semaphore(%arg32 : memref<!tpu.dma_semaphore, #tpu.memory_space<semaphore_mem>>) src(%dma_wait3A_69 : memref<384xi32, #tpu.memory_space<hbm>>) dst(%arg10 : memref<384xi32, #tpu.memory_space<vmem>>)
    %dma_wait3A_70 = arith.constant 0 : i32
    %dma_wait3A_71 = arith.constant 0 : i32
    %dma_wait3A_72 = tpu.memref_slice %arg14[%dma_wait3A_70, %dma_wait3A_71] : memref<1x384xi32, #tpu.memory_space<vmem>> -> memref<1x384xi32, #tpu.memory_space<vmem>>
    %dma_wait3A_73 = tpu.memref_squeeze %dma_wait3A_72 : memref<1x384xi32, #tpu.memory_space<vmem>> -> memref<384xi32, #tpu.memory_space<vmem>>
    %dma_wait3A_74 = arith.constant 0 : i32
    %dma_wait3A_75 = tpu.memref_slice %arg3[%dma_wait3A_74] : memref<1327104xi32, #tpu.memory_space<hbm>> -> memref<384xi32, #tpu.memory_space<hbm>>
    %dma_wait3A_76 = arith.constant 0 : i32
    %dma_wait3A_77 = tpu.memref_slice %arg14[%dma_wait3A_70, %dma_wait3A_76] : memref<1x384xi32, #tpu.memory_space<vmem>> -> memref<1x384xi32, #tpu.memory_space<vmem>>
    %dma_wait3A_78 = tpu.memref_squeeze %dma_wait3A_77 : memref<1x384xi32, #tpu.memory_space<vmem>> -> memref<384xi32, #tpu.memory_space<vmem>>
    %dma_wait3A_79 = arith.constant 0 : i32
    %dma_wait3A_80 = tpu.memref_slice %arg3[%dma_wait3A_79] : memref<1327104xi32, #tpu.memory_space<hbm>> -> memref<384xi32, #tpu.memory_space<hbm>>
    tpu.wait_dma2 semaphore(%arg32 : memref<!tpu.dma_semaphore, #tpu.memory_space<semaphore_mem>>) src(%dma_wait3A_80 : memref<384xi32, #tpu.memory_space<hbm>>) dst(%dma_wait3A_78 : memref<384xi32, #tpu.memory_space<vmem>>)
    %dma_start3A_81 = arith.constant 0 : i32
    %dma_start3A_82 = arith.constant 0 : i32
    %dma_start3A_83 = tpu.memref_slice %arg4[%dma_start3A_81, %dma_start3A_82] : memref<40960x16xf32, #tpu.memory_space<hbm>> -> memref<40960x16xf32, #tpu.memory_space<hbm>>
    tpu.enqueue_indirect_dma source(%dma_start3A_83 : memref<40960x16xf32, #tpu.memory_space<hbm>>) target(%arg18 : memref<384x16xf32, #tpu.memory_space<vmem>>) offsets(%arg10 : memref<384xi32, #tpu.memory_space<vmem>>) semaphore(%arg36 : memref<!tpu.dma_semaphore, #tpu.memory_space<semaphore_mem>>)
    %dma_start3A_84 = arith.constant 0 : i32
    %dma_start3A_85 = arith.constant 0 : i32
    %dma_start3A_86 = tpu.memref_slice %arg14[%dma_start3A_84, %dma_start3A_85] : memref<1x384xi32, #tpu.memory_space<vmem>> -> memref<1x384xi32, #tpu.memory_space<vmem>>
    %dma_start3A_87 = tpu.memref_squeeze %dma_start3A_86 : memref<1x384xi32, #tpu.memory_space<vmem>> -> memref<384xi32, #tpu.memory_space<vmem>>
    %dma_start3A_88 = arith.constant 0 : i32
    %dma_start3A_89 = arith.constant 0 : i32
    %dma_start3A_90 = tpu.memref_slice %arg5[%dma_start3A_88, %dma_start3A_89] : memref<40960x16xf32, #tpu.memory_space<hbm>> -> memref<40960x16xf32, #tpu.memory_space<hbm>>
    tpu.enqueue_indirect_dma source(%dma_start3A_90 : memref<40960x16xf32, #tpu.memory_space<hbm>>) target(%arg22 : memref<384x16xf32, #tpu.memory_space<vmem>>) offsets(%dma_start3A_87 : memref<384xi32, #tpu.memory_space<vmem>>) semaphore(%arg36 : memref<!tpu.dma_semaphore, #tpu.memory_space<semaphore_mem>>)
    %dma_wait3A_91 = arith.constant 0 : i32
    %dma_wait3A_92 = tpu.memref_slice %arg2[%dma_wait3A_91] : memref<1327104xi32, #tpu.memory_space<hbm>> -> memref<384xi32, #tpu.memory_space<hbm>>
    %dma_wait3A_93 = arith.constant 0 : i32
    %dma_wait3A_94 = tpu.memref_slice %arg2[%dma_wait3A_93] : memref<1327104xi32, #tpu.memory_space<hbm>> -> memref<384xi32, #tpu.memory_space<hbm>>
    tpu.wait_dma2 semaphore(%arg33 : memref<!tpu.dma_semaphore, #tpu.memory_space<semaphore_mem>>) src(%dma_wait3A_94 : memref<384xi32, #tpu.memory_space<hbm>>) dst(%arg11 : memref<384xi32, #tpu.memory_space<vmem>>)
    %dma_wait3A_95 = arith.constant 0 : i32
    %dma_wait3A_96 = arith.constant 0 : i32
    %dma_wait3A_97 = tpu.memref_slice %arg15[%dma_wait3A_95, %dma_wait3A_96] : memref<1x384xi32, #tpu.memory_space<vmem>> -> memref<1x384xi32, #tpu.memory_space<vmem>>
    %dma_wait3A_98 = tpu.memref_squeeze %dma_wait3A_97 : memref<1x384xi32, #tpu.memory_space<vmem>> -> memref<384xi32, #tpu.memory_space<vmem>>
    %dma_wait3A_99 = arith.constant 0 : i32
    %dma_wait3A_100 = tpu.memref_slice %arg3[%dma_wait3A_99] : memref<1327104xi32, #tpu.memory_space<hbm>> -> memref<384xi32, #tpu.memory_space<hbm>>
    %dma_wait3A_101 = arith.constant 0 : i32
    %dma_wait3A_102 = tpu.memref_slice %arg15[%dma_wait3A_95, %dma_wait3A_101] : memref<1x384xi32, #tpu.memory_space<vmem>> -> memref<1x384xi32, #tpu.memory_space<vmem>>
    %dma_wait3A_103 = tpu.memref_squeeze %dma_wait3A_102 : memref<1x384xi32, #tpu.memory_space<vmem>> -> memref<384xi32, #tpu.memory_space<vmem>>
    %dma_wait3A_104 = arith.constant 0 : i32
    %dma_wait3A_105 = tpu.memref_slice %arg3[%dma_wait3A_104] : memref<1327104xi32, #tpu.memory_space<hbm>> -> memref<384xi32, #tpu.memory_space<hbm>>
    tpu.wait_dma2 semaphore(%arg33 : memref<!tpu.dma_semaphore, #tpu.memory_space<semaphore_mem>>) src(%dma_wait3A_105 : memref<384xi32, #tpu.memory_space<hbm>>) dst(%dma_wait3A_103 : memref<384xi32, #tpu.memory_space<vmem>>)
    %dma_start3A_106 = arith.constant 0 : i32
    %dma_start3A_107 = arith.constant 0 : i32
    %dma_start3A_108 = tpu.memref_slice %arg4[%dma_start3A_106, %dma_start3A_107] : memref<40960x16xf32, #tpu.memory_space<hbm>> -> memref<40960x16xf32, #tpu.memory_space<hbm>>
    tpu.enqueue_indirect_dma source(%dma_start3A_108 : memref<40960x16xf32, #tpu.memory_space<hbm>>) target(%arg19 : memref<384x16xf32, #tpu.memory_space<vmem>>) offsets(%arg11 : memref<384xi32, #tpu.memory_space<vmem>>) semaphore(%arg37 : memref<!tpu.dma_semaphore, #tpu.memory_space<semaphore_mem>>)
    %dma_start3A_109 = arith.constant 0 : i32
    %dma_start3A_110 = arith.constant 0 : i32
    %dma_start3A_111 = tpu.memref_slice %arg15[%dma_start3A_109, %dma_start3A_110] : memref<1x384xi32, #tpu.memory_space<vmem>> -> memref<1x384xi32, #tpu.memory_space<vmem>>
    %dma_start3A_112 = tpu.memref_squeeze %dma_start3A_111 : memref<1x384xi32, #tpu.memory_space<vmem>> -> memref<384xi32, #tpu.memory_space<vmem>>
    %dma_start3A_113 = arith.constant 0 : i32
    %dma_start3A_114 = arith.constant 0 : i32
    %dma_start3A_115 = tpu.memref_slice %arg5[%dma_start3A_113, %dma_start3A_114] : memref<40960x16xf32, #tpu.memory_space<hbm>> -> memref<40960x16xf32, #tpu.memory_space<hbm>>
    tpu.enqueue_indirect_dma source(%dma_start3A_115 : memref<40960x16xf32, #tpu.memory_space<hbm>>) target(%arg23 : memref<384x16xf32, #tpu.memory_space<vmem>>) offsets(%dma_start3A_112 : memref<384xi32, #tpu.memory_space<vmem>>) semaphore(%arg37 : memref<!tpu.dma_semaphore, #tpu.memory_space<semaphore_mem>>)
    %dma_wait3A_116 = arith.constant 0 : i32
    %dma_wait3A_117 = tpu.memref_slice %arg2[%dma_wait3A_116] : memref<1327104xi32, #tpu.memory_space<hbm>> -> memref<384xi32, #tpu.memory_space<hbm>>
    %dma_wait3A_118 = arith.constant 0 : i32
    %dma_wait3A_119 = tpu.memref_slice %arg2[%dma_wait3A_118] : memref<1327104xi32, #tpu.memory_space<hbm>> -> memref<384xi32, #tpu.memory_space<hbm>>
    tpu.wait_dma2 semaphore(%arg34 : memref<!tpu.dma_semaphore, #tpu.memory_space<semaphore_mem>>) src(%dma_wait3A_119 : memref<384xi32, #tpu.memory_space<hbm>>) dst(%arg12 : memref<384xi32, #tpu.memory_space<vmem>>)
    %dma_wait3A_120 = arith.constant 0 : i32
    %dma_wait3A_121 = arith.constant 0 : i32
    %dma_wait3A_122 = tpu.memref_slice %arg16[%dma_wait3A_120, %dma_wait3A_121] : memref<1x384xi32, #tpu.memory_space<vmem>> -> memref<1x384xi32, #tpu.memory_space<vmem>>
    %dma_wait3A_123 = tpu.memref_squeeze %dma_wait3A_122 : memref<1x384xi32, #tpu.memory_space<vmem>> -> memref<384xi32, #tpu.memory_space<vmem>>
    %dma_wait3A_124 = arith.constant 0 : i32
    %dma_wait3A_125 = tpu.memref_slice %arg3[%dma_wait3A_124] : memref<1327104xi32, #tpu.memory_space<hbm>> -> memref<384xi32, #tpu.memory_space<hbm>>
    %dma_wait3A_126 = arith.constant 0 : i32
    %dma_wait3A_127 = tpu.memref_slice %arg16[%dma_wait3A_120, %dma_wait3A_126] : memref<1x384xi32, #tpu.memory_space<vmem>> -> memref<1x384xi32, #tpu.memory_space<vmem>>
    %dma_wait3A_128 = tpu.memref_squeeze %dma_wait3A_127 : memref<1x384xi32, #tpu.memory_space<vmem>> -> memref<384xi32, #tpu.memory_space<vmem>>
    %dma_wait3A_129 = arith.constant 0 : i32
    %dma_wait3A_130 = tpu.memref_slice %arg3[%dma_wait3A_129] : memref<1327104xi32, #tpu.memory_space<hbm>> -> memref<384xi32, #tpu.memory_space<hbm>>
    tpu.wait_dma2 semaphore(%arg34 : memref<!tpu.dma_semaphore, #tpu.memory_space<semaphore_mem>>) src(%dma_wait3A_130 : memref<384xi32, #tpu.memory_space<hbm>>) dst(%dma_wait3A_128 : memref<384xi32, #tpu.memory_space<vmem>>)
    %dma_start3A_131 = arith.constant 0 : i32
    %dma_start3A_132 = arith.constant 0 : i32
    %dma_start3A_133 = tpu.memref_slice %arg4[%dma_start3A_131, %dma_start3A_132] : memref<40960x16xf32, #tpu.memory_space<hbm>> -> memref<40960x16xf32, #tpu.memory_space<hbm>>
    tpu.enqueue_indirect_dma source(%dma_start3A_133 : memref<40960x16xf32, #tpu.memory_space<hbm>>) target(%arg20 : memref<384x16xf32, #tpu.memory_space<vmem>>) offsets(%arg12 : memref<384xi32, #tpu.memory_space<vmem>>) semaphore(%arg38 : memref<!tpu.dma_semaphore, #tpu.memory_space<semaphore_mem>>)
    %dma_start3A_134 = arith.constant 0 : i32
    %dma_start3A_135 = arith.constant 0 : i32
    %dma_start3A_136 = tpu.memref_slice %arg16[%dma_start3A_134, %dma_start3A_135] : memref<1x384xi32, #tpu.memory_space<vmem>> -> memref<1x384xi32, #tpu.memory_space<vmem>>
    %dma_start3A_137 = tpu.memref_squeeze %dma_start3A_136 : memref<1x384xi32, #tpu.memory_space<vmem>> -> memref<384xi32, #tpu.memory_space<vmem>>
    %dma_start3A_138 = arith.constant 0 : i32
    %dma_start3A_139 = arith.constant 0 : i32
    %dma_start3A_140 = tpu.memref_slice %arg5[%dma_start3A_138, %dma_start3A_139] : memref<40960x16xf32, #tpu.memory_space<hbm>> -> memref<40960x16xf32, #tpu.memory_space<hbm>>
    tpu.enqueue_indirect_dma source(%dma_start3A_140 : memref<40960x16xf32, #tpu.memory_space<hbm>>) target(%arg24 : memref<384x16xf32, #tpu.memory_space<vmem>>) offsets(%dma_start3A_137 : memref<384xi32, #tpu.memory_space<vmem>>) semaphore(%arg38 : memref<!tpu.dma_semaphore, #tpu.memory_space<semaphore_mem>>)
    %scan3A = arith.constant 0 : i32
    %scan3A_141 = arith.constant 27 : i32
    %scan3A_142 = arith.addi %scan3A, %scan3A_141 : i32
    %scan3A_143 = arith.constant 1 : i32
    scf.for %scan3A_167 = %scan3A to %scan3A_142 step %scan3A_143  : i32 {
      %mul3A_168 = arith.constant 1 : i32
      %mul3A_169 = arith.muli %scan3A_167, %mul3A_168 : i32
      %add3A_170 = arith.constant 0 : i32
      %add3A_171 = arith.addi %add3A_170, %mul3A_169 : i32
      %mul3A_172 = arith.constant 4 : i32
      %mul3A_173 = arith.muli %mul3A_172, %add3A_171 : i32
      %add3A_174 = arith.constant 0 : i32
      %add3A_175 = arith.addi %mul3A_173, %add3A_174 : i32
      %dma_wait3A_176 = arith.constant 0 : i32
      %dma_wait3A_177 = arith.constant 0 : i32
      %dma_wait3A_178 = tpu.memref_slice %arg4[%dma_wait3A_176, %dma_wait3A_177] : memref<40960x16xf32, #tpu.memory_space<hbm>> -> memref<40960x16xf32, #tpu.memory_space<hbm>>
      tpu.wait_indirect_dma semaphore(%arg36 : memref<!tpu.dma_semaphore, #tpu.memory_space<semaphore_mem>>) src(%dma_wait3A_178 : memref<40960x16xf32, #tpu.memory_space<hbm>>) dst(%arg18 : memref<384x16xf32, #tpu.memory_space<vmem>>)
      %dma_wait3A_179 = arith.constant 0 : i32
      %dma_wait3A_180 = arith.constant 0 : i32
      %dma_wait3A_181 = tpu.memref_slice %arg14[%dma_wait3A_179, %dma_wait3A_180] : memref<1x384xi32, #tpu.memory_space<vmem>> -> memref<1x384xi32, #tpu.memory_space<vmem>>
      %dma_wait3A_182 = tpu.memref_squeeze %dma_wait3A_181 : memref<1x384xi32, #tpu.memory_space<vmem>> -> memref<384xi32, #tpu.memory_space<vmem>>
      %dma_wait3A_183 = arith.constant 0 : i32
      %dma_wait3A_184 = arith.constant 0 : i32
      %dma_wait3A_185 = tpu.memref_slice %arg5[%dma_wait3A_183, %dma_wait3A_184] : memref<40960x16xf32, #tpu.memory_space<hbm>> -> memref<40960x16xf32, #tpu.memory_space<hbm>>
      tpu.wait_indirect_dma semaphore(%arg36 : memref<!tpu.dma_semaphore, #tpu.memory_space<semaphore_mem>>) src(%dma_wait3A_185 : memref<40960x16xf32, #tpu.memory_space<hbm>>) dst(%arg22 : memref<384x16xf32, #tpu.memory_space<vmem>>)
      %scan3A_186 = arith.constant 0 : i32
      %scan3A_187 = arith.constant 384 : i32
      %scan3A_188 = arith.addi %scan3A_186, %scan3A_187 : i32
      %scan3A_189 = arith.constant 16 : i32
      scf.for %scan3A_386 = %scan3A_186 to %scan3A_188 step %scan3A_189  : i32 {
        %mul3A_387 = arith.constant 1 : i32
        %mul3A_388 = arith.muli %scan3A_386, %mul3A_387 : i32
        %add3A_389 = arith.constant 0 : i32
        %add3A_390 = arith.addi %add3A_389, %mul3A_388 : i32
        %get3A_391 = arith.index_cast %add3A_390 : i32 to index
        %get3A_392 = arith.constant 0 : index
        %get3A_393 = tpu.vector_load %arg18[%get3A_391, %get3A_392] {strides = array<i32>} : memref<384x16xf32, #tpu.memory_space<vmem>>, vector<16xf32>,
        %get3A_394 = arith.index_cast %add3A_390 : i32 to index
        %get3A_395 = arith.constant 0 : index
        %get3A_396 = tpu.vector_load %arg22[%get3A_394, %get3A_395] {strides = array<i32>} : memref<384x16xf32, #tpu.memory_space<vmem>>, vector<16xf32>,
        %add3A_397 = arith.addf %get3A_393, %get3A_396 : vector<16xf32>
        %mul3A_398 = arith.constant 2.000000e-01 : f32
        %mul3A_399 = vector.broadcast %mul3A_398 : f32 to vector<16xf32>
        %mul3A_400 = arith.mulf %add3A_397, %mul3A_399 : vector<16xf32>
        %max3A = arith.maximumf %add3A_397, %mul3A_400 : vector<16xf32>
        %sub3A_401 = arith.subf %max3A, %get3A_7 : vector<16xf32>
        %exp3A = math.exp %sub3A_401 : vector<16xf32>
        %swap3A = arith.index_cast %add3A_390 : i32 to index
        %swap3A_402 = arith.constant 0 : index
        %swap3A_403 = tpu.vector_load %arg30[%swap3A, %swap3A_402] {strides = array<i32>} : memref<384x16xf32, #tpu.memory_space<vmem>>, vector<16xf32>,
        tpu.vector_store %arg30[%swap3A, %swap3A_402], %exp3A {strides = array<i32>} : memref<384x16xf32, #tpu.memory_space<vmem>>, vector<16xf32>,
        %scan3A_404 = arith.constant 1 : i32
        %scan3A_405 = arith.addi %scan3A_386, %scan3A_404 : i32
        %mul3A_406 = arith.constant 1 : i32
        %mul3A_407 = arith.muli %scan3A_405, %mul3A_406 : i32
        %add3A_408 = arith.constant 0 : i32
        %add3A_409 = arith.addi %add3A_408, %mul3A_407 : i32
        %get3A_410 = arith.index_cast %add3A_409 : i32 to index
        %get3A_411 = arith.constant 0 : index
        %get3A_412 = tpu.vector_load %arg18[%get3A_410, %get3A_411] {strides = array<i32>} : memref<384x16xf32, #tpu.memory_space<vmem>>, vector<16xf32>,
        %get3A_413 = arith.index_cast %add3A_409 : i32 to index
        %get3A_414 = arith.constant 0 : index
        %get3A_415 = tpu.vector_load %arg22[%get3A_413, %get3A_414] {strides = array<i32>} : memref<384x16xf32, #tpu.memory_space<vmem>>, vector<16xf32>,
        %add3A_416 = arith.addf %get3A_412, %get3A_415 : vector<16xf32>
        %mul3A_417 = arith.constant 2.000000e-01 : f32
        %mul3A_418 = vector.broadcast %mul3A_417 : f32 to vector<16xf32>
        %mul3A_419 = arith.mulf %add3A_416, %mul3A_418 : vector<16xf32>
        %max3A_420 = arith.maximumf %add3A_416, %mul3A_419 : vector<16xf32>
        %sub3A_421 = arith.subf %max3A_420, %get3A_7 : vector<16xf32>
        %exp3A_422 = math.exp %sub3A_421 : vector<16xf32>
        %swap3A_423 = arith.index_cast %add3A_409 : i32 to index
        %swap3A_424 = arith.constant 0 : index
        %swap3A_425 = tpu.vector_load %arg30[%swap3A_423, %swap3A_424] {strides = array<i32>} : memref<384x16xf32, #tpu.memory_space<vmem>>, vector<16xf32>,
        tpu.vector_store %arg30[%swap3A_423, %swap3A_424], %exp3A_422 {strides = array<i32>} : memref<384x16xf32, #tpu.memory_space<vmem>>, vector<16xf32>,
        %scan3A_426 = arith.constant 2 : i32
        %scan3A_427 = arith.addi %scan3A_386, %scan3A_426 : i32
        %mul3A_428 = arith.constant 1 : i32
        %mul3A_429 = arith.muli %scan3A_427, %mul3A_428 : i32
        %add3A_430 = arith.constant 0 : i32
        %add3A_431 = arith.addi %add3A_430, %mul3A_429 : i32
        %get3A_432 = arith.index_cast %add3A_431 : i32 to index
        %get3A_433 = arith.constant 0 : index
        %get3A_434 = tpu.vector_load %arg18[%get3A_432, %get3A_433] {strides = array<i32>} : memref<384x16xf32, #tpu.memory_space<vmem>>, vector<16xf32>,
        %get3A_435 = arith.index_cast %add3A_431 : i32 to index
        %get3A_436 = arith.constant 0 : index
        %get3A_437 = tpu.vector_load %arg22[%get3A_435, %get3A_436] {strides = array<i32>} : memref<384x16xf32, #tpu.memory_space<vmem>>, vector<16xf32>,
        %add3A_438 = arith.addf %get3A_434, %get3A_437 : vector<16xf32>
        %mul3A_439 = arith.constant 2.000000e-01 : f32
        %mul3A_440 = vector.broadcast %mul3A_439 : f32 to vector<16xf32>
        %mul3A_441 = arith.mulf %add3A_438, %mul3A_440 : vector<16xf32>
        %max3A_442 = arith.maximumf %add3A_438, %mul3A_441 : vector<16xf32>
        %sub3A_443 = arith.subf %max3A_442, %get3A_7 : vector<16xf32>
        %exp3A_444 = math.exp %sub3A_443 : vector<16xf32>
        %swap3A_445 = arith.index_cast %add3A_431 : i32 to index
        %swap3A_446 = arith.constant 0 : index
        %swap3A_447 = tpu.vector_load %arg30[%swap3A_445, %swap3A_446] {strides = array<i32>} : memref<384x16xf32, #tpu.memory_space<vmem>>, vector<16xf32>,
        tpu.vector_store %arg30[%swap3A_445, %swap3A_446], %exp3A_444 {strides = array<i32>} : memref<384x16xf32, #tpu.memory_space<vmem>>, vector<16xf32>,
        %scan3A_448 = arith.constant 3 : i32
        %scan3A_449 = arith.addi %scan3A_386, %scan3A_448 : i32
        %mul3A_450 = arith.constant 1 : i32
        %mul3A_451 = arith.muli %scan3A_449, %mul3A_450 : i32
        %add3A_452 = arith.constant 0 : i32
        %add3A_453 = arith.addi %add3A_452, %mul3A_451 : i32
        %get3A_454 = arith.index_cast %add3A_453 : i32 to index
        %get3A_455 = arith.constant 0 : index
        %get3A_456 = tpu.vector_load %arg18[%get3A_454, %get3A_455] {strides = array<i32>} : memref<384x16xf32, #tpu.memory_space<vmem>>, vector<16xf32>,
        %get3A_457 = arith.index_cast %add3A_453 : i32 to index
        %get3A_458 = arith.constant 0 : index
        %get3A_459 = tpu.vector_load %arg22[%get3A_457, %get3A_458] {strides = array<i32>} : memref<384x16xf32, #tpu.memory_space<vmem>>, vector<16xf32>,
        %add3A_460 = arith.addf %get3A_456, %get3A_459 : vector<16xf32>
        %mul3A_461 = arith.constant 2.000000e-01 : f32
        %mul3A_462 = vector.broadcast %mul3A_461 : f32 to vector<16xf32>
        %mul3A_463 = arith.mulf %add3A_460, %mul3A_462 : vector<16xf32>
        %max3A_464 = arith.maximumf %add3A_460, %mul3A_463 : vector<16xf32>
        %sub3A_465 = arith.subf %max3A_464, %get3A_7 : vector<16xf32>
        %exp3A_466 = math.exp %sub3A_465 : vector<16xf32>
        %swap3A_467 = arith.index_cast %add3A_453 : i32 to index
        %swap3A_468 = arith.constant 0 : index
        %swap3A_469 = tpu.vector_load %arg30[%swap3A_467, %swap3A_468] {strides = array<i32>} : memref<384x16xf32, #tpu.memory_space<vmem>>, vector<16xf32>,
        tpu.vector_store %arg30[%swap3A_467, %swap3A_468], %exp3A_466 {strides = array<i32>} : memref<384x16xf32, #tpu.memory_space<vmem>>, vector<16xf32>,
        %scan3A_470 = arith.constant 4 : i32
        %scan3A_471 = arith.addi %scan3A_386, %scan3A_470 : i32
        %mul3A_472 = arith.constant 1 : i32
        %mul3A_473 = arith.muli %scan3A_471, %mul3A_472 : i32
        %add3A_474 = arith.constant 0 : i32
        %add3A_475 = arith.addi %add3A_474, %mul3A_473 : i32
        %get3A_476 = arith.index_cast %add3A_475 : i32 to index
        %get3A_477 = arith.constant 0 : index
        %get3A_478 = tpu.vector_load %arg18[%get3A_476, %get3A_477] {strides = array<i32>} : memref<384x16xf32, #tpu.memory_space<vmem>>, vector<16xf32>,
        %get3A_479 = arith.index_cast %add3A_475 : i32 to index
        %get3A_480 = arith.constant 0 : index
        %get3A_481 = tpu.vector_load %arg22[%get3A_479, %get3A_480] {strides = array<i32>} : memref<384x16xf32, #tpu.memory_space<vmem>>, vector<16xf32>,
        %add3A_482 = arith.addf %get3A_478, %get3A_481 : vector<16xf32>
        %mul3A_483 = arith.constant 2.000000e-01 : f32
        %mul3A_484 = vector.broadcast %mul3A_483 : f32 to vector<16xf32>
        %mul3A_485 = arith.mulf %add3A_482, %mul3A_484 : vector<16xf32>
        %max3A_486 = arith.maximumf %add3A_482, %mul3A_485 : vector<16xf32>
        %sub3A_487 = arith.subf %max3A_486, %get3A_7 : vector<16xf32>
        %exp3A_488 = math.exp %sub3A_487 : vector<16xf32>
        %swap3A_489 = arith.index_cast %add3A_475 : i32 to index
        %swap3A_490 = arith.constant 0 : index
        %swap3A_491 = tpu.vector_load %arg30[%swap3A_489, %swap3A_490] {strides = array<i32>} : memref<384x16xf32, #tpu.memory_space<vmem>>, vector<16xf32>,
        tpu.vector_store %arg30[%swap3A_489, %swap3A_490], %exp3A_488 {strides = array<i32>} : memref<384x16xf32, #tpu.memory_space<vmem>>, vector<16xf32>,
        %scan3A_492 = arith.constant 5 : i32
        %scan3A_493 = arith.addi %scan3A_386, %scan3A_492 : i32
        %mul3A_494 = arith.constant 1 : i32
        %mul3A_495 = arith.muli %scan3A_493, %mul3A_494 : i32
        %add3A_496 = arith.constant 0 : i32
        %add3A_497 = arith.addi %add3A_496, %mul3A_495 : i32
        %get3A_498 = arith.index_cast %add3A_497 : i32 to index
        %get3A_499 = arith.constant 0 : index
        %get3A_500 = tpu.vector_load %arg18[%get3A_498, %get3A_499] {strides = array<i32>} : memref<384x16xf32, #tpu.memory_space<vmem>>, vector<16xf32>,
        %get3A_501 = arith.index_cast %add3A_497 : i32 to index
        %get3A_502 = arith.constant 0 : index
        %get3A_503 = tpu.vector_load %arg22[%get3A_501, %get3A_502] {strides = array<i32>} : memref<384x16xf32, #tpu.memory_space<vmem>>, vector<16xf32>,
        %add3A_504 = arith.addf %get3A_500, %get3A_503 : vector<16xf32>
        %mul3A_505 = arith.constant 2.000000e-01 : f32
        %mul3A_506 = vector.broadcast %mul3A_505 : f32 to vector<16xf32>
        %mul3A_507 = arith.mulf %add3A_504, %mul3A_506 : vector<16xf32>
        %max3A_508 = arith.maximumf %add3A_504, %mul3A_507 : vector<16xf32>
        %sub3A_509 = arith.subf %max3A_508, %get3A_7 : vector<16xf32>
        %exp3A_510 = math.exp %sub3A_509 : vector<16xf32>
        %swap3A_511 = arith.index_cast %add3A_497 : i32 to index
        %swap3A_512 = arith.constant 0 : index
        %swap3A_513 = tpu.vector_load %arg30[%swap3A_511, %swap3A_512] {strides = array<i32>} : memref<384x16xf32, #tpu.memory_space<vmem>>, vector<16xf32>,
        tpu.vector_store %arg30[%swap3A_511, %swap3A_512], %exp3A_510 {strides = array<i32>} : memref<384x16xf32, #tpu.memory_space<vmem>>, vector<16xf32>,
        %scan3A_514 = arith.constant 6 : i32
        %scan3A_515 = arith.addi %scan3A_386, %scan3A_514 : i32
        %mul3A_516 = arith.constant 1 : i32
        %mul3A_517 = arith.muli %scan3A_515, %mul3A_516 : i32
        %add3A_518 = arith.constant 0 : i32
        %add3A_519 = arith.addi %add3A_518, %mul3A_517 : i32
        %get3A_520 = arith.index_cast %add3A_519 : i32 to index
        %get3A_521 = arith.constant 0 : index
        %get3A_522 = tpu.vector_load %arg18[%get3A_520, %get3A_521] {strides = array<i32>} : memref<384x16xf32, #tpu.memory_space<vmem>>, vector<16xf32>,
        %get3A_523 = arith.index_cast %add3A_519 : i32 to index
        %get3A_524 = arith.constant 0 : index
        %get3A_525 = tpu.vector_load %arg22[%get3A_523, %get3A_524] {strides = array<i32>} : memref<384x16xf32, #tpu.memory_space<vmem>>, vector<16xf32>,
        %add3A_526 = arith.addf %get3A_522, %get3A_525 : vector<16xf32>
        %mul3A_527 = arith.constant 2.000000e-01 : f32
        %mul3A_528 = vector.broadcast %mul3A_527 : f32 to vector<16xf32>
        %mul3A_529 = arith.mulf %add3A_526, %mul3A_528 : vector<16xf32>
        %max3A_530 = arith.maximumf %add3A_526, %mul3A_529 : vector<16xf32>
        %sub3A_531 = arith.subf %max3A_530, %get3A_7 : vector<16xf32>
        %exp3A_532 = math.exp %sub3A_531 : vector<16xf32>
        %swap3A_533 = arith.index_cast %add3A_519 : i32 to index
        %swap3A_534 = arith.constant 0 : index
        %swap3A_535 = tpu.vector_load %arg30[%swap3A_533, %swap3A_534] {strides = array<i32>} : memref<384x16xf32, #tpu.memory_space<vmem>>, vector<16xf32>,
        tpu.vector_store %arg30[%swap3A_533, %swap3A_534], %exp3A_532 {strides = array<i32>} : memref<384x16xf32, #tpu.memory_space<vmem>>, vector<16xf32>,
        %scan3A_536 = arith.constant 7 : i32
        %scan3A_537 = arith.addi %scan3A_386, %scan3A_536 : i32
        %mul3A_538 = arith.constant 1 : i32
        %mul3A_539 = arith.muli %scan3A_537, %mul3A_538 : i32
        %add3A_540 = arith.constant 0 : i32
        %add3A_541 = arith.addi %add3A_540, %mul3A_539 : i32
        %get3A_542 = arith.index_cast %add3A_541 : i32 to index
        %get3A_543 = arith.constant 0 : index
        %get3A_544 = tpu.vector_load %arg18[%get3A_542, %get3A_543] {strides = array<i32>} : memref<384x16xf32, #tpu.memory_space<vmem>>, vector<16xf32>,
        %get3A_545 = arith.index_cast %add3A_541 : i32 to index
        %get3A_546 = arith.constant 0 : index
        %get3A_547 = tpu.vector_load %arg22[%get3A_545, %get3A_546] {strides = array<i32>} : memref<384x16xf32, #tpu.memory_space<vmem>>, vector<16xf32>,
        %add3A_548 = arith.addf %get3A_544, %get3A_547 : vector<16xf32>
        %mul3A_549 = arith.constant 2.000000e-01 : f32
        %mul3A_550 = vector.broadcast %mul3A_549 : f32 to vector<16xf32>
        %mul3A_551 = arith.mulf %add3A_548, %mul3A_550 : vector<16xf32>
        %max3A_552 = arith.maximumf %add3A_548, %mul3A_551 : vector<16xf32>
        %sub3A_553 = arith.subf %max3A_552, %get3A_7 : vector<16xf32>
        %exp3A_554 = math.exp %sub3A_553 : vector<16xf32>
        %swap3A_555 = arith.index_cast %add3A_541 : i32 to index
        %swap3A_556 = arith.constant 0 : index
        %swap3A_557 = tpu.vector_load %arg30[%swap3A_555, %swap3A_556] {strides = array<i32>} : memref<384x16xf32, #tpu.memory_space<vmem>>, vector<16xf32>,
        tpu.vector_store %arg30[%swap3A_555, %swap3A_556], %exp3A_554 {strides = array<i32>} : memref<384x16xf32, #tpu.memory_space<vmem>>, vector<16xf32>,
        %scan3A_558 = arith.constant 8 : i32
        %scan3A_559 = arith.addi %scan3A_386, %scan3A_558 : i32
        %mul3A_560 = arith.constant 1 : i32
        %mul3A_561 = arith.muli %scan3A_559, %mul3A_560 : i32
        %add3A_562 = arith.constant 0 : i32
        %add3A_563 = arith.addi %add3A_562, %mul3A_561 : i32
        %get3A_564 = arith.index_cast %add3A_563 : i32 to index
        %get3A_565 = arith.constant 0 : index
        %get3A_566 = tpu.vector_load %arg18[%get3A_564, %get3A_565] {strides = array<i32>} : memref<384x16xf32, #tpu.memory_space<vmem>>, vector<16xf32>,
        %get3A_567 = arith.index_cast %add3A_563 : i32 to index
        %get3A_568 = arith.constant 0 : index
        %get3A_569 = tpu.vector_load %arg22[%get3A_567, %get3A_568] {strides = array<i32>} : memref<384x16xf32, #tpu.memory_space<vmem>>, vector<16xf32>,
        %add3A_570 = arith.addf %get3A_566, %get3A_569 : vector<16xf32>
        %mul3A_571 = arith.constant 2.000000e-01 : f32
        %mul3A_572 = vector.broadcast %mul3A_571 : f32 to vector<16xf32>
        %mul3A_573 = arith.mulf %add3A_570, %mul3A_572 : vector<16xf32>
        %max3A_574 = arith.maximumf %add3A_570, %mul3A_573 : vector<16xf32>
        %sub3A_575 = arith.subf %max3A_574, %get3A_7 : vector<16xf32>
        %exp3A_576 = math.exp %sub3A_575 : vector<16xf32>
        %swap3A_577 = arith.index_cast %add3A_563 : i32 to index
        %swap3A_578 = arith.constant 0 : index
        %swap3A_579 = tpu.vector_load %arg30[%swap3A_577, %swap3A_578] {strides = array<i32>} : memref<384x16xf32, #tpu.memory_space<vmem>>, vector<16xf32>,
        tpu.vector_store %arg30[%swap3A_577, %swap3A_578], %exp3A_576 {strides = array<i32>} : memref<384x16xf32, #tpu.memory_space<vmem>>, vector<16xf32>,
        %scan3A_580 = arith.constant 9 : i32
        %scan3A_581 = arith.addi %scan3A_386, %scan3A_580 : i32
        %mul3A_582 = arith.constant 1 : i32
        %mul3A_583 = arith.muli %scan3A_581, %mul3A_582 : i32
        %add3A_584 = arith.constant 0 : i32
        %add3A_585 = arith.addi %add3A_584, %mul3A_583 : i32
        %get3A_586 = arith.index_cast %add3A_585 : i32 to index
        %get3A_587 = arith.constant 0 : index
        %get3A_588 = tpu.vector_load %arg18[%get3A_586, %get3A_587] {strides = array<i32>} : memref<384x16xf32, #tpu.memory_space<vmem>>, vector<16xf32>,
        %get3A_589 = arith.index_cast %add3A_585 : i32 to index
        %get3A_590 = arith.constant 0 : index
        %get3A_591 = tpu.vector_load %arg22[%get3A_589, %get3A_590] {strides = array<i32>} : memref<384x16xf32, #tpu.memory_space<vmem>>, vector<16xf32>,
        %add3A_592 = arith.addf %get3A_588, %get3A_591 : vector<16xf32>
        %mul3A_593 = arith.constant 2.000000e-01 : f32
        %mul3A_594 = vector.broadcast %mul3A_593 : f32 to vector<16xf32>
        %mul3A_595 = arith.mulf %add3A_592, %mul3A_594 : vector<16xf32>
        %max3A_596 = arith.maximumf %add3A_592, %mul3A_595 : vector<16xf32>
        %sub3A_597 = arith.subf %max3A_596, %get3A_7 : vector<16xf32>
        %exp3A_598 = math.exp %sub3A_597 : vector<16xf32>
        %swap3A_599 = arith.index_cast %add3A_585 : i32 to index
        %swap3A_600 = arith.constant 0 : index
        %swap3A_601 = tpu.vector_load %arg30[%swap3A_599, %swap3A_600] {strides = array<i32>} : memref<384x16xf32, #tpu.memory_space<vmem>>, vector<16xf32>,
        tpu.vector_store %arg30[%swap3A_599, %swap3A_600], %exp3A_598 {strides = array<i32>} : memref<384x16xf32, #tpu.memory_space<vmem>>, vector<16xf32>,
        %scan3A_602 = arith.constant 10 : i32
        %scan3A_603 = arith.addi %scan3A_386, %scan3A_602 : i32
        %mul3A_604 = arith.constant 1 : i32
        %mul3A_605 = arith.muli %scan3A_603, %mul3A_604 : i32
        %add3A_606 = arith.constant 0 : i32
        %add3A_607 = arith.addi %add3A_606, %mul3A_605 : i32
        %get3A_608 = arith.index_cast %add3A_607 : i32 to index
        %get3A_609 = arith.constant 0 : index
        %get3A_610 = tpu.vector_load %arg18[%get3A_608, %get3A_609] {strides = array<i32>} : memref<384x16xf32, #tpu.memory_space<vmem>>, vector<16xf32>,
        %get3A_611 = arith.index_cast %add3A_607 : i32 to index
        %get3A_612 = arith.constant 0 : index
        %get3A_613 = tpu.vector_load %arg22[%get3A_611, %get3A_612] {strides = array<i32>} : memref<384x16xf32, #tpu.memory_space<vmem>>, vector<16xf32>,
        %add3A_614 = arith.addf %get3A_610, %get3A_613 : vector<16xf32>
        %mul3A_615 = arith.constant 2.000000e-01 : f32
        %mul3A_616 = vector.broadcast %mul3A_615 : f32 to vector<16xf32>
        %mul3A_617 = arith.mulf %add3A_614, %mul3A_616 : vector<16xf32>
        %max3A_618 = arith.maximumf %add3A_614, %mul3A_617 : vector<16xf32>
        %sub3A_619 = arith.subf %max3A_618, %get3A_7 : vector<16xf32>
        %exp3A_620 = math.exp %sub3A_619 : vector<16xf32>
        %swap3A_621 = arith.index_cast %add3A_607 : i32 to index
        %swap3A_622 = arith.constant 0 : index
        %swap3A_623 = tpu.vector_load %arg30[%swap3A_621, %swap3A_622] {strides = array<i32>} : memref<384x16xf32, #tpu.memory_space<vmem>>, vector<16xf32>,
        tpu.vector_store %arg30[%swap3A_621, %swap3A_622], %exp3A_620 {strides = array<i32>} : memref<384x16xf32, #tpu.memory_space<vmem>>, vector<16xf32>,
        %scan3A_624 = arith.constant 11 : i32
        %scan3A_625 = arith.addi %scan3A_386, %scan3A_624 : i32
        %mul3A_626 = arith.constant 1 : i32
        %mul3A_627 = arith.muli %scan3A_625, %mul3A_626 : i32
        %add3A_628 = arith.constant 0 : i32
        %add3A_629 = arith.addi %add3A_628, %mul3A_627 : i32
        %get3A_630 = arith.index_cast %add3A_629 : i32 to index
        %get3A_631 = arith.constant 0 : index
        %get3A_632 = tpu.vector_load %arg18[%get3A_630, %get3A_631] {strides = array<i32>} : memref<384x16xf32, #tpu.memory_space<vmem>>, vector<16xf32>,
        %get3A_633 = arith.index_cast %add3A_629 : i32 to index
        %get3A_634 = arith.constant 0 : index
        %get3A_635 = tpu.vector_load %arg22[%get3A_633, %get3A_634] {strides = array<i32>} : memref<384x16xf32, #tpu.memory_space<vmem>>, vector<16xf32>,
        %add3A_636 = arith.addf %get3A_632, %get3A_635 : vector<16xf32>
        %mul3A_637 = arith.constant 2.000000e-01 : f32
        %mul3A_638 = vector.broadcast %mul3A_637 : f32 to vector<16xf32>
        %mul3A_639 = arith.mulf %add3A_636, %mul3A_638 : vector<16xf32>
        %max3A_640 = arith.maximumf %add3A_636, %mul3A_639 : vector<16xf32>
        %sub3A_641 = arith.subf %max3A_640, %get3A_7 : vector<16xf32>
        %exp3A_642 = math.exp %sub3A_641 : vector<16xf32>
        %swap3A_643 = arith.index_cast %add3A_629 : i32 to index
        %swap3A_644 = arith.constant 0 : index
        %swap3A_645 = tpu.vector_load %arg30[%swap3A_643, %swap3A_644] {strides = array<i32>} : memref<384x16xf32, #tpu.memory_space<vmem>>, vector<16xf32>,
        tpu.vector_store %arg30[%swap3A_643, %swap3A_644], %exp3A_642 {strides = array<i32>} : memref<384x16xf32, #tpu.memory_space<vmem>>, vector<16xf32>,
        %scan3A_646 = arith.constant 12 : i32
        %scan3A_647 = arith.addi %scan3A_386, %scan3A_646 : i32
        %mul3A_648 = arith.constant 1 : i32
        %mul3A_649 = arith.muli %scan3A_647, %mul3A_648 : i32
        %add3A_650 = arith.constant 0 : i32
        %add3A_651 = arith.addi %add3A_650, %mul3A_649 : i32
        %get3A_652 = arith.index_cast %add3A_651 : i32 to index
        %get3A_653 = arith.constant 0 : index
        %get3A_654 = tpu.vector_load %arg18[%get3A_652, %get3A_653] {strides = array<i32>} : memref<384x16xf32, #tpu.memory_space<vmem>>, vector<16xf32>,
        %get3A_655 = arith.index_cast %add3A_651 : i32 to index
        %get3A_656 = arith.constant 0 : index
        %get3A_657 = tpu.vector_load %arg22[%get3A_655, %get3A_656] {strides = array<i32>} : memref<384x16xf32, #tpu.memory_space<vmem>>, vector<16xf32>,
        %add3A_658 = arith.addf %get3A_654, %get3A_657 : vector<16xf32>
        %mul3A_659 = arith.constant 2.000000e-01 : f32
        %mul3A_660 = vector.broadcast %mul3A_659 : f32 to vector<16xf32>
        %mul3A_661 = arith.mulf %add3A_658, %mul3A_660 : vector<16xf32>
        %max3A_662 = arith.maximumf %add3A_658, %mul3A_661 : vector<16xf32>
        %sub3A_663 = arith.subf %max3A_662, %get3A_7 : vector<16xf32>
        %exp3A_664 = math.exp %sub3A_663 : vector<16xf32>
        %swap3A_665 = arith.index_cast %add3A_651 : i32 to index
        %swap3A_666 = arith.constant 0 : index
        %swap3A_667 = tpu.vector_load %arg30[%swap3A_665, %swap3A_666] {strides = array<i32>} : memref<384x16xf32, #tpu.memory_space<vmem>>, vector<16xf32>,
        tpu.vector_store %arg30[%swap3A_665, %swap3A_666], %exp3A_664 {strides = array<i32>} : memref<384x16xf32, #tpu.memory_space<vmem>>, vector<16xf32>,
        %scan3A_668 = arith.constant 13 : i32
        %scan3A_669 = arith.addi %scan3A_386, %scan3A_668 : i32
        %mul3A_670 = arith.constant 1 : i32
        %mul3A_671 = arith.muli %scan3A_669, %mul3A_670 : i32
        %add3A_672 = arith.constant 0 : i32
        %add3A_673 = arith.addi %add3A_672, %mul3A_671 : i32
        %get3A_674 = arith.index_cast %add3A_673 : i32 to index
        %get3A_675 = arith.constant 0 : index
        %get3A_676 = tpu.vector_load %arg18[%get3A_674, %get3A_675] {strides = array<i32>} : memref<384x16xf32, #tpu.memory_space<vmem>>, vector<16xf32>,
        %get3A_677 = arith.index_cast %add3A_673 : i32 to index
        %get3A_678 = arith.constant 0 : index
        %get3A_679 = tpu.vector_load %arg22[%get3A_677, %get3A_678] {strides = array<i32>} : memref<384x16xf32, #tpu.memory_space<vmem>>, vector<16xf32>,
        %add3A_680 = arith.addf %get3A_676, %get3A_679 : vector<16xf32>
        %mul3A_681 = arith.constant 2.000000e-01 : f32
        %mul3A_682 = vector.broadcast %mul3A_681 : f32 to vector<16xf32>
        %mul3A_683 = arith.mulf %add3A_680, %mul3A_682 : vector<16xf32>
        %max3A_684 = arith.maximumf %add3A_680, %mul3A_683 : vector<16xf32>
        %sub3A_685 = arith.subf %max3A_684, %get3A_7 : vector<16xf32>
        %exp3A_686 = math.exp %sub3A_685 : vector<16xf32>
        %swap3A_687 = arith.index_cast %add3A_673 : i32 to index
        %swap3A_688 = arith.constant 0 : index
        %swap3A_689 = tpu.vector_load %arg30[%swap3A_687, %swap3A_688] {strides = array<i32>} : memref<384x16xf32, #tpu.memory_space<vmem>>, vector<16xf32>,
        tpu.vector_store %arg30[%swap3A_687, %swap3A_688], %exp3A_686 {strides = array<i32>} : memref<384x16xf32, #tpu.memory_space<vmem>>, vector<16xf32>,
        %scan3A_690 = arith.constant 14 : i32
        %scan3A_691 = arith.addi %scan3A_386, %scan3A_690 : i32
        %mul3A_692 = arith.constant 1 : i32
        %mul3A_693 = arith.muli %scan3A_691, %mul3A_692 : i32
        %add3A_694 = arith.constant 0 : i32
        %add3A_695 = arith.addi %add3A_694, %mul3A_693 : i32
        %get3A_696 = arith.index_cast %add3A_695 : i32 to index
        %get3A_697 = arith.constant 0 : index
        %get3A_698 = tpu.vector_load %arg18[%get3A_696, %get3A_697] {strides = array<i32>} : memref<384x16xf32, #tpu.memory_space<vmem>>, vector<16xf32>,
        %get3A_699 = arith.index_cast %add3A_695 : i32 to index
        %get3A_700 = arith.constant 0 : index
        %get3A_701 = tpu.vector_load %arg22[%get3A_699, %get3A_700] {strides = array<i32>} : memref<384x16xf32, #tpu.memory_space<vmem>>, vector<16xf32>,
        %add3A_702 = arith.addf %get3A_698, %get3A_701 : vector<16xf32>
        %mul3A_703 = arith.constant 2.000000e-01 : f32
        %mul3A_704 = vector.broadcast %mul3A_703 : f32 to vector<16xf32>
        %mul3A_705 = arith.mulf %add3A_702, %mul3A_704 : vector<16xf32>
        %max3A_706 = arith.maximumf %add3A_702, %mul3A_705 : vector<16xf32>
        %sub3A_707 = arith.subf %max3A_706, %get3A_7 : vector<16xf32>
        %exp3A_708 = math.exp %sub3A_707 : vector<16xf32>
        %swap3A_709 = arith.index_cast %add3A_695 : i32 to index
        %swap3A_710 = arith.constant 0 : index
        %swap3A_711 = tpu.vector_load %arg30[%swap3A_709, %swap3A_710] {strides = array<i32>} : memref<384x16xf32, #tpu.memory_space<vmem>>, vector<16xf32>,
        tpu.vector_store %arg30[%swap3A_709, %swap3A_710], %exp3A_708 {strides = array<i32>} : memref<384x16xf32, #tpu.memory_space<vmem>>, vector<16xf32>,
        %scan3A_712 = arith.constant 15 : i32
        %scan3A_713 = arith.addi %scan3A_386, %scan3A_712 : i32
        %mul3A_714 = arith.constant 1 : i32
        %mul3A_715 = arith.muli %scan3A_713, %mul3A_714 : i32
        %add3A_716 = arith.constant 0 : i32
        %add3A_717 = arith.addi %add3A_716, %mul3A_715 : i32
        %get3A_718 = arith.index_cast %add3A_717 : i32 to index
        %get3A_719 = arith.constant 0 : index
        %get3A_720 = tpu.vector_load %arg18[%get3A_718, %get3A_719] {strides = array<i32>} : memref<384x16xf32, #tpu.memory_space<vmem>>, vector<16xf32>,
        %get3A_721 = arith.index_cast %add3A_717 : i32 to index
        %get3A_722 = arith.constant 0 : index
        %get3A_723 = tpu.vector_load %arg22[%get3A_721, %get3A_722] {strides = array<i32>} : memref<384x16xf32, #tpu.memory_space<vmem>>, vector<16xf32>,
        %add3A_724 = arith.addf %get3A_720, %get3A_723 : vector<16xf32>
        %mul3A_725 = arith.constant 2.000000e-01 : f32
        %mul3A_726 = vector.broadcast %mul3A_725 : f32 to vector<16xf32>
        %mul3A_727 = arith.mulf %add3A_724, %mul3A_726 : vector<16xf32>
        %max3A_728 = arith.maximumf %add3A_724, %mul3A_727 : vector<16xf32>
        %sub3A_729 = arith.subf %max3A_728, %get3A_7 : vector<16xf32>
        %exp3A_730 = math.exp %sub3A_729 : vector<16xf32>
        %swap3A_731 = arith.index_cast %add3A_717 : i32 to index
        %swap3A_732 = arith.constant 0 : index
        %swap3A_733 = tpu.vector_load %arg30[%swap3A_731, %swap3A_732] {strides = array<i32>} : memref<384x16xf32, #tpu.memory_space<vmem>>, vector<16xf32>,
        tpu.vector_store %arg30[%swap3A_731, %swap3A_732], %exp3A_730 {strides = array<i32>} : memref<384x16xf32, #tpu.memory_space<vmem>>, vector<16xf32>,
      }
      %scan3A_190 = arith.constant 384 : i32
      %run_scoped3A = arith.constant 0 : i32
      "tpu.region"() ({
        %run_scoped3A_386 = tpu.sem_alloc : memref<!tpu.dma_semaphore, #tpu.memory_space<semaphore_mem>>
        %dma_start3A_387 = arith.constant 0 : i32
        %dma_start3A_388 = tpu.memref_slice %arg14[%run_scoped3A, %dma_start3A_387] : memref<1x384xi32, #tpu.memory_space<vmem>> -> memref<1x384xi32, #tpu.memory_space<vmem>>
        %dma_start3A_389 = tpu.memref_squeeze %dma_start3A_388 : memref<1x384xi32, #tpu.memory_space<vmem>> -> memref<384xi32, #tpu.memory_space<vmem>>
        %dma_start3A_390 = arith.constant 0 : i32
        %dma_start3A_391 = arith.constant 0 : i32
        %dma_start3A_392 = tpu.memref_slice %arg44[%dma_start3A_390, %dma_start3A_391] : memref<40960x16xf32, #tpu.memory_space<vmem_shared>> -> memref<40960x16xf32, #tpu.memory_space<vmem_shared>>
        tpu.enqueue_indirect_dma source(%arg30 : memref<384x16xf32, #tpu.memory_space<vmem>>) target(%dma_start3A_392 : memref<40960x16xf32, #tpu.memory_space<vmem_shared>>) offsets(%dma_start3A_389 : memref<384xi32, #tpu.memory_space<vmem>>) semaphore(%run_scoped3A_386 : memref<!tpu.dma_semaphore, #tpu.memory_space<semaphore_mem>>) {add = true}
        %dma_wait3A_393 = arith.constant 0 : i32
        %dma_wait3A_394 = tpu.memref_slice %arg14[%run_scoped3A, %dma_wait3A_393] : memref<1x384xi32, #tpu.memory_space<vmem>> -> memref<1x384xi32, #tpu.memory_space<vmem>>
        %dma_wait3A_395 = tpu.memref_squeeze %dma_wait3A_394 : memref<1x384xi32, #tpu.memory_space<vmem>> -> memref<384xi32, #tpu.memory_space<vmem>>
        %dma_wait3A_396 = arith.constant 0 : i32
        %dma_wait3A_397 = arith.constant 0 : i32
        %dma_wait3A_398 = tpu.memref_slice %arg44[%dma_wait3A_396, %dma_wait3A_397] : memref<40960x16xf32, #tpu.memory_space<vmem_shared>> -> memref<40960x16xf32, #tpu.memory_space<vmem_shared>>
        tpu.wait_indirect_dma semaphore(%run_scoped3A_386 : memref<!tpu.dma_semaphore, #tpu.memory_space<semaphore_mem>>) src(%arg30 : memref<384x16xf32, #tpu.memory_space<vmem>>) dst(%dma_wait3A_398 : memref<40960x16xf32, #tpu.memory_space<vmem_shared>>)
        tpu.yield
      }) : () -> ()
      %ge3A = arith.constant 4 : i32
      %ge3A_191 = arith.cmpi sge, %add3A_175, %ge3A : i32
      %convert_element_type3A = arith.extui %ge3A_191 : i1 to i32
      %cond3A = arith.constant 0 : i32
      %cond3A_192 = arith.cmpi ne, %convert_element_type3A, %cond3A : i32
      scf.if %cond3A_192 {
        %dma_wait3A_386 = arith.constant 0 : i32
        %dma_wait3A_387 = tpu.memref_slice %arg8[%dma_wait3A_386] : memref<5308416xf32, #tpu.memory_space<hbm>> -> memref<1536xf32, #tpu.memory_space<hbm>>
        %dma_wait3A_388 = arith.constant 0 : i32
        %dma_wait3A_389 = tpu.memref_slice %arg8[%dma_wait3A_388] : memref<5308416xf32, #tpu.memory_space<hbm>> -> memref<1536xf32, #tpu.memory_space<hbm>>
        tpu.wait_dma2 semaphore(%arg40 : memref<!tpu.dma_semaphore, #tpu.memory_space<semaphore_mem>>) src(%arg26 : memref<1536xf32, #tpu.memory_space<vmem>>) dst(%dma_wait3A_389 : memref<1536xf32, #tpu.memory_space<hbm>>)
      } else {
      }
      %scan3A_193 = arith.constant 0 : i32
      %scan3A_194 = arith.constant 96 : i32
      %scan3A_195 = arith.addi %scan3A_193, %scan3A_194 : i32
      %scan3A_196 = arith.constant 4 : i32
      scf.for %scan3A_386 = %scan3A_193 to %scan3A_195 step %scan3A_196  : i32 {
        %mul3A_387 = arith.constant 1 : i32
        %mul3A_388 = arith.muli %scan3A_386, %mul3A_387 : i32
        %add3A_389 = arith.constant 0 : i32
        %add3A_390 = arith.addi %add3A_389, %mul3A_388 : i32
        %mul3A_391 = arith.constant 4 : i32
        %mul3A_392 = arith.muli %mul3A_391, %add3A_390 : i32
        %add3A_393 = vector.broadcast %mul3A_392 : i32 to vector<16xi32>
        %add3A_394 = arith.addi %add3A_393, %shift_right_arithmetic3A_4 : vector<16xi32>
        %gather3A = tpu.vector_load_idx %arg30[%add3A_394, %and3A_6] : memref<384x16xf32, #tpu.memory_space<vmem>>[vector<16xi32>, vector<16xi32>], vector<16xf32>,
        %mul3A_395 = arith.constant 16 : i32
        %mul3A_396 = arith.muli %mul3A_395, %add3A_390 : i32
        %swap3A = arith.index_cast %mul3A_396 : i32 to index
        %swap3A_397 = tpu.vector_load %arg26[%swap3A] {strides = array<i32>} : memref<1536xf32, #tpu.memory_space<vmem>>, vector<16xf32>,
        tpu.vector_store %arg26[%swap3A], %gather3A {strides = array<i32>} : memref<1536xf32, #tpu.memory_space<vmem>>, vector<16xf32>,
        %scan3A_398 = arith.constant 1 : i32
        %scan3A_399 = arith.addi %scan3A_386, %scan3A_398 : i32
        %mul3A_400 = arith.constant 1 : i32
        %mul3A_401 = arith.muli %scan3A_399, %mul3A_400 : i32
        %add3A_402 = arith.constant 0 : i32
        %add3A_403 = arith.addi %add3A_402, %mul3A_401 : i32
        %mul3A_404 = arith.constant 4 : i32
        %mul3A_405 = arith.muli %mul3A_404, %add3A_403 : i32
        %add3A_406 = vector.broadcast %mul3A_405 : i32 to vector<16xi32>
        %add3A_407 = arith.addi %add3A_406, %shift_right_arithmetic3A_4 : vector<16xi32>
        %gather3A_408 = tpu.vector_load_idx %arg30[%add3A_407, %and3A_6] : memref<384x16xf32, #tpu.memory_space<vmem>>[vector<16xi32>, vector<16xi32>], vector<16xf32>,
        %mul3A_409 = arith.constant 16 : i32
        %mul3A_410 = arith.muli %mul3A_409, %add3A_403 : i32
        %swap3A_411 = arith.index_cast %mul3A_410 : i32 to index
        %swap3A_412 = tpu.vector_load %arg26[%swap3A_411] {strides = array<i32>} : memref<1536xf32, #tpu.memory_space<vmem>>, vector<16xf32>,
        tpu.vector_store %arg26[%swap3A_411], %gather3A_408 {strides = array<i32>} : memref<1536xf32, #tpu.memory_space<vmem>>, vector<16xf32>,
        %scan3A_413 = arith.constant 2 : i32
        %scan3A_414 = arith.addi %scan3A_386, %scan3A_413 : i32
        %mul3A_415 = arith.constant 1 : i32
        %mul3A_416 = arith.muli %scan3A_414, %mul3A_415 : i32
        %add3A_417 = arith.constant 0 : i32
        %add3A_418 = arith.addi %add3A_417, %mul3A_416 : i32
        %mul3A_419 = arith.constant 4 : i32
        %mul3A_420 = arith.muli %mul3A_419, %add3A_418 : i32
        %add3A_421 = vector.broadcast %mul3A_420 : i32 to vector<16xi32>
        %add3A_422 = arith.addi %add3A_421, %shift_right_arithmetic3A_4 : vector<16xi32>
        %gather3A_423 = tpu.vector_load_idx %arg30[%add3A_422, %and3A_6] : memref<384x16xf32, #tpu.memory_space<vmem>>[vector<16xi32>, vector<16xi32>], vector<16xf32>,
        %mul3A_424 = arith.constant 16 : i32
        %mul3A_425 = arith.muli %mul3A_424, %add3A_418 : i32
        %swap3A_426 = arith.index_cast %mul3A_425 : i32 to index
        %swap3A_427 = tpu.vector_load %arg26[%swap3A_426] {strides = array<i32>} : memref<1536xf32, #tpu.memory_space<vmem>>, vector<16xf32>,
        tpu.vector_store %arg26[%swap3A_426], %gather3A_423 {strides = array<i32>} : memref<1536xf32, #tpu.memory_space<vmem>>, vector<16xf32>,
        %scan3A_428 = arith.constant 3 : i32
        %scan3A_429 = arith.addi %scan3A_386, %scan3A_428 : i32
        %mul3A_430 = arith.constant 1 : i32
        %mul3A_431 = arith.muli %scan3A_429, %mul3A_430 : i32
        %add3A_432 = arith.constant 0 : i32
        %add3A_433 = arith.addi %add3A_432, %mul3A_431 : i32
        %mul3A_434 = arith.constant 4 : i32
        %mul3A_435 = arith.muli %mul3A_434, %add3A_433 : i32
        %add3A_436 = vector.broadcast %mul3A_435 : i32 to vector<16xi32>
        %add3A_437 = arith.addi %add3A_436, %shift_right_arithmetic3A_4 : vector<16xi32>
        %gather3A_438 = tpu.vector_load_idx %arg30[%add3A_437, %and3A_6] : memref<384x16xf32, #tpu.memory_space<vmem>>[vector<16xi32>, vector<16xi32>], vector<16xf32>,
        %mul3A_439 = arith.constant 16 : i32
        %mul3A_440 = arith.muli %mul3A_439, %add3A_433 : i32
        %swap3A_441 = arith.index_cast %mul3A_440 : i32 to index
        %swap3A_442 = tpu.vector_load %arg26[%swap3A_441] {strides = array<i32>} : memref<1536xf32, #tpu.memory_space<vmem>>, vector<16xf32>,
        tpu.vector_store %arg26[%swap3A_441], %gather3A_438 {strides = array<i32>} : memref<1536xf32, #tpu.memory_space<vmem>>, vector<16xf32>,
      }
      %scan3A_197 = arith.constant 96 : i32
      %mul3A_198 = arith.constant 41472 : i32
      %mul3A_199 = arith.muli %add3A, %mul3A_198 : i32
      %mul3A_200 = arith.constant 384 : i32
      %mul3A_201 = arith.muli %add3A_175, %mul3A_200 : i32
      %add3A_202 = arith.addi %mul3A_199, %mul3A_201 : i32
      %mul3A_203 = arith.constant 4 : i32
      %mul3A_204 = arith.muli %mul3A_203, %add3A_202 : i32
      %dma_start3A_205 = tpu.memref_slice %arg8[%mul3A_204] : memref<5308416xf32, #tpu.memory_space<hbm>> -> memref<1536xf32, #tpu.memory_space<hbm>>
      %dma_start3A_206 = tpu.memref_slice %arg8[%mul3A_204] : memref<5308416xf32, #tpu.memory_space<hbm>> -> memref<1536xf32, #tpu.memory_space<hbm>>
      tpu.enqueue_dma source(%arg26 : memref<1536xf32, #tpu.memory_space<vmem>>) target(%dma_start3A_206 : memref<1536xf32, #tpu.memory_space<hbm>>) target_semaphore(%arg40 : memref<!tpu.dma_semaphore, #tpu.memory_space<semaphore_mem>>)
      %add3A_207 = arith.constant 4 : i32
      %add3A_208 = arith.addi %add3A_175, %add3A_207 : i32
      %lt3A = arith.constant 108 : i32
      %lt3A_209 = arith.cmpi slt, %add3A_208, %lt3A : i32
      %convert_element_type3A_210 = arith.extui %lt3A_209 : i1 to i32
      %cond3A_211 = arith.constant 0 : i32
      %cond3A_212 = arith.cmpi ne, %convert_element_type3A_210, %cond3A_211 : i32
      scf.if %cond3A_212 {
        %add3A_386 = arith.constant 4 : i32
        %add3A_387 = arith.addi %add3A_175, %add3A_386 : i32
        %mul3A_388 = arith.constant 41472 : i32
        %mul3A_389 = arith.muli %add3A, %mul3A_388 : i32
        %mul3A_390 = arith.constant 384 : i32
        %mul3A_391 = arith.muli %add3A_387, %mul3A_390 : i32
        %add3A_392 = arith.addi %mul3A_389, %mul3A_391 : i32
        %dma_start3A_393 = tpu.memref_slice %arg2[%add3A_392] : memref<1327104xi32, #tpu.memory_space<hbm>> -> memref<384xi32, #tpu.memory_space<hbm>>
        %dma_start3A_394 = tpu.memref_slice %arg2[%add3A_392] : memref<1327104xi32, #tpu.memory_space<hbm>> -> memref<384xi32, #tpu.memory_space<hbm>>
        tpu.enqueue_dma source(%dma_start3A_394 : memref<384xi32, #tpu.memory_space<hbm>>) target(%arg10 : memref<384xi32, #tpu.memory_space<vmem>>) target_semaphore(%arg32 : memref<!tpu.dma_semaphore, #tpu.memory_space<semaphore_mem>>)
        %dma_start3A_395 = arith.constant 0 : i32
        %dma_start3A_396 = arith.constant 0 : i32
        %dma_start3A_397 = tpu.memref_slice %arg14[%dma_start3A_395, %dma_start3A_396] : memref<1x384xi32, #tpu.memory_space<vmem>> -> memref<1x384xi32, #tpu.memory_space<vmem>>
        %dma_start3A_398 = tpu.memref_squeeze %dma_start3A_397 : memref<1x384xi32, #tpu.memory_space<vmem>> -> memref<384xi32, #tpu.memory_space<vmem>>
        %dma_start3A_399 = tpu.memref_slice %arg3[%add3A_392] : memref<1327104xi32, #tpu.memory_space<hbm>> -> memref<384xi32, #tpu.memory_space<hbm>>
        %dma_start3A_400 = arith.constant 0 : i32
        %dma_start3A_401 = tpu.memref_slice %arg14[%dma_start3A_395, %dma_start3A_400] : memref<1x384xi32, #tpu.memory_space<vmem>> -> memref<1x384xi32, #tpu.memory_space<vmem>>
        %dma_start3A_402 = tpu.memref_squeeze %dma_start3A_401 : memref<1x384xi32, #tpu.memory_space<vmem>> -> memref<384xi32, #tpu.memory_space<vmem>>
        %dma_start3A_403 = tpu.memref_slice %arg3[%add3A_392] : memref<1327104xi32, #tpu.memory_space<hbm>> -> memref<384xi32, #tpu.memory_space<hbm>>
        tpu.enqueue_dma source(%dma_start3A_403 : memref<384xi32, #tpu.memory_space<hbm>>) target(%dma_start3A_402 : memref<384xi32, #tpu.memory_space<vmem>>) target_semaphore(%arg32 : memref<!tpu.dma_semaphore, #tpu.memory_space<semaphore_mem>>)
      } else {
      }
      %add3A_213 = arith.constant 4 : i32
      %add3A_214 = arith.addi %add3A_175, %add3A_213 : i32
      %sub3A = arith.constant 1 : i32
      %sub3A_215 = arith.subi %add3A_214, %sub3A : i32
      %lt3A_216 = arith.constant 108 : i32
      %lt3A_217 = arith.cmpi slt, %sub3A_215, %lt3A_216 : i32
      %convert_element_type3A_218 = arith.extui %lt3A_217 : i1 to i32
      %cond3A_219 = arith.constant 0 : i32
      %cond3A_220 = arith.cmpi ne, %convert_element_type3A_218, %cond3A_219 : i32
      scf.if %cond3A_220 {
        %dma_wait3A_386 = arith.constant 0 : i32
        %dma_wait3A_387 = tpu.memref_slice %arg2[%dma_wait3A_386] : memref<1327104xi32, #tpu.memory_space<hbm>> -> memref<384xi32, #tpu.memory_space<hbm>>
        %dma_wait3A_388 = arith.constant 0 : i32
        %dma_wait3A_389 = tpu.memref_slice %arg2[%dma_wait3A_388] : memref<1327104xi32, #tpu.memory_space<hbm>> -> memref<384xi32, #tpu.memory_space<hbm>>
        tpu.wait_dma2 semaphore(%arg35 : memref<!tpu.dma_semaphore, #tpu.memory_space<semaphore_mem>>) src(%dma_wait3A_389 : memref<384xi32, #tpu.memory_space<hbm>>) dst(%arg13 : memref<384xi32, #tpu.memory_space<vmem>>)
        %dma_wait3A_390 = arith.constant 0 : i32
        %dma_wait3A_391 = arith.constant 0 : i32
        %dma_wait3A_392 = tpu.memref_slice %arg17[%dma_wait3A_390, %dma_wait3A_391] : memref<1x384xi32, #tpu.memory_space<vmem>> -> memref<1x384xi32, #tpu.memory_space<vmem>>
        %dma_wait3A_393 = tpu.memref_squeeze %dma_wait3A_392 : memref<1x384xi32, #tpu.memory_space<vmem>> -> memref<384xi32, #tpu.memory_space<vmem>>
        %dma_wait3A_394 = arith.constant 0 : i32
        %dma_wait3A_395 = tpu.memref_slice %arg3[%dma_wait3A_394] : memref<1327104xi32, #tpu.memory_space<hbm>> -> memref<384xi32, #tpu.memory_space<hbm>>
        %dma_wait3A_396 = arith.constant 0 : i32
        %dma_wait3A_397 = tpu.memref_slice %arg17[%dma_wait3A_390, %dma_wait3A_396] : memref<1x384xi32, #tpu.memory_space<vmem>> -> memref<1x384xi32, #tpu.memory_space<vmem>>
        %dma_wait3A_398 = tpu.memref_squeeze %dma_wait3A_397 : memref<1x384xi32, #tpu.memory_space<vmem>> -> memref<384xi32, #tpu.memory_space<vmem>>
        %dma_wait3A_399 = arith.constant 0 : i32
        %dma_wait3A_400 = tpu.memref_slice %arg3[%dma_wait3A_399] : memref<1327104xi32, #tpu.memory_space<hbm>> -> memref<384xi32, #tpu.memory_space<hbm>>
        tpu.wait_dma2 semaphore(%arg35 : memref<!tpu.dma_semaphore, #tpu.memory_space<semaphore_mem>>) src(%dma_wait3A_400 : memref<384xi32, #tpu.memory_space<hbm>>) dst(%dma_wait3A_398 : memref<384xi32, #tpu.memory_space<vmem>>)
        %dma_start3A_401 = arith.constant 0 : i32
        %dma_start3A_402 = arith.constant 0 : i32
        %dma_start3A_403 = tpu.memref_slice %arg4[%dma_start3A_401, %dma_start3A_402] : memref<40960x16xf32, #tpu.memory_space<hbm>> -> memref<40960x16xf32, #tpu.memory_space<hbm>>
        tpu.enqueue_indirect_dma source(%dma_start3A_403 : memref<40960x16xf32, #tpu.memory_space<hbm>>) target(%arg21 : memref<384x16xf32, #tpu.memory_space<vmem>>) offsets(%arg13 : memref<384xi32, #tpu.memory_space<vmem>>) semaphore(%arg39 : memref<!tpu.dma_semaphore, #tpu.memory_space<semaphore_mem>>)
        %dma_start3A_404 = arith.constant 0 : i32
        %dma_start3A_405 = arith.constant 0 : i32
        %dma_start3A_406 = tpu.memref_slice %arg17[%dma_start3A_404, %dma_start3A_405] : memref<1x384xi32, #tpu.memory_space<vmem>> -> memref<1x384xi32, #tpu.memory_space<vmem>>
        %dma_start3A_407 = tpu.memref_squeeze %dma_start3A_406 : memref<1x384xi32, #tpu.memory_space<vmem>> -> memref<384xi32, #tpu.memory_space<vmem>>
        %dma_start3A_408 = arith.constant 0 : i32
        %dma_start3A_409 = arith.constant 0 : i32
        %dma_start3A_410 = tpu.memref_slice %arg5[%dma_start3A_408, %dma_start3A_409] : memref<40960x16xf32, #tpu.memory_space<hbm>> -> memref<40960x16xf32, #tpu.memory_space<hbm>>
        tpu.enqueue_indirect_dma source(%dma_start3A_410 : memref<40960x16xf32, #tpu.memory_space<hbm>>) target(%arg25 : memref<384x16xf32, #tpu.memory_space<vmem>>) offsets(%dma_start3A_407 : memref<384xi32, #tpu.memory_space<vmem>>) semaphore(%arg39 : memref<!tpu.dma_semaphore, #tpu.memory_space<semaphore_mem>>)
      } else {
      }
      %mul3A_221 = arith.constant 4 : i32
      %mul3A_222 = arith.muli %mul3A_221, %add3A_171 : i32
      %add3A_223 = arith.constant 1 : i32
      %add3A_224 = arith.addi %mul3A_222, %add3A_223 : i32
      %dma_wait3A_225 = arith.constant 0 : i32
      %dma_wait3A_226 = arith.constant 0 : i32
      %dma_wait3A_227 = tpu.memref_slice %arg4[%dma_wait3A_225, %dma_wait3A_226] : memref<40960x16xf32, #tpu.memory_space<hbm>> -> memref<40960x16xf32, #tpu.memory_space<hbm>>
      tpu.wait_indirect_dma semaphore(%arg37 : memref<!tpu.dma_semaphore, #tpu.memory_space<semaphore_mem>>) src(%dma_wait3A_227 : memref<40960x16xf32, #tpu.memory_space<hbm>>) dst(%arg19 : memref<384x16xf32, #tpu.memory_space<vmem>>)
      %dma_wait3A_228 = arith.constant 0 : i32
      %dma_wait3A_229 = arith.constant 0 : i32
      %dma_wait3A_230 = tpu.memref_slice %arg15[%dma_wait3A_228, %dma_wait3A_229] : memref<1x384xi32, #tpu.memory_space<vmem>> -> memref<1x384xi32, #tpu.memory_space<vmem>>
      %dma_wait3A_231 = tpu.memref_squeeze %dma_wait3A_230 : memref<1x384xi32, #tpu.memory_space<vmem>> -> memref<384xi32, #tpu.memory_space<vmem>>
      %dma_wait3A_232 = arith.constant 0 : i32
      %dma_wait3A_233 = arith.constant 0 : i32
      %dma_wait3A_234 = tpu.memref_slice %arg5[%dma_wait3A_232, %dma_wait3A_233] : memref<40960x16xf32, #tpu.memory_space<hbm>> -> memref<40960x16xf32, #tpu.memory_space<hbm>>
      tpu.wait_indirect_dma semaphore(%arg37 : memref<!tpu.dma_semaphore, #tpu.memory_space<semaphore_mem>>) src(%dma_wait3A_234 : memref<40960x16xf32, #tpu.memory_space<hbm>>) dst(%arg23 : memref<384x16xf32, #tpu.memory_space<vmem>>)
      %scan3A_235 = arith.constant 0 : i32
      %scan3A_236 = arith.constant 384 : i32
      %scan3A_237 = arith.addi %scan3A_235, %scan3A_236 : i32
      %scan3A_238 = arith.constant 16 : i32
      scf.for %scan3A_386 = %scan3A_235 to %scan3A_237 step %scan3A_238  : i32 {
        %mul3A_387 = arith.constant 1 : i32
        %mul3A_388 = arith.muli %scan3A_386, %mul3A_387 : i32
        %add3A_389 = arith.constant 0 : i32
        %add3A_390 = arith.addi %add3A_389, %mul3A_388 : i32
        %get3A_391 = arith.index_cast %add3A_390 : i32 to index
        %get3A_392 = arith.constant 0 : index
        %get3A_393 = tpu.vector_load %arg19[%get3A_391, %get3A_392] {strides = array<i32>} : memref<384x16xf32, #tpu.memory_space<vmem>>, vector<16xf32>,
        %get3A_394 = arith.index_cast %add3A_390 : i32 to index
        %get3A_395 = arith.constant 0 : index
        %get3A_396 = tpu.vector_load %arg23[%get3A_394, %get3A_395] {strides = array<i32>} : memref<384x16xf32, #tpu.memory_space<vmem>>, vector<16xf32>,
        %add3A_397 = arith.addf %get3A_393, %get3A_396 : vector<16xf32>
        %mul3A_398 = arith.constant 2.000000e-01 : f32
        %mul3A_399 = vector.broadcast %mul3A_398 : f32 to vector<16xf32>
        %mul3A_400 = arith.mulf %add3A_397, %mul3A_399 : vector<16xf32>
        %max3A = arith.maximumf %add3A_397, %mul3A_400 : vector<16xf32>
        %sub3A_401 = arith.subf %max3A, %get3A_7 : vector<16xf32>
        %exp3A = math.exp %sub3A_401 : vector<16xf32>
        %swap3A = arith.index_cast %add3A_390 : i32 to index
        %swap3A_402 = arith.constant 0 : index
        %swap3A_403 = tpu.vector_load %arg30[%swap3A, %swap3A_402] {strides = array<i32>} : memref<384x16xf32, #tpu.memory_space<vmem>>, vector<16xf32>,
        tpu.vector_store %arg30[%swap3A, %swap3A_402], %exp3A {strides = array<i32>} : memref<384x16xf32, #tpu.memory_space<vmem>>, vector<16xf32>,
        %scan3A_404 = arith.constant 1 : i32
        %scan3A_405 = arith.addi %scan3A_386, %scan3A_404 : i32
        %mul3A_406 = arith.constant 1 : i32
        %mul3A_407 = arith.muli %scan3A_405, %mul3A_406 : i32
        %add3A_408 = arith.constant 0 : i32
        %add3A_409 = arith.addi %add3A_408, %mul3A_407 : i32
        %get3A_410 = arith.index_cast %add3A_409 : i32 to index
        %get3A_411 = arith.constant 0 : index
        %get3A_412 = tpu.vector_load %arg19[%get3A_410, %get3A_411] {strides = array<i32>} : memref<384x16xf32, #tpu.memory_space<vmem>>, vector<16xf32>,
        %get3A_413 = arith.index_cast %add3A_409 : i32 to index
        %get3A_414 = arith.constant 0 : index
        %get3A_415 = tpu.vector_load %arg23[%get3A_413, %get3A_414] {strides = array<i32>} : memref<384x16xf32, #tpu.memory_space<vmem>>, vector<16xf32>,
        %add3A_416 = arith.addf %get3A_412, %get3A_415 : vector<16xf32>
        %mul3A_417 = arith.constant 2.000000e-01 : f32
        %mul3A_418 = vector.broadcast %mul3A_417 : f32 to vector<16xf32>
        %mul3A_419 = arith.mulf %add3A_416, %mul3A_418 : vector<16xf32>
        %max3A_420 = arith.maximumf %add3A_416, %mul3A_419 : vector<16xf32>
        %sub3A_421 = arith.subf %max3A_420, %get3A_7 : vector<16xf32>
        %exp3A_422 = math.exp %sub3A_421 : vector<16xf32>
        %swap3A_423 = arith.index_cast %add3A_409 : i32 to index
        %swap3A_424 = arith.constant 0 : index
        %swap3A_425 = tpu.vector_load %arg30[%swap3A_423, %swap3A_424] {strides = array<i32>} : memref<384x16xf32, #tpu.memory_space<vmem>>, vector<16xf32>,
        tpu.vector_store %arg30[%swap3A_423, %swap3A_424], %exp3A_422 {strides = array<i32>} : memref<384x16xf32, #tpu.memory_space<vmem>>, vector<16xf32>,
        %scan3A_426 = arith.constant 2 : i32
        %scan3A_427 = arith.addi %scan3A_386, %scan3A_426 : i32
        %mul3A_428 = arith.constant 1 : i32
        %mul3A_429 = arith.muli %scan3A_427, %mul3A_428 : i32
        %add3A_430 = arith.constant 0 : i32
        %add3A_431 = arith.addi %add3A_430, %mul3A_429 : i32
        %get3A_432 = arith.index_cast %add3A_431 : i32 to index
        %get3A_433 = arith.constant 0 : index
        %get3A_434 = tpu.vector_load %arg19[%get3A_432, %get3A_433] {strides = array<i32>} : memref<384x16xf32, #tpu.memory_space<vmem>>, vector<16xf32>,
        %get3A_435 = arith.index_cast %add3A_431 : i32 to index
        %get3A_436 = arith.constant 0 : index
        %get3A_437 = tpu.vector_load %arg23[%get3A_435, %get3A_436] {strides = array<i32>} : memref<384x16xf32, #tpu.memory_space<vmem>>, vector<16xf32>,
        %add3A_438 = arith.addf %get3A_434, %get3A_437 : vector<16xf32>
        %mul3A_439 = arith.constant 2.000000e-01 : f32
        %mul3A_440 = vector.broadcast %mul3A_439 : f32 to vector<16xf32>
        %mul3A_441 = arith.mulf %add3A_438, %mul3A_440 : vector<16xf32>
        %max3A_442 = arith.maximumf %add3A_438, %mul3A_441 : vector<16xf32>
        %sub3A_443 = arith.subf %max3A_442, %get3A_7 : vector<16xf32>
        %exp3A_444 = math.exp %sub3A_443 : vector<16xf32>
        %swap3A_445 = arith.index_cast %add3A_431 : i32 to index
        %swap3A_446 = arith.constant 0 : index
        %swap3A_447 = tpu.vector_load %arg30[%swap3A_445, %swap3A_446] {strides = array<i32>} : memref<384x16xf32, #tpu.memory_space<vmem>>, vector<16xf32>,
        tpu.vector_store %arg30[%swap3A_445, %swap3A_446], %exp3A_444 {strides = array<i32>} : memref<384x16xf32, #tpu.memory_space<vmem>>, vector<16xf32>,
        %scan3A_448 = arith.constant 3 : i32
        %scan3A_449 = arith.addi %scan3A_386, %scan3A_448 : i32
        %mul3A_450 = arith.constant 1 : i32
        %mul3A_451 = arith.muli %scan3A_449, %mul3A_450 : i32
        %add3A_452 = arith.constant 0 : i32
        %add3A_453 = arith.addi %add3A_452, %mul3A_451 : i32
        %get3A_454 = arith.index_cast %add3A_453 : i32 to index
        %get3A_455 = arith.constant 0 : index
        %get3A_456 = tpu.vector_load %arg19[%get3A_454, %get3A_455] {strides = array<i32>} : memref<384x16xf32, #tpu.memory_space<vmem>>, vector<16xf32>,
        %get3A_457 = arith.index_cast %add3A_453 : i32 to index
        %get3A_458 = arith.constant 0 : index
        %get3A_459 = tpu.vector_load %arg23[%get3A_457, %get3A_458] {strides = array<i32>} : memref<384x16xf32, #tpu.memory_space<vmem>>, vector<16xf32>,
        %add3A_460 = arith.addf %get3A_456, %get3A_459 : vector<16xf32>
        %mul3A_461 = arith.constant 2.000000e-01 : f32
        %mul3A_462 = vector.broadcast %mul3A_461 : f32 to vector<16xf32>
        %mul3A_463 = arith.mulf %add3A_460, %mul3A_462 : vector<16xf32>
        %max3A_464 = arith.maximumf %add3A_460, %mul3A_463 : vector<16xf32>
        %sub3A_465 = arith.subf %max3A_464, %get3A_7 : vector<16xf32>
        %exp3A_466 = math.exp %sub3A_465 : vector<16xf32>
        %swap3A_467 = arith.index_cast %add3A_453 : i32 to index
        %swap3A_468 = arith.constant 0 : index
        %swap3A_469 = tpu.vector_load %arg30[%swap3A_467, %swap3A_468] {strides = array<i32>} : memref<384x16xf32, #tpu.memory_space<vmem>>, vector<16xf32>,
        tpu.vector_store %arg30[%swap3A_467, %swap3A_468], %exp3A_466 {strides = array<i32>} : memref<384x16xf32, #tpu.memory_space<vmem>>, vector<16xf32>,
        %scan3A_470 = arith.constant 4 : i32
        %scan3A_471 = arith.addi %scan3A_386, %scan3A_470 : i32
        %mul3A_472 = arith.constant 1 : i32
        %mul3A_473 = arith.muli %scan3A_471, %mul3A_472 : i32
        %add3A_474 = arith.constant 0 : i32
        %add3A_475 = arith.addi %add3A_474, %mul3A_473 : i32
        %get3A_476 = arith.index_cast %add3A_475 : i32 to index
        %get3A_477 = arith.constant 0 : index
        %get3A_478 = tpu.vector_load %arg19[%get3A_476, %get3A_477] {strides = array<i32>} : memref<384x16xf32, #tpu.memory_space<vmem>>, vector<16xf32>,
        %get3A_479 = arith.index_cast %add3A_475 : i32 to index
        %get3A_480 = arith.constant 0 : index
        %get3A_481 = tpu.vector_load %arg23[%get3A_479, %get3A_480] {strides = array<i32>} : memref<384x16xf32, #tpu.memory_space<vmem>>, vector<16xf32>,
        %add3A_482 = arith.addf %get3A_478, %get3A_481 : vector<16xf32>
        %mul3A_483 = arith.constant 2.000000e-01 : f32
        %mul3A_484 = vector.broadcast %mul3A_483 : f32 to vector<16xf32>
        %mul3A_485 = arith.mulf %add3A_482, %mul3A_484 : vector<16xf32>
        %max3A_486 = arith.maximumf %add3A_482, %mul3A_485 : vector<16xf32>
        %sub3A_487 = arith.subf %max3A_486, %get3A_7 : vector<16xf32>
        %exp3A_488 = math.exp %sub3A_487 : vector<16xf32>
        %swap3A_489 = arith.index_cast %add3A_475 : i32 to index
        %swap3A_490 = arith.constant 0 : index
        %swap3A_491 = tpu.vector_load %arg30[%swap3A_489, %swap3A_490] {strides = array<i32>} : memref<384x16xf32, #tpu.memory_space<vmem>>, vector<16xf32>,
        tpu.vector_store %arg30[%swap3A_489, %swap3A_490], %exp3A_488 {strides = array<i32>} : memref<384x16xf32, #tpu.memory_space<vmem>>, vector<16xf32>,
        %scan3A_492 = arith.constant 5 : i32
        %scan3A_493 = arith.addi %scan3A_386, %scan3A_492 : i32
        %mul3A_494 = arith.constant 1 : i32
        %mul3A_495 = arith.muli %scan3A_493, %mul3A_494 : i32
        %add3A_496 = arith.constant 0 : i32
        %add3A_497 = arith.addi %add3A_496, %mul3A_495 : i32
        %get3A_498 = arith.index_cast %add3A_497 : i32 to index
        %get3A_499 = arith.constant 0 : index
        %get3A_500 = tpu.vector_load %arg19[%get3A_498, %get3A_499] {strides = array<i32>} : memref<384x16xf32, #tpu.memory_space<vmem>>, vector<16xf32>,
        %get3A_501 = arith.index_cast %add3A_497 : i32 to index
        %get3A_502 = arith.constant 0 : index
        %get3A_503 = tpu.vector_load %arg23[%get3A_501, %get3A_502] {strides = array<i32>} : memref<384x16xf32, #tpu.memory_space<vmem>>, vector<16xf32>,
        %add3A_504 = arith.addf %get3A_500, %get3A_503 : vector<16xf32>
        %mul3A_505 = arith.constant 2.000000e-01 : f32
        %mul3A_506 = vector.broadcast %mul3A_505 : f32 to vector<16xf32>
        %mul3A_507 = arith.mulf %add3A_504, %mul3A_506 : vector<16xf32>
        %max3A_508 = arith.maximumf %add3A_504, %mul3A_507 : vector<16xf32>
        %sub3A_509 = arith.subf %max3A_508, %get3A_7 : vector<16xf32>
        %exp3A_510 = math.exp %sub3A_509 : vector<16xf32>
        %swap3A_511 = arith.index_cast %add3A_497 : i32 to index
        %swap3A_512 = arith.constant 0 : index
        %swap3A_513 = tpu.vector_load %arg30[%swap3A_511, %swap3A_512] {strides = array<i32>} : memref<384x16xf32, #tpu.memory_space<vmem>>, vector<16xf32>,
        tpu.vector_store %arg30[%swap3A_511, %swap3A_512], %exp3A_510 {strides = array<i32>} : memref<384x16xf32, #tpu.memory_space<vmem>>, vector<16xf32>,
        %scan3A_514 = arith.constant 6 : i32
        %scan3A_515 = arith.addi %scan3A_386, %scan3A_514 : i32
        %mul3A_516 = arith.constant 1 : i32
        %mul3A_517 = arith.muli %scan3A_515, %mul3A_516 : i32
        %add3A_518 = arith.constant 0 : i32
        %add3A_519 = arith.addi %add3A_518, %mul3A_517 : i32
        %get3A_520 = arith.index_cast %add3A_519 : i32 to index
        %get3A_521 = arith.constant 0 : index
        %get3A_522 = tpu.vector_load %arg19[%get3A_520, %get3A_521] {strides = array<i32>} : memref<384x16xf32, #tpu.memory_space<vmem>>, vector<16xf32>,
        %get3A_523 = arith.index_cast %add3A_519 : i32 to index
        %get3A_524 = arith.constant 0 : index
        %get3A_525 = tpu.vector_load %arg23[%get3A_523, %get3A_524] {strides = array<i32>} : memref<384x16xf32, #tpu.memory_space<vmem>>, vector<16xf32>,
        %add3A_526 = arith.addf %get3A_522, %get3A_525 : vector<16xf32>
        %mul3A_527 = arith.constant 2.000000e-01 : f32
        %mul3A_528 = vector.broadcast %mul3A_527 : f32 to vector<16xf32>
        %mul3A_529 = arith.mulf %add3A_526, %mul3A_528 : vector<16xf32>
        %max3A_530 = arith.maximumf %add3A_526, %mul3A_529 : vector<16xf32>
        %sub3A_531 = arith.subf %max3A_530, %get3A_7 : vector<16xf32>
        %exp3A_532 = math.exp %sub3A_531 : vector<16xf32>
        %swap3A_533 = arith.index_cast %add3A_519 : i32 to index
        %swap3A_534 = arith.constant 0 : index
        %swap3A_535 = tpu.vector_load %arg30[%swap3A_533, %swap3A_534] {strides = array<i32>} : memref<384x16xf32, #tpu.memory_space<vmem>>, vector<16xf32>,
        tpu.vector_store %arg30[%swap3A_533, %swap3A_534], %exp3A_532 {strides = array<i32>} : memref<384x16xf32, #tpu.memory_space<vmem>>, vector<16xf32>,
        %scan3A_536 = arith.constant 7 : i32
        %scan3A_537 = arith.addi %scan3A_386, %scan3A_536 : i32
        %mul3A_538 = arith.constant 1 : i32
        %mul3A_539 = arith.muli %scan3A_537, %mul3A_538 : i32
        %add3A_540 = arith.constant 0 : i32
        %add3A_541 = arith.addi %add3A_540, %mul3A_539 : i32
        %get3A_542 = arith.index_cast %add3A_541 : i32 to index
        %get3A_543 = arith.constant 0 : index
        %get3A_544 = tpu.vector_load %arg19[%get3A_542, %get3A_543] {strides = array<i32>} : memref<384x16xf32, #tpu.memory_space<vmem>>, vector<16xf32>,
        %get3A_545 = arith.index_cast %add3A_541 : i32 to index
        %get3A_546 = arith.constant 0 : index
        %get3A_547 = tpu.vector_load %arg23[%get3A_545, %get3A_546] {strides = array<i32>} : memref<384x16xf32, #tpu.memory_space<vmem>>, vector<16xf32>,
        %add3A_548 = arith.addf %get3A_544, %get3A_547 : vector<16xf32>
        %mul3A_549 = arith.constant 2.000000e-01 : f32
        %mul3A_550 = vector.broadcast %mul3A_549 : f32 to vector<16xf32>
        %mul3A_551 = arith.mulf %add3A_548, %mul3A_550 : vector<16xf32>
        %max3A_552 = arith.maximumf %add3A_548, %mul3A_551 : vector<16xf32>
        %sub3A_553 = arith.subf %max3A_552, %get3A_7 : vector<16xf32>
        %exp3A_554 = math.exp %sub3A_553 : vector<16xf32>
        %swap3A_555 = arith.index_cast %add3A_541 : i32 to index
        %swap3A_556 = arith.constant 0 : index
        %swap3A_557 = tpu.vector_load %arg30[%swap3A_555, %swap3A_556] {strides = array<i32>} : memref<384x16xf32, #tpu.memory_space<vmem>>, vector<16xf32>,
        tpu.vector_store %arg30[%swap3A_555, %swap3A_556], %exp3A_554 {strides = array<i32>} : memref<384x16xf32, #tpu.memory_space<vmem>>, vector<16xf32>,
        %scan3A_558 = arith.constant 8 : i32
        %scan3A_559 = arith.addi %scan3A_386, %scan3A_558 : i32
        %mul3A_560 = arith.constant 1 : i32
        %mul3A_561 = arith.muli %scan3A_559, %mul3A_560 : i32
        %add3A_562 = arith.constant 0 : i32
        %add3A_563 = arith.addi %add3A_562, %mul3A_561 : i32
        %get3A_564 = arith.index_cast %add3A_563 : i32 to index
        %get3A_565 = arith.constant 0 : index
        %get3A_566 = tpu.vector_load %arg19[%get3A_564, %get3A_565] {strides = array<i32>} : memref<384x16xf32, #tpu.memory_space<vmem>>, vector<16xf32>,
        %get3A_567 = arith.index_cast %add3A_563 : i32 to index
        %get3A_568 = arith.constant 0 : index
        %get3A_569 = tpu.vector_load %arg23[%get3A_567, %get3A_568] {strides = array<i32>} : memref<384x16xf32, #tpu.memory_space<vmem>>, vector<16xf32>,
        %add3A_570 = arith.addf %get3A_566, %get3A_569 : vector<16xf32>
        %mul3A_571 = arith.constant 2.000000e-01 : f32
        %mul3A_572 = vector.broadcast %mul3A_571 : f32 to vector<16xf32>
        %mul3A_573 = arith.mulf %add3A_570, %mul3A_572 : vector<16xf32>
        %max3A_574 = arith.maximumf %add3A_570, %mul3A_573 : vector<16xf32>
        %sub3A_575 = arith.subf %max3A_574, %get3A_7 : vector<16xf32>
        %exp3A_576 = math.exp %sub3A_575 : vector<16xf32>
        %swap3A_577 = arith.index_cast %add3A_563 : i32 to index
        %swap3A_578 = arith.constant 0 : index
        %swap3A_579 = tpu.vector_load %arg30[%swap3A_577, %swap3A_578] {strides = array<i32>} : memref<384x16xf32, #tpu.memory_space<vmem>>, vector<16xf32>,
        tpu.vector_store %arg30[%swap3A_577, %swap3A_578], %exp3A_576 {strides = array<i32>} : memref<384x16xf32, #tpu.memory_space<vmem>>, vector<16xf32>,
        %scan3A_580 = arith.constant 9 : i32
        %scan3A_581 = arith.addi %scan3A_386, %scan3A_580 : i32
        %mul3A_582 = arith.constant 1 : i32
        %mul3A_583 = arith.muli %scan3A_581, %mul3A_582 : i32
        %add3A_584 = arith.constant 0 : i32
        %add3A_585 = arith.addi %add3A_584, %mul3A_583 : i32
        %get3A_586 = arith.index_cast %add3A_585 : i32 to index
        %get3A_587 = arith.constant 0 : index
        %get3A_588 = tpu.vector_load %arg19[%get3A_586, %get3A_587] {strides = array<i32>} : memref<384x16xf32, #tpu.memory_space<vmem>>, vector<16xf32>,
        %get3A_589 = arith.index_cast %add3A_585 : i32 to index
        %get3A_590 = arith.constant 0 : index
        %get3A_591 = tpu.vector_load %arg23[%get3A_589, %get3A_590] {strides = array<i32>} : memref<384x16xf32, #tpu.memory_space<vmem>>, vector<16xf32>,
        %add3A_592 = arith.addf %get3A_588, %get3A_591 : vector<16xf32>
        %mul3A_593 = arith.constant 2.000000e-01 : f32
        %mul3A_594 = vector.broadcast %mul3A_593 : f32 to vector<16xf32>
        %mul3A_595 = arith.mulf %add3A_592, %mul3A_594 : vector<16xf32>
        %max3A_596 = arith.maximumf %add3A_592, %mul3A_595 : vector<16xf32>
        %sub3A_597 = arith.subf %max3A_596, %get3A_7 : vector<16xf32>
        %exp3A_598 = math.exp %sub3A_597 : vector<16xf32>
        %swap3A_599 = arith.index_cast %add3A_585 : i32 to index
        %swap3A_600 = arith.constant 0 : index
        %swap3A_601 = tpu.vector_load %arg30[%swap3A_599, %swap3A_600] {strides = array<i32>} : memref<384x16xf32, #tpu.memory_space<vmem>>, vector<16xf32>,
        tpu.vector_store %arg30[%swap3A_599, %swap3A_600], %exp3A_598 {strides = array<i32>} : memref<384x16xf32, #tpu.memory_space<vmem>>, vector<16xf32>,
        %scan3A_602 = arith.constant 10 : i32
        %scan3A_603 = arith.addi %scan3A_386, %scan3A_602 : i32
        %mul3A_604 = arith.constant 1 : i32
        %mul3A_605 = arith.muli %scan3A_603, %mul3A_604 : i32
        %add3A_606 = arith.constant 0 : i32
        %add3A_607 = arith.addi %add3A_606, %mul3A_605 : i32
        %get3A_608 = arith.index_cast %add3A_607 : i32 to index
        %get3A_609 = arith.constant 0 : index
        %get3A_610 = tpu.vector_load %arg19[%get3A_608, %get3A_609] {strides = array<i32>} : memref<384x16xf32, #tpu.memory_space<vmem>>, vector<16xf32>,
        %get3A_611 = arith.index_cast %add3A_607 : i32 to index
        %get3A_612 = arith.constant 0 : index
        %get3A_613 = tpu.vector_load %arg23[%get3A_611, %get3A_612] {strides = array<i32>} : memref<384x16xf32, #tpu.memory_space<vmem>>, vector<16xf32>,
        %add3A_614 = arith.addf %get3A_610, %get3A_613 : vector<16xf32>
        %mul3A_615 = arith.constant 2.000000e-01 : f32
        %mul3A_616 = vector.broadcast %mul3A_615 : f32 to vector<16xf32>
        %mul3A_617 = arith.mulf %add3A_614, %mul3A_616 : vector<16xf32>
        %max3A_618 = arith.maximumf %add3A_614, %mul3A_617 : vector<16xf32>
        %sub3A_619 = arith.subf %max3A_618, %get3A_7 : vector<16xf32>
        %exp3A_620 = math.exp %sub3A_619 : vector<16xf32>
        %swap3A_621 = arith.index_cast %add3A_607 : i32 to index
        %swap3A_622 = arith.constant 0 : index
        %swap3A_623 = tpu.vector_load %arg30[%swap3A_621, %swap3A_622] {strides = array<i32>} : memref<384x16xf32, #tpu.memory_space<vmem>>, vector<16xf32>,
        tpu.vector_store %arg30[%swap3A_621, %swap3A_622], %exp3A_620 {strides = array<i32>} : memref<384x16xf32, #tpu.memory_space<vmem>>, vector<16xf32>,
        %scan3A_624 = arith.constant 11 : i32
        %scan3A_625 = arith.addi %scan3A_386, %scan3A_624 : i32
        %mul3A_626 = arith.constant 1 : i32
        %mul3A_627 = arith.muli %scan3A_625, %mul3A_626 : i32
        %add3A_628 = arith.constant 0 : i32
        %add3A_629 = arith.addi %add3A_628, %mul3A_627 : i32
        %get3A_630 = arith.index_cast %add3A_629 : i32 to index
        %get3A_631 = arith.constant 0 : index
        %get3A_632 = tpu.vector_load %arg19[%get3A_630, %get3A_631] {strides = array<i32>} : memref<384x16xf32, #tpu.memory_space<vmem>>, vector<16xf32>,
        %get3A_633 = arith.index_cast %add3A_629 : i32 to index
        %get3A_634 = arith.constant 0 : index
        %get3A_635 = tpu.vector_load %arg23[%get3A_633, %get3A_634] {strides = array<i32>} : memref<384x16xf32, #tpu.memory_space<vmem>>, vector<16xf32>,
        %add3A_636 = arith.addf %get3A_632, %get3A_635 : vector<16xf32>
        %mul3A_637 = arith.constant 2.000000e-01 : f32
        %mul3A_638 = vector.broadcast %mul3A_637 : f32 to vector<16xf32>
        %mul3A_639 = arith.mulf %add3A_636, %mul3A_638 : vector<16xf32>
        %max3A_640 = arith.maximumf %add3A_636, %mul3A_639 : vector<16xf32>
        %sub3A_641 = arith.subf %max3A_640, %get3A_7 : vector<16xf32>
        %exp3A_642 = math.exp %sub3A_641 : vector<16xf32>
        %swap3A_643 = arith.index_cast %add3A_629 : i32 to index
        %swap3A_644 = arith.constant 0 : index
        %swap3A_645 = tpu.vector_load %arg30[%swap3A_643, %swap3A_644] {strides = array<i32>} : memref<384x16xf32, #tpu.memory_space<vmem>>, vector<16xf32>,
        tpu.vector_store %arg30[%swap3A_643, %swap3A_644], %exp3A_642 {strides = array<i32>} : memref<384x16xf32, #tpu.memory_space<vmem>>, vector<16xf32>,
        %scan3A_646 = arith.constant 12 : i32
        %scan3A_647 = arith.addi %scan3A_386, %scan3A_646 : i32
        %mul3A_648 = arith.constant 1 : i32
        %mul3A_649 = arith.muli %scan3A_647, %mul3A_648 : i32
        %add3A_650 = arith.constant 0 : i32
        %add3A_651 = arith.addi %add3A_650, %mul3A_649 : i32
        %get3A_652 = arith.index_cast %add3A_651 : i32 to index
        %get3A_653 = arith.constant 0 : index
        %get3A_654 = tpu.vector_load %arg19[%get3A_652, %get3A_653] {strides = array<i32>} : memref<384x16xf32, #tpu.memory_space<vmem>>, vector<16xf32>,
        %get3A_655 = arith.index_cast %add3A_651 : i32 to index
        %get3A_656 = arith.constant 0 : index
        %get3A_657 = tpu.vector_load %arg23[%get3A_655, %get3A_656] {strides = array<i32>} : memref<384x16xf32, #tpu.memory_space<vmem>>, vector<16xf32>,
        %add3A_658 = arith.addf %get3A_654, %get3A_657 : vector<16xf32>
        %mul3A_659 = arith.constant 2.000000e-01 : f32
        %mul3A_660 = vector.broadcast %mul3A_659 : f32 to vector<16xf32>
        %mul3A_661 = arith.mulf %add3A_658, %mul3A_660 : vector<16xf32>
        %max3A_662 = arith.maximumf %add3A_658, %mul3A_661 : vector<16xf32>
        %sub3A_663 = arith.subf %max3A_662, %get3A_7 : vector<16xf32>
        %exp3A_664 = math.exp %sub3A_663 : vector<16xf32>
        %swap3A_665 = arith.index_cast %add3A_651 : i32 to index
        %swap3A_666 = arith.constant 0 : index
        %swap3A_667 = tpu.vector_load %arg30[%swap3A_665, %swap3A_666] {strides = array<i32>} : memref<384x16xf32, #tpu.memory_space<vmem>>, vector<16xf32>,
        tpu.vector_store %arg30[%swap3A_665, %swap3A_666], %exp3A_664 {strides = array<i32>} : memref<384x16xf32, #tpu.memory_space<vmem>>, vector<16xf32>,
        %scan3A_668 = arith.constant 13 : i32
        %scan3A_669 = arith.addi %scan3A_386, %scan3A_668 : i32
        %mul3A_670 = arith.constant 1 : i32
        %mul3A_671 = arith.muli %scan3A_669, %mul3A_670 : i32
        %add3A_672 = arith.constant 0 : i32
        %add3A_673 = arith.addi %add3A_672, %mul3A_671 : i32
        %get3A_674 = arith.index_cast %add3A_673 : i32 to index
        %get3A_675 = arith.constant 0 : index
        %get3A_676 = tpu.vector_load %arg19[%get3A_674, %get3A_675] {strides = array<i32>} : memref<384x16xf32, #tpu.memory_space<vmem>>, vector<16xf32>,
        %get3A_677 = arith.index_cast %add3A_673 : i32 to index
        %get3A_678 = arith.constant 0 : index
        %get3A_679 = tpu.vector_load %arg23[%get3A_677, %get3A_678] {strides = array<i32>} : memref<384x16xf32, #tpu.memory_space<vmem>>, vector<16xf32>,
        %add3A_680 = arith.addf %get3A_676, %get3A_679 : vector<16xf32>
        %mul3A_681 = arith.constant 2.000000e-01 : f32
        %mul3A_682 = vector.broadcast %mul3A_681 : f32 to vector<16xf32>
        %mul3A_683 = arith.mulf %add3A_680, %mul3A_682 : vector<16xf32>
        %max3A_684 = arith.maximumf %add3A_680, %mul3A_683 : vector<16xf32>
        %sub3A_685 = arith.subf %max3A_684, %get3A_7 : vector<16xf32>
        %exp3A_686 = math.exp %sub3A_685 : vector<16xf32>
        %swap3A_687 = arith.index_cast %add3A_673 : i32 to index
        %swap3A_688 = arith.constant 0 : index
        %swap3A_689 = tpu.vector_load %arg30[%swap3A_687, %swap3A_688] {strides = array<i32>} : memref<384x16xf32, #tpu.memory_space<vmem>>, vector<16xf32>,
        tpu.vector_store %arg30[%swap3A_687, %swap3A_688], %exp3A_686 {strides = array<i32>} : memref<384x16xf32, #tpu.memory_space<vmem>>, vector<16xf32>,
        %scan3A_690 = arith.constant 14 : i32
        %scan3A_691 = arith.addi %scan3A_386, %scan3A_690 : i32
        %mul3A_692 = arith.constant 1 : i32
        %mul3A_693 = arith.muli %scan3A_691, %mul3A_692 : i32
        %add3A_694 = arith.constant 0 : i32
        %add3A_695 = arith.addi %add3A_694, %mul3A_693 : i32
        %get3A_696 = arith.index_cast %add3A_695 : i32 to index
        %get3A_697 = arith.constant 0 : index
        %get3A_698 = tpu.vector_load %arg19[%get3A_696, %get3A_697] {strides = array<i32>} : memref<384x16xf32, #tpu.memory_space<vmem>>, vector<16xf32>,
        %get3A_699 = arith.index_cast %add3A_695 : i32 to index
        %get3A_700 = arith.constant 0 : index
        %get3A_701 = tpu.vector_load %arg23[%get3A_699, %get3A_700] {strides = array<i32>} : memref<384x16xf32, #tpu.memory_space<vmem>>, vector<16xf32>,
        %add3A_702 = arith.addf %get3A_698, %get3A_701 : vector<16xf32>
        %mul3A_703 = arith.constant 2.000000e-01 : f32
        %mul3A_704 = vector.broadcast %mul3A_703 : f32 to vector<16xf32>
        %mul3A_705 = arith.mulf %add3A_702, %mul3A_704 : vector<16xf32>
        %max3A_706 = arith.maximumf %add3A_702, %mul3A_705 : vector<16xf32>
        %sub3A_707 = arith.subf %max3A_706, %get3A_7 : vector<16xf32>
        %exp3A_708 = math.exp %sub3A_707 : vector<16xf32>
        %swap3A_709 = arith.index_cast %add3A_695 : i32 to index
        %swap3A_710 = arith.constant 0 : index
        %swap3A_711 = tpu.vector_load %arg30[%swap3A_709, %swap3A_710] {strides = array<i32>} : memref<384x16xf32, #tpu.memory_space<vmem>>, vector<16xf32>,
        tpu.vector_store %arg30[%swap3A_709, %swap3A_710], %exp3A_708 {strides = array<i32>} : memref<384x16xf32, #tpu.memory_space<vmem>>, vector<16xf32>,
        %scan3A_712 = arith.constant 15 : i32
        %scan3A_713 = arith.addi %scan3A_386, %scan3A_712 : i32
        %mul3A_714 = arith.constant 1 : i32
        %mul3A_715 = arith.muli %scan3A_713, %mul3A_714 : i32
        %add3A_716 = arith.constant 0 : i32
        %add3A_717 = arith.addi %add3A_716, %mul3A_715 : i32
        %get3A_718 = arith.index_cast %add3A_717 : i32 to index
        %get3A_719 = arith.constant 0 : index
        %get3A_720 = tpu.vector_load %arg19[%get3A_718, %get3A_719] {strides = array<i32>} : memref<384x16xf32, #tpu.memory_space<vmem>>, vector<16xf32>,
        %get3A_721 = arith.index_cast %add3A_717 : i32 to index
        %get3A_722 = arith.constant 0 : index
        %get3A_723 = tpu.vector_load %arg23[%get3A_721, %get3A_722] {strides = array<i32>} : memref<384x16xf32, #tpu.memory_space<vmem>>, vector<16xf32>,
        %add3A_724 = arith.addf %get3A_720, %get3A_723 : vector<16xf32>
        %mul3A_725 = arith.constant 2.000000e-01 : f32
        %mul3A_726 = vector.broadcast %mul3A_725 : f32 to vector<16xf32>
        %mul3A_727 = arith.mulf %add3A_724, %mul3A_726 : vector<16xf32>
        %max3A_728 = arith.maximumf %add3A_724, %mul3A_727 : vector<16xf32>
        %sub3A_729 = arith.subf %max3A_728, %get3A_7 : vector<16xf32>
        %exp3A_730 = math.exp %sub3A_729 : vector<16xf32>
        %swap3A_731 = arith.index_cast %add3A_717 : i32 to index
        %swap3A_732 = arith.constant 0 : index
        %swap3A_733 = tpu.vector_load %arg30[%swap3A_731, %swap3A_732] {strides = array<i32>} : memref<384x16xf32, #tpu.memory_space<vmem>>, vector<16xf32>,
        tpu.vector_store %arg30[%swap3A_731, %swap3A_732], %exp3A_730 {strides = array<i32>} : memref<384x16xf32, #tpu.memory_space<vmem>>, vector<16xf32>,
      }
      %scan3A_239 = arith.constant 384 : i32
      %run_scoped3A_240 = arith.constant 0 : i32
      "tpu.region"() ({
        %run_scoped3A_386 = tpu.sem_alloc : memref<!tpu.dma_semaphore, #tpu.memory_space<semaphore_mem>>
        %dma_start3A_387 = arith.constant 0 : i32
        %dma_start3A_388 = tpu.memref_slice %arg15[%run_scoped3A_240, %dma_start3A_387] : memref<1x384xi32, #tpu.memory_space<vmem>> -> memref<1x384xi32, #tpu.memory_space<vmem>>
        %dma_start3A_389 = tpu.memref_squeeze %dma_start3A_388 : memref<1x384xi32, #tpu.memory_space<vmem>> -> memref<384xi32, #tpu.memory_space<vmem>>
        %dma_start3A_390 = arith.constant 0 : i32
        %dma_start3A_391 = arith.constant 0 : i32
        %dma_start3A_392 = tpu.memref_slice %arg44[%dma_start3A_390, %dma_start3A_391] : memref<40960x16xf32, #tpu.memory_space<vmem_shared>> -> memref<40960x16xf32, #tpu.memory_space<vmem_shared>>
        tpu.enqueue_indirect_dma source(%arg30 : memref<384x16xf32, #tpu.memory_space<vmem>>) target(%dma_start3A_392 : memref<40960x16xf32, #tpu.memory_space<vmem_shared>>) offsets(%dma_start3A_389 : memref<384xi32, #tpu.memory_space<vmem>>) semaphore(%run_scoped3A_386 : memref<!tpu.dma_semaphore, #tpu.memory_space<semaphore_mem>>) {add = true}
        %dma_wait3A_393 = arith.constant 0 : i32
        %dma_wait3A_394 = tpu.memref_slice %arg15[%run_scoped3A_240, %dma_wait3A_393] : memref<1x384xi32, #tpu.memory_space<vmem>> -> memref<1x384xi32, #tpu.memory_space<vmem>>
        %dma_wait3A_395 = tpu.memref_squeeze %dma_wait3A_394 : memref<1x384xi32, #tpu.memory_space<vmem>> -> memref<384xi32, #tpu.memory_space<vmem>>
        %dma_wait3A_396 = arith.constant 0 : i32
        %dma_wait3A_397 = arith.constant 0 : i32
        %dma_wait3A_398 = tpu.memref_slice %arg44[%dma_wait3A_396, %dma_wait3A_397] : memref<40960x16xf32, #tpu.memory_space<vmem_shared>> -> memref<40960x16xf32, #tpu.memory_space<vmem_shared>>
        tpu.wait_indirect_dma semaphore(%run_scoped3A_386 : memref<!tpu.dma_semaphore, #tpu.memory_space<semaphore_mem>>) src(%arg30 : memref<384x16xf32, #tpu.memory_space<vmem>>) dst(%dma_wait3A_398 : memref<40960x16xf32, #tpu.memory_space<vmem_shared>>)
        tpu.yield
      }) : () -> ()
      %ge3A_241 = arith.constant 4 : i32
      %ge3A_242 = arith.cmpi sge, %add3A_224, %ge3A_241 : i32
      %convert_element_type3A_243 = arith.extui %ge3A_242 : i1 to i32
      %cond3A_244 = arith.constant 0 : i32
      %cond3A_245 = arith.cmpi ne, %convert_element_type3A_243, %cond3A_244 : i32
      scf.if %cond3A_245 {
        %dma_wait3A_386 = arith.constant 0 : i32
        %dma_wait3A_387 = tpu.memref_slice %arg8[%dma_wait3A_386] : memref<5308416xf32, #tpu.memory_space<hbm>> -> memref<1536xf32, #tpu.memory_space<hbm>>
        %dma_wait3A_388 = arith.constant 0 : i32
        %dma_wait3A_389 = tpu.memref_slice %arg8[%dma_wait3A_388] : memref<5308416xf32, #tpu.memory_space<hbm>> -> memref<1536xf32, #tpu.memory_space<hbm>>
        tpu.wait_dma2 semaphore(%arg41 : memref<!tpu.dma_semaphore, #tpu.memory_space<semaphore_mem>>) src(%arg27 : memref<1536xf32, #tpu.memory_space<vmem>>) dst(%dma_wait3A_389 : memref<1536xf32, #tpu.memory_space<hbm>>)
      } else {
      }
      %scan3A_246 = arith.constant 0 : i32
      %scan3A_247 = arith.constant 96 : i32
      %scan3A_248 = arith.addi %scan3A_246, %scan3A_247 : i32
      %scan3A_249 = arith.constant 4 : i32
      scf.for %scan3A_386 = %scan3A_246 to %scan3A_248 step %scan3A_249  : i32 {
        %mul3A_387 = arith.constant 1 : i32
        %mul3A_388 = arith.muli %scan3A_386, %mul3A_387 : i32
        %add3A_389 = arith.constant 0 : i32
        %add3A_390 = arith.addi %add3A_389, %mul3A_388 : i32
        %mul3A_391 = arith.constant 4 : i32
        %mul3A_392 = arith.muli %mul3A_391, %add3A_390 : i32
        %add3A_393 = vector.broadcast %mul3A_392 : i32 to vector<16xi32>
        %add3A_394 = arith.addi %add3A_393, %shift_right_arithmetic3A_4 : vector<16xi32>
        %gather3A = tpu.vector_load_idx %arg30[%add3A_394, %and3A_6] : memref<384x16xf32, #tpu.memory_space<vmem>>[vector<16xi32>, vector<16xi32>], vector<16xf32>,
        %mul3A_395 = arith.constant 16 : i32
        %mul3A_396 = arith.muli %mul3A_395, %add3A_390 : i32
        %swap3A = arith.index_cast %mul3A_396 : i32 to index
        %swap3A_397 = tpu.vector_load %arg27[%swap3A] {strides = array<i32>} : memref<1536xf32, #tpu.memory_space<vmem>>, vector<16xf32>,
        tpu.vector_store %arg27[%swap3A], %gather3A {strides = array<i32>} : memref<1536xf32, #tpu.memory_space<vmem>>, vector<16xf32>,
        %scan3A_398 = arith.constant 1 : i32
        %scan3A_399 = arith.addi %scan3A_386, %scan3A_398 : i32
        %mul3A_400 = arith.constant 1 : i32
        %mul3A_401 = arith.muli %scan3A_399, %mul3A_400 : i32
        %add3A_402 = arith.constant 0 : i32
        %add3A_403 = arith.addi %add3A_402, %mul3A_401 : i32
        %mul3A_404 = arith.constant 4 : i32
        %mul3A_405 = arith.muli %mul3A_404, %add3A_403 : i32
        %add3A_406 = vector.broadcast %mul3A_405 : i32 to vector<16xi32>
        %add3A_407 = arith.addi %add3A_406, %shift_right_arithmetic3A_4 : vector<16xi32>
        %gather3A_408 = tpu.vector_load_idx %arg30[%add3A_407, %and3A_6] : memref<384x16xf32, #tpu.memory_space<vmem>>[vector<16xi32>, vector<16xi32>], vector<16xf32>,
        %mul3A_409 = arith.constant 16 : i32
        %mul3A_410 = arith.muli %mul3A_409, %add3A_403 : i32
        %swap3A_411 = arith.index_cast %mul3A_410 : i32 to index
        %swap3A_412 = tpu.vector_load %arg27[%swap3A_411] {strides = array<i32>} : memref<1536xf32, #tpu.memory_space<vmem>>, vector<16xf32>,
        tpu.vector_store %arg27[%swap3A_411], %gather3A_408 {strides = array<i32>} : memref<1536xf32, #tpu.memory_space<vmem>>, vector<16xf32>,
        %scan3A_413 = arith.constant 2 : i32
        %scan3A_414 = arith.addi %scan3A_386, %scan3A_413 : i32
        %mul3A_415 = arith.constant 1 : i32
        %mul3A_416 = arith.muli %scan3A_414, %mul3A_415 : i32
        %add3A_417 = arith.constant 0 : i32
        %add3A_418 = arith.addi %add3A_417, %mul3A_416 : i32
        %mul3A_419 = arith.constant 4 : i32
        %mul3A_420 = arith.muli %mul3A_419, %add3A_418 : i32
        %add3A_421 = vector.broadcast %mul3A_420 : i32 to vector<16xi32>
        %add3A_422 = arith.addi %add3A_421, %shift_right_arithmetic3A_4 : vector<16xi32>
        %gather3A_423 = tpu.vector_load_idx %arg30[%add3A_422, %and3A_6] : memref<384x16xf32, #tpu.memory_space<vmem>>[vector<16xi32>, vector<16xi32>], vector<16xf32>,
        %mul3A_424 = arith.constant 16 : i32
        %mul3A_425 = arith.muli %mul3A_424, %add3A_418 : i32
        %swap3A_426 = arith.index_cast %mul3A_425 : i32 to index
        %swap3A_427 = tpu.vector_load %arg27[%swap3A_426] {strides = array<i32>} : memref<1536xf32, #tpu.memory_space<vmem>>, vector<16xf32>,
        tpu.vector_store %arg27[%swap3A_426], %gather3A_423 {strides = array<i32>} : memref<1536xf32, #tpu.memory_space<vmem>>, vector<16xf32>,
        %scan3A_428 = arith.constant 3 : i32
        %scan3A_429 = arith.addi %scan3A_386, %scan3A_428 : i32
        %mul3A_430 = arith.constant 1 : i32
        %mul3A_431 = arith.muli %scan3A_429, %mul3A_430 : i32
        %add3A_432 = arith.constant 0 : i32
        %add3A_433 = arith.addi %add3A_432, %mul3A_431 : i32
        %mul3A_434 = arith.constant 4 : i32
        %mul3A_435 = arith.muli %mul3A_434, %add3A_433 : i32
        %add3A_436 = vector.broadcast %mul3A_435 : i32 to vector<16xi32>
        %add3A_437 = arith.addi %add3A_436, %shift_right_arithmetic3A_4 : vector<16xi32>
        %gather3A_438 = tpu.vector_load_idx %arg30[%add3A_437, %and3A_6] : memref<384x16xf32, #tpu.memory_space<vmem>>[vector<16xi32>, vector<16xi32>], vector<16xf32>,
        %mul3A_439 = arith.constant 16 : i32
        %mul3A_440 = arith.muli %mul3A_439, %add3A_433 : i32
        %swap3A_441 = arith.index_cast %mul3A_440 : i32 to index
        %swap3A_442 = tpu.vector_load %arg27[%swap3A_441] {strides = array<i32>} : memref<1536xf32, #tpu.memory_space<vmem>>, vector<16xf32>,
        tpu.vector_store %arg27[%swap3A_441], %gather3A_438 {strides = array<i32>} : memref<1536xf32, #tpu.memory_space<vmem>>, vector<16xf32>,
      }
      %scan3A_250 = arith.constant 96 : i32
      %mul3A_251 = arith.constant 41472 : i32
      %mul3A_252 = arith.muli %add3A, %mul3A_251 : i32
      %mul3A_253 = arith.constant 384 : i32
      %mul3A_254 = arith.muli %add3A_224, %mul3A_253 : i32
      %add3A_255 = arith.addi %mul3A_252, %mul3A_254 : i32
      %mul3A_256 = arith.constant 4 : i32
      %mul3A_257 = arith.muli %mul3A_256, %add3A_255 : i32
      %dma_start3A_258 = tpu.memref_slice %arg8[%mul3A_257] : memref<5308416xf32, #tpu.memory_space<hbm>> -> memref<1536xf32, #tpu.memory_space<hbm>>
      %dma_start3A_259 = tpu.memref_slice %arg8[%mul3A_257] : memref<5308416xf32, #tpu.memory_space<hbm>> -> memref<1536xf32, #tpu.memory_space<hbm>>
      tpu.enqueue_dma source(%arg27 : memref<1536xf32, #tpu.memory_space<vmem>>) target(%dma_start3A_259 : memref<1536xf32, #tpu.memory_space<hbm>>) target_semaphore(%arg41 : memref<!tpu.dma_semaphore, #tpu.memory_space<semaphore_mem>>)
      %add3A_260 = arith.constant 4 : i32
      %add3A_261 = arith.addi %add3A_224, %add3A_260 : i32
      %lt3A_262 = arith.constant 108 : i32
      %lt3A_263 = arith.cmpi slt, %add3A_261, %lt3A_262 : i32
      %convert_element_type3A_264 = arith.extui %lt3A_263 : i1 to i32
      %cond3A_265 = arith.constant 0 : i32
      %cond3A_266 = arith.cmpi ne, %convert_element_type3A_264, %cond3A_265 : i32
      scf.if %cond3A_266 {
        %add3A_386 = arith.constant 4 : i32
        %add3A_387 = arith.addi %add3A_224, %add3A_386 : i32
        %mul3A_388 = arith.constant 41472 : i32
        %mul3A_389 = arith.muli %add3A, %mul3A_388 : i32
        %mul3A_390 = arith.constant 384 : i32
        %mul3A_391 = arith.muli %add3A_387, %mul3A_390 : i32
        %add3A_392 = arith.addi %mul3A_389, %mul3A_391 : i32
        %dma_start3A_393 = tpu.memref_slice %arg2[%add3A_392] : memref<1327104xi32, #tpu.memory_space<hbm>> -> memref<384xi32, #tpu.memory_space<hbm>>
        %dma_start3A_394 = tpu.memref_slice %arg2[%add3A_392] : memref<1327104xi32, #tpu.memory_space<hbm>> -> memref<384xi32, #tpu.memory_space<hbm>>
        tpu.enqueue_dma source(%dma_start3A_394 : memref<384xi32, #tpu.memory_space<hbm>>) target(%arg11 : memref<384xi32, #tpu.memory_space<vmem>>) target_semaphore(%arg33 : memref<!tpu.dma_semaphore, #tpu.memory_space<semaphore_mem>>)
        %dma_start3A_395 = arith.constant 0 : i32
        %dma_start3A_396 = arith.constant 0 : i32
        %dma_start3A_397 = tpu.memref_slice %arg15[%dma_start3A_395, %dma_start3A_396] : memref<1x384xi32, #tpu.memory_space<vmem>> -> memref<1x384xi32, #tpu.memory_space<vmem>>
        %dma_start3A_398 = tpu.memref_squeeze %dma_start3A_397 : memref<1x384xi32, #tpu.memory_space<vmem>> -> memref<384xi32, #tpu.memory_space<vmem>>
        %dma_start3A_399 = tpu.memref_slice %arg3[%add3A_392] : memref<1327104xi32, #tpu.memory_space<hbm>> -> memref<384xi32, #tpu.memory_space<hbm>>
        %dma_start3A_400 = arith.constant 0 : i32
        %dma_start3A_401 = tpu.memref_slice %arg15[%dma_start3A_395, %dma_start3A_400] : memref<1x384xi32, #tpu.memory_space<vmem>> -> memref<1x384xi32, #tpu.memory_space<vmem>>
        %dma_start3A_402 = tpu.memref_squeeze %dma_start3A_401 : memref<1x384xi32, #tpu.memory_space<vmem>> -> memref<384xi32, #tpu.memory_space<vmem>>
        %dma_start3A_403 = tpu.memref_slice %arg3[%add3A_392] : memref<1327104xi32, #tpu.memory_space<hbm>> -> memref<384xi32, #tpu.memory_space<hbm>>
        tpu.enqueue_dma source(%dma_start3A_403 : memref<384xi32, #tpu.memory_space<hbm>>) target(%dma_start3A_402 : memref<384xi32, #tpu.memory_space<vmem>>) target_semaphore(%arg33 : memref<!tpu.dma_semaphore, #tpu.memory_space<semaphore_mem>>)
      } else {
      }
      %add3A_267 = arith.constant 4 : i32
      %add3A_268 = arith.addi %add3A_224, %add3A_267 : i32
      %sub3A_269 = arith.constant 1 : i32
      %sub3A_270 = arith.subi %add3A_268, %sub3A_269 : i32
      %lt3A_271 = arith.constant 108 : i32
      %lt3A_272 = arith.cmpi slt, %sub3A_270, %lt3A_271 : i32
      %convert_element_type3A_273 = arith.extui %lt3A_272 : i1 to i32
      %cond3A_274 = arith.constant 0 : i32
      %cond3A_275 = arith.cmpi ne, %convert_element_type3A_273, %cond3A_274 : i32
      scf.if %cond3A_275 {
        %dma_wait3A_386 = arith.constant 0 : i32
        %dma_wait3A_387 = tpu.memref_slice %arg2[%dma_wait3A_386] : memref<1327104xi32, #tpu.memory_space<hbm>> -> memref<384xi32, #tpu.memory_space<hbm>>
        %dma_wait3A_388 = arith.constant 0 : i32
        %dma_wait3A_389 = tpu.memref_slice %arg2[%dma_wait3A_388] : memref<1327104xi32, #tpu.memory_space<hbm>> -> memref<384xi32, #tpu.memory_space<hbm>>
        tpu.wait_dma2 semaphore(%arg32 : memref<!tpu.dma_semaphore, #tpu.memory_space<semaphore_mem>>) src(%dma_wait3A_389 : memref<384xi32, #tpu.memory_space<hbm>>) dst(%arg10 : memref<384xi32, #tpu.memory_space<vmem>>)
        %dma_wait3A_390 = arith.constant 0 : i32
        %dma_wait3A_391 = arith.constant 0 : i32
        %dma_wait3A_392 = tpu.memref_slice %arg14[%dma_wait3A_390, %dma_wait3A_391] : memref<1x384xi32, #tpu.memory_space<vmem>> -> memref<1x384xi32, #tpu.memory_space<vmem>>
        %dma_wait3A_393 = tpu.memref_squeeze %dma_wait3A_392 : memref<1x384xi32, #tpu.memory_space<vmem>> -> memref<384xi32, #tpu.memory_space<vmem>>
        %dma_wait3A_394 = arith.constant 0 : i32
        %dma_wait3A_395 = tpu.memref_slice %arg3[%dma_wait3A_394] : memref<1327104xi32, #tpu.memory_space<hbm>> -> memref<384xi32, #tpu.memory_space<hbm>>
        %dma_wait3A_396 = arith.constant 0 : i32
        %dma_wait3A_397 = tpu.memref_slice %arg14[%dma_wait3A_390, %dma_wait3A_396] : memref<1x384xi32, #tpu.memory_space<vmem>> -> memref<1x384xi32, #tpu.memory_space<vmem>>
        %dma_wait3A_398 = tpu.memref_squeeze %dma_wait3A_397 : memref<1x384xi32, #tpu.memory_space<vmem>> -> memref<384xi32, #tpu.memory_space<vmem>>
        %dma_wait3A_399 = arith.constant 0 : i32
        %dma_wait3A_400 = tpu.memref_slice %arg3[%dma_wait3A_399] : memref<1327104xi32, #tpu.memory_space<hbm>> -> memref<384xi32, #tpu.memory_space<hbm>>
        tpu.wait_dma2 semaphore(%arg32 : memref<!tpu.dma_semaphore, #tpu.memory_space<semaphore_mem>>) src(%dma_wait3A_400 : memref<384xi32, #tpu.memory_space<hbm>>) dst(%dma_wait3A_398 : memref<384xi32, #tpu.memory_space<vmem>>)
        %dma_start3A_401 = arith.constant 0 : i32
        %dma_start3A_402 = arith.constant 0 : i32
        %dma_start3A_403 = tpu.memref_slice %arg4[%dma_start3A_401, %dma_start3A_402] : memref<40960x16xf32, #tpu.memory_space<hbm>> -> memref<40960x16xf32, #tpu.memory_space<hbm>>
        tpu.enqueue_indirect_dma source(%dma_start3A_403 : memref<40960x16xf32, #tpu.memory_space<hbm>>) target(%arg18 : memref<384x16xf32, #tpu.memory_space<vmem>>) offsets(%arg10 : memref<384xi32, #tpu.memory_space<vmem>>) semaphore(%arg36 : memref<!tpu.dma_semaphore, #tpu.memory_space<semaphore_mem>>)
        %dma_start3A_404 = arith.constant 0 : i32
        %dma_start3A_405 = arith.constant 0 : i32
        %dma_start3A_406 = tpu.memref_slice %arg14[%dma_start3A_404, %dma_start3A_405] : memref<1x384xi32, #tpu.memory_space<vmem>> -> memref<1x384xi32, #tpu.memory_space<vmem>>
        %dma_start3A_407 = tpu.memref_squeeze %dma_start3A_406 : memref<1x384xi32, #tpu.memory_space<vmem>> -> memref<384xi32, #tpu.memory_space<vmem>>
        %dma_start3A_408 = arith.constant 0 : i32
        %dma_start3A_409 = arith.constant 0 : i32
        %dma_start3A_410 = tpu.memref_slice %arg5[%dma_start3A_408, %dma_start3A_409] : memref<40960x16xf32, #tpu.memory_space<hbm>> -> memref<40960x16xf32, #tpu.memory_space<hbm>>
        tpu.enqueue_indirect_dma source(%dma_start3A_410 : memref<40960x16xf32, #tpu.memory_space<hbm>>) target(%arg22 : memref<384x16xf32, #tpu.memory_space<vmem>>) offsets(%dma_start3A_407 : memref<384xi32, #tpu.memory_space<vmem>>) semaphore(%arg36 : memref<!tpu.dma_semaphore, #tpu.memory_space<semaphore_mem>>)
      } else {
      }
      %mul3A_276 = arith.constant 4 : i32
      %mul3A_277 = arith.muli %mul3A_276, %add3A_171 : i32
      %add3A_278 = arith.constant 2 : i32
      %add3A_279 = arith.addi %mul3A_277, %add3A_278 : i32
      %dma_wait3A_280 = arith.constant 0 : i32
      %dma_wait3A_281 = arith.constant 0 : i32
      %dma_wait3A_282 = tpu.memref_slice %arg4[%dma_wait3A_280, %dma_wait3A_281] : memref<40960x16xf32, #tpu.memory_space<hbm>> -> memref<40960x16xf32, #tpu.memory_space<hbm>>
      tpu.wait_indirect_dma semaphore(%arg38 : memref<!tpu.dma_semaphore, #tpu.memory_space<semaphore_mem>>) src(%dma_wait3A_282 : memref<40960x16xf32, #tpu.memory_space<hbm>>) dst(%arg20 : memref<384x16xf32, #tpu.memory_space<vmem>>)
      %dma_wait3A_283 = arith.constant 0 : i32
      %dma_wait3A_284 = arith.constant 0 : i32
      %dma_wait3A_285 = tpu.memref_slice %arg16[%dma_wait3A_283, %dma_wait3A_284] : memref<1x384xi32, #tpu.memory_space<vmem>> -> memref<1x384xi32, #tpu.memory_space<vmem>>
      %dma_wait3A_286 = tpu.memref_squeeze %dma_wait3A_285 : memref<1x384xi32, #tpu.memory_space<vmem>> -> memref<384xi32, #tpu.memory_space<vmem>>
      %dma_wait3A_287 = arith.constant 0 : i32
      %dma_wait3A_288 = arith.constant 0 : i32
      %dma_wait3A_289 = tpu.memref_slice %arg5[%dma_wait3A_287, %dma_wait3A_288] : memref<40960x16xf32, #tpu.memory_space<hbm>> -> memref<40960x16xf32, #tpu.memory_space<hbm>>
      tpu.wait_indirect_dma semaphore(%arg38 : memref<!tpu.dma_semaphore, #tpu.memory_space<semaphore_mem>>) src(%dma_wait3A_289 : memref<40960x16xf32, #tpu.memory_space<hbm>>) dst(%arg24 : memref<384x16xf32, #tpu.memory_space<vmem>>)
      %scan3A_290 = arith.constant 0 : i32
      %scan3A_291 = arith.constant 384 : i32
      %scan3A_292 = arith.addi %scan3A_290, %scan3A_291 : i32
      %scan3A_293 = arith.constant 16 : i32
      scf.for %scan3A_386 = %scan3A_290 to %scan3A_292 step %scan3A_293  : i32 {
        %mul3A_387 = arith.constant 1 : i32
        %mul3A_388 = arith.muli %scan3A_386, %mul3A_387 : i32
        %add3A_389 = arith.constant 0 : i32
        %add3A_390 = arith.addi %add3A_389, %mul3A_388 : i32
        %get3A_391 = arith.index_cast %add3A_390 : i32 to index
        %get3A_392 = arith.constant 0 : index
        %get3A_393 = tpu.vector_load %arg20[%get3A_391, %get3A_392] {strides = array<i32>} : memref<384x16xf32, #tpu.memory_space<vmem>>, vector<16xf32>,
        %get3A_394 = arith.index_cast %add3A_390 : i32 to index
        %get3A_395 = arith.constant 0 : index
        %get3A_396 = tpu.vector_load %arg24[%get3A_394, %get3A_395] {strides = array<i32>} : memref<384x16xf32, #tpu.memory_space<vmem>>, vector<16xf32>,
        %add3A_397 = arith.addf %get3A_393, %get3A_396 : vector<16xf32>
        %mul3A_398 = arith.constant 2.000000e-01 : f32
        %mul3A_399 = vector.broadcast %mul3A_398 : f32 to vector<16xf32>
        %mul3A_400 = arith.mulf %add3A_397, %mul3A_399 : vector<16xf32>
        %max3A = arith.maximumf %add3A_397, %mul3A_400 : vector<16xf32>
        %sub3A_401 = arith.subf %max3A, %get3A_7 : vector<16xf32>
        %exp3A = math.exp %sub3A_401 : vector<16xf32>
        %swap3A = arith.index_cast %add3A_390 : i32 to index
        %swap3A_402 = arith.constant 0 : index
        %swap3A_403 = tpu.vector_load %arg30[%swap3A, %swap3A_402] {strides = array<i32>} : memref<384x16xf32, #tpu.memory_space<vmem>>, vector<16xf32>,
        tpu.vector_store %arg30[%swap3A, %swap3A_402], %exp3A {strides = array<i32>} : memref<384x16xf32, #tpu.memory_space<vmem>>, vector<16xf32>,
        %scan3A_404 = arith.constant 1 : i32
        %scan3A_405 = arith.addi %scan3A_386, %scan3A_404 : i32
        %mul3A_406 = arith.constant 1 : i32
        %mul3A_407 = arith.muli %scan3A_405, %mul3A_406 : i32
        %add3A_408 = arith.constant 0 : i32
        %add3A_409 = arith.addi %add3A_408, %mul3A_407 : i32
        %get3A_410 = arith.index_cast %add3A_409 : i32 to index
        %get3A_411 = arith.constant 0 : index
        %get3A_412 = tpu.vector_load %arg20[%get3A_410, %get3A_411] {strides = array<i32>} : memref<384x16xf32, #tpu.memory_space<vmem>>, vector<16xf32>,
        %get3A_413 = arith.index_cast %add3A_409 : i32 to index
        %get3A_414 = arith.constant 0 : index
        %get3A_415 = tpu.vector_load %arg24[%get3A_413, %get3A_414] {strides = array<i32>} : memref<384x16xf32, #tpu.memory_space<vmem>>, vector<16xf32>,
        %add3A_416 = arith.addf %get3A_412, %get3A_415 : vector<16xf32>
        %mul3A_417 = arith.constant 2.000000e-01 : f32
        %mul3A_418 = vector.broadcast %mul3A_417 : f32 to vector<16xf32>
        %mul3A_419 = arith.mulf %add3A_416, %mul3A_418 : vector<16xf32>
        %max3A_420 = arith.maximumf %add3A_416, %mul3A_419 : vector<16xf32>
        %sub3A_421 = arith.subf %max3A_420, %get3A_7 : vector<16xf32>
        %exp3A_422 = math.exp %sub3A_421 : vector<16xf32>
        %swap3A_423 = arith.index_cast %add3A_409 : i32 to index
        %swap3A_424 = arith.constant 0 : index
        %swap3A_425 = tpu.vector_load %arg30[%swap3A_423, %swap3A_424] {strides = array<i32>} : memref<384x16xf32, #tpu.memory_space<vmem>>, vector<16xf32>,
        tpu.vector_store %arg30[%swap3A_423, %swap3A_424], %exp3A_422 {strides = array<i32>} : memref<384x16xf32, #tpu.memory_space<vmem>>, vector<16xf32>,
        %scan3A_426 = arith.constant 2 : i32
        %scan3A_427 = arith.addi %scan3A_386, %scan3A_426 : i32
        %mul3A_428 = arith.constant 1 : i32
        %mul3A_429 = arith.muli %scan3A_427, %mul3A_428 : i32
        %add3A_430 = arith.constant 0 : i32
        %add3A_431 = arith.addi %add3A_430, %mul3A_429 : i32
        %get3A_432 = arith.index_cast %add3A_431 : i32 to index
        %get3A_433 = arith.constant 0 : index
        %get3A_434 = tpu.vector_load %arg20[%get3A_432, %get3A_433] {strides = array<i32>} : memref<384x16xf32, #tpu.memory_space<vmem>>, vector<16xf32>,
        %get3A_435 = arith.index_cast %add3A_431 : i32 to index
        %get3A_436 = arith.constant 0 : index
        %get3A_437 = tpu.vector_load %arg24[%get3A_435, %get3A_436] {strides = array<i32>} : memref<384x16xf32, #tpu.memory_space<vmem>>, vector<16xf32>,
        %add3A_438 = arith.addf %get3A_434, %get3A_437 : vector<16xf32>
        %mul3A_439 = arith.constant 2.000000e-01 : f32
        %mul3A_440 = vector.broadcast %mul3A_439 : f32 to vector<16xf32>
        %mul3A_441 = arith.mulf %add3A_438, %mul3A_440 : vector<16xf32>
        %max3A_442 = arith.maximumf %add3A_438, %mul3A_441 : vector<16xf32>
        %sub3A_443 = arith.subf %max3A_442, %get3A_7 : vector<16xf32>
        %exp3A_444 = math.exp %sub3A_443 : vector<16xf32>
        %swap3A_445 = arith.index_cast %add3A_431 : i32 to index
        %swap3A_446 = arith.constant 0 : index
        %swap3A_447 = tpu.vector_load %arg30[%swap3A_445, %swap3A_446] {strides = array<i32>} : memref<384x16xf32, #tpu.memory_space<vmem>>, vector<16xf32>,
        tpu.vector_store %arg30[%swap3A_445, %swap3A_446], %exp3A_444 {strides = array<i32>} : memref<384x16xf32, #tpu.memory_space<vmem>>, vector<16xf32>,
        %scan3A_448 = arith.constant 3 : i32
        %scan3A_449 = arith.addi %scan3A_386, %scan3A_448 : i32
        %mul3A_450 = arith.constant 1 : i32
        %mul3A_451 = arith.muli %scan3A_449, %mul3A_450 : i32
        %add3A_452 = arith.constant 0 : i32
        %add3A_453 = arith.addi %add3A_452, %mul3A_451 : i32
        %get3A_454 = arith.index_cast %add3A_453 : i32 to index
        %get3A_455 = arith.constant 0 : index
        %get3A_456 = tpu.vector_load %arg20[%get3A_454, %get3A_455] {strides = array<i32>} : memref<384x16xf32, #tpu.memory_space<vmem>>, vector<16xf32>,
        %get3A_457 = arith.index_cast %add3A_453 : i32 to index
        %get3A_458 = arith.constant 0 : index
        %get3A_459 = tpu.vector_load %arg24[%get3A_457, %get3A_458] {strides = array<i32>} : memref<384x16xf32, #tpu.memory_space<vmem>>, vector<16xf32>,
        %add3A_460 = arith.addf %get3A_456, %get3A_459 : vector<16xf32>
        %mul3A_461 = arith.constant 2.000000e-01 : f32
        %mul3A_462 = vector.broadcast %mul3A_461 : f32 to vector<16xf32>
        %mul3A_463 = arith.mulf %add3A_460, %mul3A_462 : vector<16xf32>
        %max3A_464 = arith.maximumf %add3A_460, %mul3A_463 : vector<16xf32>
        %sub3A_465 = arith.subf %max3A_464, %get3A_7 : vector<16xf32>
        %exp3A_466 = math.exp %sub3A_465 : vector<16xf32>
        %swap3A_467 = arith.index_cast %add3A_453 : i32 to index
        %swap3A_468 = arith.constant 0 : index
        %swap3A_469 = tpu.vector_load %arg30[%swap3A_467, %swap3A_468] {strides = array<i32>} : memref<384x16xf32, #tpu.memory_space<vmem>>, vector<16xf32>,
        tpu.vector_store %arg30[%swap3A_467, %swap3A_468], %exp3A_466 {strides = array<i32>} : memref<384x16xf32, #tpu.memory_space<vmem>>, vector<16xf32>,
        %scan3A_470 = arith.constant 4 : i32
        %scan3A_471 = arith.addi %scan3A_386, %scan3A_470 : i32
        %mul3A_472 = arith.constant 1 : i32
        %mul3A_473 = arith.muli %scan3A_471, %mul3A_472 : i32
        %add3A_474 = arith.constant 0 : i32
        %add3A_475 = arith.addi %add3A_474, %mul3A_473 : i32
        %get3A_476 = arith.index_cast %add3A_475 : i32 to index
        %get3A_477 = arith.constant 0 : index
        %get3A_478 = tpu.vector_load %arg20[%get3A_476, %get3A_477] {strides = array<i32>} : memref<384x16xf32, #tpu.memory_space<vmem>>, vector<16xf32>,
        %get3A_479 = arith.index_cast %add3A_475 : i32 to index
        %get3A_480 = arith.constant 0 : index
        %get3A_481 = tpu.vector_load %arg24[%get3A_479, %get3A_480] {strides = array<i32>} : memref<384x16xf32, #tpu.memory_space<vmem>>, vector<16xf32>,
        %add3A_482 = arith.addf %get3A_478, %get3A_481 : vector<16xf32>
        %mul3A_483 = arith.constant 2.000000e-01 : f32
        %mul3A_484 = vector.broadcast %mul3A_483 : f32 to vector<16xf32>
        %mul3A_485 = arith.mulf %add3A_482, %mul3A_484 : vector<16xf32>
        %max3A_486 = arith.maximumf %add3A_482, %mul3A_485 : vector<16xf32>
        %sub3A_487 = arith.subf %max3A_486, %get3A_7 : vector<16xf32>
        %exp3A_488 = math.exp %sub3A_487 : vector<16xf32>
        %swap3A_489 = arith.index_cast %add3A_475 : i32 to index
        %swap3A_490 = arith.constant 0 : index
        %swap3A_491 = tpu.vector_load %arg30[%swap3A_489, %swap3A_490] {strides = array<i32>} : memref<384x16xf32, #tpu.memory_space<vmem>>, vector<16xf32>,
        tpu.vector_store %arg30[%swap3A_489, %swap3A_490], %exp3A_488 {strides = array<i32>} : memref<384x16xf32, #tpu.memory_space<vmem>>, vector<16xf32>,
        %scan3A_492 = arith.constant 5 : i32
        %scan3A_493 = arith.addi %scan3A_386, %scan3A_492 : i32
        %mul3A_494 = arith.constant 1 : i32
        %mul3A_495 = arith.muli %scan3A_493, %mul3A_494 : i32
        %add3A_496 = arith.constant 0 : i32
        %add3A_497 = arith.addi %add3A_496, %mul3A_495 : i32
        %get3A_498 = arith.index_cast %add3A_497 : i32 to index
        %get3A_499 = arith.constant 0 : index
        %get3A_500 = tpu.vector_load %arg20[%get3A_498, %get3A_499] {strides = array<i32>} : memref<384x16xf32, #tpu.memory_space<vmem>>, vector<16xf32>,
        %get3A_501 = arith.index_cast %add3A_497 : i32 to index
        %get3A_502 = arith.constant 0 : index
        %get3A_503 = tpu.vector_load %arg24[%get3A_501, %get3A_502] {strides = array<i32>} : memref<384x16xf32, #tpu.memory_space<vmem>>, vector<16xf32>,
        %add3A_504 = arith.addf %get3A_500, %get3A_503 : vector<16xf32>
        %mul3A_505 = arith.constant 2.000000e-01 : f32
        %mul3A_506 = vector.broadcast %mul3A_505 : f32 to vector<16xf32>
        %mul3A_507 = arith.mulf %add3A_504, %mul3A_506 : vector<16xf32>
        %max3A_508 = arith.maximumf %add3A_504, %mul3A_507 : vector<16xf32>
        %sub3A_509 = arith.subf %max3A_508, %get3A_7 : vector<16xf32>
        %exp3A_510 = math.exp %sub3A_509 : vector<16xf32>
        %swap3A_511 = arith.index_cast %add3A_497 : i32 to index
        %swap3A_512 = arith.constant 0 : index
        %swap3A_513 = tpu.vector_load %arg30[%swap3A_511, %swap3A_512] {strides = array<i32>} : memref<384x16xf32, #tpu.memory_space<vmem>>, vector<16xf32>,
        tpu.vector_store %arg30[%swap3A_511, %swap3A_512], %exp3A_510 {strides = array<i32>} : memref<384x16xf32, #tpu.memory_space<vmem>>, vector<16xf32>,
        %scan3A_514 = arith.constant 6 : i32
        %scan3A_515 = arith.addi %scan3A_386, %scan3A_514 : i32
        %mul3A_516 = arith.constant 1 : i32
        %mul3A_517 = arith.muli %scan3A_515, %mul3A_516 : i32
        %add3A_518 = arith.constant 0 : i32
        %add3A_519 = arith.addi %add3A_518, %mul3A_517 : i32
        %get3A_520 = arith.index_cast %add3A_519 : i32 to index
        %get3A_521 = arith.constant 0 : index
        %get3A_522 = tpu.vector_load %arg20[%get3A_520, %get3A_521] {strides = array<i32>} : memref<384x16xf32, #tpu.memory_space<vmem>>, vector<16xf32>,
        %get3A_523 = arith.index_cast %add3A_519 : i32 to index
        %get3A_524 = arith.constant 0 : index
        %get3A_525 = tpu.vector_load %arg24[%get3A_523, %get3A_524] {strides = array<i32>} : memref<384x16xf32, #tpu.memory_space<vmem>>, vector<16xf32>,
        %add3A_526 = arith.addf %get3A_522, %get3A_525 : vector<16xf32>
        %mul3A_527 = arith.constant 2.000000e-01 : f32
        %mul3A_528 = vector.broadcast %mul3A_527 : f32 to vector<16xf32>
        %mul3A_529 = arith.mulf %add3A_526, %mul3A_528 : vector<16xf32>
        %max3A_530 = arith.maximumf %add3A_526, %mul3A_529 : vector<16xf32>
        %sub3A_531 = arith.subf %max3A_530, %get3A_7 : vector<16xf32>
        %exp3A_532 = math.exp %sub3A_531 : vector<16xf32>
        %swap3A_533 = arith.index_cast %add3A_519 : i32 to index
        %swap3A_534 = arith.constant 0 : index
        %swap3A_535 = tpu.vector_load %arg30[%swap3A_533, %swap3A_534] {strides = array<i32>} : memref<384x16xf32, #tpu.memory_space<vmem>>, vector<16xf32>,
        tpu.vector_store %arg30[%swap3A_533, %swap3A_534], %exp3A_532 {strides = array<i32>} : memref<384x16xf32, #tpu.memory_space<vmem>>, vector<16xf32>,
        %scan3A_536 = arith.constant 7 : i32
        %scan3A_537 = arith.addi %scan3A_386, %scan3A_536 : i32
        %mul3A_538 = arith.constant 1 : i32
        %mul3A_539 = arith.muli %scan3A_537, %mul3A_538 : i32
        %add3A_540 = arith.constant 0 : i32
        %add3A_541 = arith.addi %add3A_540, %mul3A_539 : i32
        %get3A_542 = arith.index_cast %add3A_541 : i32 to index
        %get3A_543 = arith.constant 0 : index
        %get3A_544 = tpu.vector_load %arg20[%get3A_542, %get3A_543] {strides = array<i32>} : memref<384x16xf32, #tpu.memory_space<vmem>>, vector<16xf32>,
        %get3A_545 = arith.index_cast %add3A_541 : i32 to index
        %get3A_546 = arith.constant 0 : index
        %get3A_547 = tpu.vector_load %arg24[%get3A_545, %get3A_546] {strides = array<i32>} : memref<384x16xf32, #tpu.memory_space<vmem>>, vector<16xf32>,
        %add3A_548 = arith.addf %get3A_544, %get3A_547 : vector<16xf32>
        %mul3A_549 = arith.constant 2.000000e-01 : f32
        %mul3A_550 = vector.broadcast %mul3A_549 : f32 to vector<16xf32>
        %mul3A_551 = arith.mulf %add3A_548, %mul3A_550 : vector<16xf32>
        %max3A_552 = arith.maximumf %add3A_548, %mul3A_551 : vector<16xf32>
        %sub3A_553 = arith.subf %max3A_552, %get3A_7 : vector<16xf32>
        %exp3A_554 = math.exp %sub3A_553 : vector<16xf32>
        %swap3A_555 = arith.index_cast %add3A_541 : i32 to index
        %swap3A_556 = arith.constant 0 : index
        %swap3A_557 = tpu.vector_load %arg30[%swap3A_555, %swap3A_556] {strides = array<i32>} : memref<384x16xf32, #tpu.memory_space<vmem>>, vector<16xf32>,
        tpu.vector_store %arg30[%swap3A_555, %swap3A_556], %exp3A_554 {strides = array<i32>} : memref<384x16xf32, #tpu.memory_space<vmem>>, vector<16xf32>,
        %scan3A_558 = arith.constant 8 : i32
        %scan3A_559 = arith.addi %scan3A_386, %scan3A_558 : i32
        %mul3A_560 = arith.constant 1 : i32
        %mul3A_561 = arith.muli %scan3A_559, %mul3A_560 : i32
        %add3A_562 = arith.constant 0 : i32
        %add3A_563 = arith.addi %add3A_562, %mul3A_561 : i32
        %get3A_564 = arith.index_cast %add3A_563 : i32 to index
        %get3A_565 = arith.constant 0 : index
        %get3A_566 = tpu.vector_load %arg20[%get3A_564, %get3A_565] {strides = array<i32>} : memref<384x16xf32, #tpu.memory_space<vmem>>, vector<16xf32>,
        %get3A_567 = arith.index_cast %add3A_563 : i32 to index
        %get3A_568 = arith.constant 0 : index
        %get3A_569 = tpu.vector_load %arg24[%get3A_567, %get3A_568] {strides = array<i32>} : memref<384x16xf32, #tpu.memory_space<vmem>>, vector<16xf32>,
        %add3A_570 = arith.addf %get3A_566, %get3A_569 : vector<16xf32>
        %mul3A_571 = arith.constant 2.000000e-01 : f32
        %mul3A_572 = vector.broadcast %mul3A_571 : f32 to vector<16xf32>
        %mul3A_573 = arith.mulf %add3A_570, %mul3A_572 : vector<16xf32>
        %max3A_574 = arith.maximumf %add3A_570, %mul3A_573 : vector<16xf32>
        %sub3A_575 = arith.subf %max3A_574, %get3A_7 : vector<16xf32>
        %exp3A_576 = math.exp %sub3A_575 : vector<16xf32>
        %swap3A_577 = arith.index_cast %add3A_563 : i32 to index
        %swap3A_578 = arith.constant 0 : index
        %swap3A_579 = tpu.vector_load %arg30[%swap3A_577, %swap3A_578] {strides = array<i32>} : memref<384x16xf32, #tpu.memory_space<vmem>>, vector<16xf32>,
        tpu.vector_store %arg30[%swap3A_577, %swap3A_578], %exp3A_576 {strides = array<i32>} : memref<384x16xf32, #tpu.memory_space<vmem>>, vector<16xf32>,
        %scan3A_580 = arith.constant 9 : i32
        %scan3A_581 = arith.addi %scan3A_386, %scan3A_580 : i32
        %mul3A_582 = arith.constant 1 : i32
        %mul3A_583 = arith.muli %scan3A_581, %mul3A_582 : i32
        %add3A_584 = arith.constant 0 : i32
        %add3A_585 = arith.addi %add3A_584, %mul3A_583 : i32
        %get3A_586 = arith.index_cast %add3A_585 : i32 to index
        %get3A_587 = arith.constant 0 : index
        %get3A_588 = tpu.vector_load %arg20[%get3A_586, %get3A_587] {strides = array<i32>} : memref<384x16xf32, #tpu.memory_space<vmem>>, vector<16xf32>,
        %get3A_589 = arith.index_cast %add3A_585 : i32 to index
        %get3A_590 = arith.constant 0 : index
        %get3A_591 = tpu.vector_load %arg24[%get3A_589, %get3A_590] {strides = array<i32>} : memref<384x16xf32, #tpu.memory_space<vmem>>, vector<16xf32>,
        %add3A_592 = arith.addf %get3A_588, %get3A_591 : vector<16xf32>
        %mul3A_593 = arith.constant 2.000000e-01 : f32
        %mul3A_594 = vector.broadcast %mul3A_593 : f32 to vector<16xf32>
        %mul3A_595 = arith.mulf %add3A_592, %mul3A_594 : vector<16xf32>
        %max3A_596 = arith.maximumf %add3A_592, %mul3A_595 : vector<16xf32>
        %sub3A_597 = arith.subf %max3A_596, %get3A_7 : vector<16xf32>
        %exp3A_598 = math.exp %sub3A_597 : vector<16xf32>
        %swap3A_599 = arith.index_cast %add3A_585 : i32 to index
        %swap3A_600 = arith.constant 0 : index
        %swap3A_601 = tpu.vector_load %arg30[%swap3A_599, %swap3A_600] {strides = array<i32>} : memref<384x16xf32, #tpu.memory_space<vmem>>, vector<16xf32>,
        tpu.vector_store %arg30[%swap3A_599, %swap3A_600], %exp3A_598 {strides = array<i32>} : memref<384x16xf32, #tpu.memory_space<vmem>>, vector<16xf32>,
        %scan3A_602 = arith.constant 10 : i32
        %scan3A_603 = arith.addi %scan3A_386, %scan3A_602 : i32
        %mul3A_604 = arith.constant 1 : i32
        %mul3A_605 = arith.muli %scan3A_603, %mul3A_604 : i32
        %add3A_606 = arith.constant 0 : i32
        %add3A_607 = arith.addi %add3A_606, %mul3A_605 : i32
        %get3A_608 = arith.index_cast %add3A_607 : i32 to index
        %get3A_609 = arith.constant 0 : index
        %get3A_610 = tpu.vector_load %arg20[%get3A_608, %get3A_609] {strides = array<i32>} : memref<384x16xf32, #tpu.memory_space<vmem>>, vector<16xf32>,
        %get3A_611 = arith.index_cast %add3A_607 : i32 to index
        %get3A_612 = arith.constant 0 : index
        %get3A_613 = tpu.vector_load %arg24[%get3A_611, %get3A_612] {strides = array<i32>} : memref<384x16xf32, #tpu.memory_space<vmem>>, vector<16xf32>,
        %add3A_614 = arith.addf %get3A_610, %get3A_613 : vector<16xf32>
        %mul3A_615 = arith.constant 2.000000e-01 : f32
        %mul3A_616 = vector.broadcast %mul3A_615 : f32 to vector<16xf32>
        %mul3A_617 = arith.mulf %add3A_614, %mul3A_616 : vector<16xf32>
        %max3A_618 = arith.maximumf %add3A_614, %mul3A_617 : vector<16xf32>
        %sub3A_619 = arith.subf %max3A_618, %get3A_7 : vector<16xf32>
        %exp3A_620 = math.exp %sub3A_619 : vector<16xf32>
        %swap3A_621 = arith.index_cast %add3A_607 : i32 to index
        %swap3A_622 = arith.constant 0 : index
        %swap3A_623 = tpu.vector_load %arg30[%swap3A_621, %swap3A_622] {strides = array<i32>} : memref<384x16xf32, #tpu.memory_space<vmem>>, vector<16xf32>,
        tpu.vector_store %arg30[%swap3A_621, %swap3A_622], %exp3A_620 {strides = array<i32>} : memref<384x16xf32, #tpu.memory_space<vmem>>, vector<16xf32>,
        %scan3A_624 = arith.constant 11 : i32
        %scan3A_625 = arith.addi %scan3A_386, %scan3A_624 : i32
        %mul3A_626 = arith.constant 1 : i32
        %mul3A_627 = arith.muli %scan3A_625, %mul3A_626 : i32
        %add3A_628 = arith.constant 0 : i32
        %add3A_629 = arith.addi %add3A_628, %mul3A_627 : i32
        %get3A_630 = arith.index_cast %add3A_629 : i32 to index
        %get3A_631 = arith.constant 0 : index
        %get3A_632 = tpu.vector_load %arg20[%get3A_630, %get3A_631] {strides = array<i32>} : memref<384x16xf32, #tpu.memory_space<vmem>>, vector<16xf32>,
        %get3A_633 = arith.index_cast %add3A_629 : i32 to index
        %get3A_634 = arith.constant 0 : index
        %get3A_635 = tpu.vector_load %arg24[%get3A_633, %get3A_634] {strides = array<i32>} : memref<384x16xf32, #tpu.memory_space<vmem>>, vector<16xf32>,
        %add3A_636 = arith.addf %get3A_632, %get3A_635 : vector<16xf32>
        %mul3A_637 = arith.constant 2.000000e-01 : f32
        %mul3A_638 = vector.broadcast %mul3A_637 : f32 to vector<16xf32>
        %mul3A_639 = arith.mulf %add3A_636, %mul3A_638 : vector<16xf32>
        %max3A_640 = arith.maximumf %add3A_636, %mul3A_639 : vector<16xf32>
        %sub3A_641 = arith.subf %max3A_640, %get3A_7 : vector<16xf32>
        %exp3A_642 = math.exp %sub3A_641 : vector<16xf32>
        %swap3A_643 = arith.index_cast %add3A_629 : i32 to index
        %swap3A_644 = arith.constant 0 : index
        %swap3A_645 = tpu.vector_load %arg30[%swap3A_643, %swap3A_644] {strides = array<i32>} : memref<384x16xf32, #tpu.memory_space<vmem>>, vector<16xf32>,
        tpu.vector_store %arg30[%swap3A_643, %swap3A_644], %exp3A_642 {strides = array<i32>} : memref<384x16xf32, #tpu.memory_space<vmem>>, vector<16xf32>,
        %scan3A_646 = arith.constant 12 : i32
        %scan3A_647 = arith.addi %scan3A_386, %scan3A_646 : i32
        %mul3A_648 = arith.constant 1 : i32
        %mul3A_649 = arith.muli %scan3A_647, %mul3A_648 : i32
        %add3A_650 = arith.constant 0 : i32
        %add3A_651 = arith.addi %add3A_650, %mul3A_649 : i32
        %get3A_652 = arith.index_cast %add3A_651 : i32 to index
        %get3A_653 = arith.constant 0 : index
        %get3A_654 = tpu.vector_load %arg20[%get3A_652, %get3A_653] {strides = array<i32>} : memref<384x16xf32, #tpu.memory_space<vmem>>, vector<16xf32>,
        %get3A_655 = arith.index_cast %add3A_651 : i32 to index
        %get3A_656 = arith.constant 0 : index
        %get3A_657 = tpu.vector_load %arg24[%get3A_655, %get3A_656] {strides = array<i32>} : memref<384x16xf32, #tpu.memory_space<vmem>>, vector<16xf32>,
        %add3A_658 = arith.addf %get3A_654, %get3A_657 : vector<16xf32>
        %mul3A_659 = arith.constant 2.000000e-01 : f32
        %mul3A_660 = vector.broadcast %mul3A_659 : f32 to vector<16xf32>
        %mul3A_661 = arith.mulf %add3A_658, %mul3A_660 : vector<16xf32>
        %max3A_662 = arith.maximumf %add3A_658, %mul3A_661 : vector<16xf32>
        %sub3A_663 = arith.subf %max3A_662, %get3A_7 : vector<16xf32>
        %exp3A_664 = math.exp %sub3A_663 : vector<16xf32>
        %swap3A_665 = arith.index_cast %add3A_651 : i32 to index
        %swap3A_666 = arith.constant 0 : index
        %swap3A_667 = tpu.vector_load %arg30[%swap3A_665, %swap3A_666] {strides = array<i32>} : memref<384x16xf32, #tpu.memory_space<vmem>>, vector<16xf32>,
        tpu.vector_store %arg30[%swap3A_665, %swap3A_666], %exp3A_664 {strides = array<i32>} : memref<384x16xf32, #tpu.memory_space<vmem>>, vector<16xf32>,
        %scan3A_668 = arith.constant 13 : i32
        %scan3A_669 = arith.addi %scan3A_386, %scan3A_668 : i32
        %mul3A_670 = arith.constant 1 : i32
        %mul3A_671 = arith.muli %scan3A_669, %mul3A_670 : i32
        %add3A_672 = arith.constant 0 : i32
        %add3A_673 = arith.addi %add3A_672, %mul3A_671 : i32
        %get3A_674 = arith.index_cast %add3A_673 : i32 to index
        %get3A_675 = arith.constant 0 : index
        %get3A_676 = tpu.vector_load %arg20[%get3A_674, %get3A_675] {strides = array<i32>} : memref<384x16xf32, #tpu.memory_space<vmem>>, vector<16xf32>,
        %get3A_677 = arith.index_cast %add3A_673 : i32 to index
        %get3A_678 = arith.constant 0 : index
        %get3A_679 = tpu.vector_load %arg24[%get3A_677, %get3A_678] {strides = array<i32>} : memref<384x16xf32, #tpu.memory_space<vmem>>, vector<16xf32>,
        %add3A_680 = arith.addf %get3A_676, %get3A_679 : vector<16xf32>
        %mul3A_681 = arith.constant 2.000000e-01 : f32
        %mul3A_682 = vector.broadcast %mul3A_681 : f32 to vector<16xf32>
        %mul3A_683 = arith.mulf %add3A_680, %mul3A_682 : vector<16xf32>
        %max3A_684 = arith.maximumf %add3A_680, %mul3A_683 : vector<16xf32>
        %sub3A_685 = arith.subf %max3A_684, %get3A_7 : vector<16xf32>
        %exp3A_686 = math.exp %sub3A_685 : vector<16xf32>
        %swap3A_687 = arith.index_cast %add3A_673 : i32 to index
        %swap3A_688 = arith.constant 0 : index
        %swap3A_689 = tpu.vector_load %arg30[%swap3A_687, %swap3A_688] {strides = array<i32>} : memref<384x16xf32, #tpu.memory_space<vmem>>, vector<16xf32>,
        tpu.vector_store %arg30[%swap3A_687, %swap3A_688], %exp3A_686 {strides = array<i32>} : memref<384x16xf32, #tpu.memory_space<vmem>>, vector<16xf32>,
        %scan3A_690 = arith.constant 14 : i32
        %scan3A_691 = arith.addi %scan3A_386, %scan3A_690 : i32
        %mul3A_692 = arith.constant 1 : i32
        %mul3A_693 = arith.muli %scan3A_691, %mul3A_692 : i32
        %add3A_694 = arith.constant 0 : i32
        %add3A_695 = arith.addi %add3A_694, %mul3A_693 : i32
        %get3A_696 = arith.index_cast %add3A_695 : i32 to index
        %get3A_697 = arith.constant 0 : index
        %get3A_698 = tpu.vector_load %arg20[%get3A_696, %get3A_697] {strides = array<i32>} : memref<384x16xf32, #tpu.memory_space<vmem>>, vector<16xf32>,
        %get3A_699 = arith.index_cast %add3A_695 : i32 to index
        %get3A_700 = arith.constant 0 : index
        %get3A_701 = tpu.vector_load %arg24[%get3A_699, %get3A_700] {strides = array<i32>} : memref<384x16xf32, #tpu.memory_space<vmem>>, vector<16xf32>,
        %add3A_702 = arith.addf %get3A_698, %get3A_701 : vector<16xf32>
        %mul3A_703 = arith.constant 2.000000e-01 : f32
        %mul3A_704 = vector.broadcast %mul3A_703 : f32 to vector<16xf32>
        %mul3A_705 = arith.mulf %add3A_702, %mul3A_704 : vector<16xf32>
        %max3A_706 = arith.maximumf %add3A_702, %mul3A_705 : vector<16xf32>
        %sub3A_707 = arith.subf %max3A_706, %get3A_7 : vector<16xf32>
        %exp3A_708 = math.exp %sub3A_707 : vector<16xf32>
        %swap3A_709 = arith.index_cast %add3A_695 : i32 to index
        %swap3A_710 = arith.constant 0 : index
        %swap3A_711 = tpu.vector_load %arg30[%swap3A_709, %swap3A_710] {strides = array<i32>} : memref<384x16xf32, #tpu.memory_space<vmem>>, vector<16xf32>,
        tpu.vector_store %arg30[%swap3A_709, %swap3A_710], %exp3A_708 {strides = array<i32>} : memref<384x16xf32, #tpu.memory_space<vmem>>, vector<16xf32>,
        %scan3A_712 = arith.constant 15 : i32
        %scan3A_713 = arith.addi %scan3A_386, %scan3A_712 : i32
        %mul3A_714 = arith.constant 1 : i32
        %mul3A_715 = arith.muli %scan3A_713, %mul3A_714 : i32
        %add3A_716 = arith.constant 0 : i32
        %add3A_717 = arith.addi %add3A_716, %mul3A_715 : i32
        %get3A_718 = arith.index_cast %add3A_717 : i32 to index
        %get3A_719 = arith.constant 0 : index
        %get3A_720 = tpu.vector_load %arg20[%get3A_718, %get3A_719] {strides = array<i32>} : memref<384x16xf32, #tpu.memory_space<vmem>>, vector<16xf32>,
        %get3A_721 = arith.index_cast %add3A_717 : i32 to index
        %get3A_722 = arith.constant 0 : index
        %get3A_723 = tpu.vector_load %arg24[%get3A_721, %get3A_722] {strides = array<i32>} : memref<384x16xf32, #tpu.memory_space<vmem>>, vector<16xf32>,
        %add3A_724 = arith.addf %get3A_720, %get3A_723 : vector<16xf32>
        %mul3A_725 = arith.constant 2.000000e-01 : f32
        %mul3A_726 = vector.broadcast %mul3A_725 : f32 to vector<16xf32>
        %mul3A_727 = arith.mulf %add3A_724, %mul3A_726 : vector<16xf32>
        %max3A_728 = arith.maximumf %add3A_724, %mul3A_727 : vector<16xf32>
        %sub3A_729 = arith.subf %max3A_728, %get3A_7 : vector<16xf32>
        %exp3A_730 = math.exp %sub3A_729 : vector<16xf32>
        %swap3A_731 = arith.index_cast %add3A_717 : i32 to index
        %swap3A_732 = arith.constant 0 : index
        %swap3A_733 = tpu.vector_load %arg30[%swap3A_731, %swap3A_732] {strides = array<i32>} : memref<384x16xf32, #tpu.memory_space<vmem>>, vector<16xf32>,
        tpu.vector_store %arg30[%swap3A_731, %swap3A_732], %exp3A_730 {strides = array<i32>} : memref<384x16xf32, #tpu.memory_space<vmem>>, vector<16xf32>,
      }
      %scan3A_294 = arith.constant 384 : i32
      %run_scoped3A_295 = arith.constant 0 : i32
      "tpu.region"() ({
        %run_scoped3A_386 = tpu.sem_alloc : memref<!tpu.dma_semaphore, #tpu.memory_space<semaphore_mem>>
        %dma_start3A_387 = arith.constant 0 : i32
        %dma_start3A_388 = tpu.memref_slice %arg16[%run_scoped3A_295, %dma_start3A_387] : memref<1x384xi32, #tpu.memory_space<vmem>> -> memref<1x384xi32, #tpu.memory_space<vmem>>
        %dma_start3A_389 = tpu.memref_squeeze %dma_start3A_388 : memref<1x384xi32, #tpu.memory_space<vmem>> -> memref<384xi32, #tpu.memory_space<vmem>>
        %dma_start3A_390 = arith.constant 0 : i32
        %dma_start3A_391 = arith.constant 0 : i32
        %dma_start3A_392 = tpu.memref_slice %arg44[%dma_start3A_390, %dma_start3A_391] : memref<40960x16xf32, #tpu.memory_space<vmem_shared>> -> memref<40960x16xf32, #tpu.memory_space<vmem_shared>>
        tpu.enqueue_indirect_dma source(%arg30 : memref<384x16xf32, #tpu.memory_space<vmem>>) target(%dma_start3A_392 : memref<40960x16xf32, #tpu.memory_space<vmem_shared>>) offsets(%dma_start3A_389 : memref<384xi32, #tpu.memory_space<vmem>>) semaphore(%run_scoped3A_386 : memref<!tpu.dma_semaphore, #tpu.memory_space<semaphore_mem>>) {add = true}
        %dma_wait3A_393 = arith.constant 0 : i32
        %dma_wait3A_394 = tpu.memref_slice %arg16[%run_scoped3A_295, %dma_wait3A_393] : memref<1x384xi32, #tpu.memory_space<vmem>> -> memref<1x384xi32, #tpu.memory_space<vmem>>
        %dma_wait3A_395 = tpu.memref_squeeze %dma_wait3A_394 : memref<1x384xi32, #tpu.memory_space<vmem>> -> memref<384xi32, #tpu.memory_space<vmem>>
        %dma_wait3A_396 = arith.constant 0 : i32
        %dma_wait3A_397 = arith.constant 0 : i32
        %dma_wait3A_398 = tpu.memref_slice %arg44[%dma_wait3A_396, %dma_wait3A_397] : memref<40960x16xf32, #tpu.memory_space<vmem_shared>> -> memref<40960x16xf32, #tpu.memory_space<vmem_shared>>
        tpu.wait_indirect_dma semaphore(%run_scoped3A_386 : memref<!tpu.dma_semaphore, #tpu.memory_space<semaphore_mem>>) src(%arg30 : memref<384x16xf32, #tpu.memory_space<vmem>>) dst(%dma_wait3A_398 : memref<40960x16xf32, #tpu.memory_space<vmem_shared>>)
        tpu.yield
      }) : () -> ()
      %ge3A_296 = arith.constant 4 : i32
      %ge3A_297 = arith.cmpi sge, %add3A_279, %ge3A_296 : i32
      %convert_element_type3A_298 = arith.extui %ge3A_297 : i1 to i32
      %cond3A_299 = arith.constant 0 : i32
      %cond3A_300 = arith.cmpi ne, %convert_element_type3A_298, %cond3A_299 : i32
      scf.if %cond3A_300 {
        %dma_wait3A_386 = arith.constant 0 : i32
        %dma_wait3A_387 = tpu.memref_slice %arg8[%dma_wait3A_386] : memref<5308416xf32, #tpu.memory_space<hbm>> -> memref<1536xf32, #tpu.memory_space<hbm>>
        %dma_wait3A_388 = arith.constant 0 : i32
        %dma_wait3A_389 = tpu.memref_slice %arg8[%dma_wait3A_388] : memref<5308416xf32, #tpu.memory_space<hbm>> -> memref<1536xf32, #tpu.memory_space<hbm>>
        tpu.wait_dma2 semaphore(%arg42 : memref<!tpu.dma_semaphore, #tpu.memory_space<semaphore_mem>>) src(%arg28 : memref<1536xf32, #tpu.memory_space<vmem>>) dst(%dma_wait3A_389 : memref<1536xf32, #tpu.memory_space<hbm>>)
      } else {
      }
      %scan3A_301 = arith.constant 0 : i32
      %scan3A_302 = arith.constant 96 : i32
      %scan3A_303 = arith.addi %scan3A_301, %scan3A_302 : i32
      %scan3A_304 = arith.constant 4 : i32
      scf.for %scan3A_386 = %scan3A_301 to %scan3A_303 step %scan3A_304  : i32 {
        %mul3A_387 = arith.constant 1 : i32
        %mul3A_388 = arith.muli %scan3A_386, %mul3A_387 : i32
        %add3A_389 = arith.constant 0 : i32
        %add3A_390 = arith.addi %add3A_389, %mul3A_388 : i32
        %mul3A_391 = arith.constant 4 : i32
        %mul3A_392 = arith.muli %mul3A_391, %add3A_390 : i32
        %add3A_393 = vector.broadcast %mul3A_392 : i32 to vector<16xi32>
        %add3A_394 = arith.addi %add3A_393, %shift_right_arithmetic3A_4 : vector<16xi32>
        %gather3A = tpu.vector_load_idx %arg30[%add3A_394, %and3A_6] : memref<384x16xf32, #tpu.memory_space<vmem>>[vector<16xi32>, vector<16xi32>], vector<16xf32>,
        %mul3A_395 = arith.constant 16 : i32
        %mul3A_396 = arith.muli %mul3A_395, %add3A_390 : i32
        %swap3A = arith.index_cast %mul3A_396 : i32 to index
        %swap3A_397 = tpu.vector_load %arg28[%swap3A] {strides = array<i32>} : memref<1536xf32, #tpu.memory_space<vmem>>, vector<16xf32>,
        tpu.vector_store %arg28[%swap3A], %gather3A {strides = array<i32>} : memref<1536xf32, #tpu.memory_space<vmem>>, vector<16xf32>,
        %scan3A_398 = arith.constant 1 : i32
        %scan3A_399 = arith.addi %scan3A_386, %scan3A_398 : i32
        %mul3A_400 = arith.constant 1 : i32
        %mul3A_401 = arith.muli %scan3A_399, %mul3A_400 : i32
        %add3A_402 = arith.constant 0 : i32
        %add3A_403 = arith.addi %add3A_402, %mul3A_401 : i32
        %mul3A_404 = arith.constant 4 : i32
        %mul3A_405 = arith.muli %mul3A_404, %add3A_403 : i32
        %add3A_406 = vector.broadcast %mul3A_405 : i32 to vector<16xi32>
        %add3A_407 = arith.addi %add3A_406, %shift_right_arithmetic3A_4 : vector<16xi32>
        %gather3A_408 = tpu.vector_load_idx %arg30[%add3A_407, %and3A_6] : memref<384x16xf32, #tpu.memory_space<vmem>>[vector<16xi32>, vector<16xi32>], vector<16xf32>,
        %mul3A_409 = arith.constant 16 : i32
        %mul3A_410 = arith.muli %mul3A_409, %add3A_403 : i32
        %swap3A_411 = arith.index_cast %mul3A_410 : i32 to index
        %swap3A_412 = tpu.vector_load %arg28[%swap3A_411] {strides = array<i32>} : memref<1536xf32, #tpu.memory_space<vmem>>, vector<16xf32>,
        tpu.vector_store %arg28[%swap3A_411], %gather3A_408 {strides = array<i32>} : memref<1536xf32, #tpu.memory_space<vmem>>, vector<16xf32>,
        %scan3A_413 = arith.constant 2 : i32
        %scan3A_414 = arith.addi %scan3A_386, %scan3A_413 : i32
        %mul3A_415 = arith.constant 1 : i32
        %mul3A_416 = arith.muli %scan3A_414, %mul3A_415 : i32
        %add3A_417 = arith.constant 0 : i32
        %add3A_418 = arith.addi %add3A_417, %mul3A_416 : i32
        %mul3A_419 = arith.constant 4 : i32
        %mul3A_420 = arith.muli %mul3A_419, %add3A_418 : i32
        %add3A_421 = vector.broadcast %mul3A_420 : i32 to vector<16xi32>
        %add3A_422 = arith.addi %add3A_421, %shift_right_arithmetic3A_4 : vector<16xi32>
        %gather3A_423 = tpu.vector_load_idx %arg30[%add3A_422, %and3A_6] : memref<384x16xf32, #tpu.memory_space<vmem>>[vector<16xi32>, vector<16xi32>], vector<16xf32>,
        %mul3A_424 = arith.constant 16 : i32
        %mul3A_425 = arith.muli %mul3A_424, %add3A_418 : i32
        %swap3A_426 = arith.index_cast %mul3A_425 : i32 to index
        %swap3A_427 = tpu.vector_load %arg28[%swap3A_426] {strides = array<i32>} : memref<1536xf32, #tpu.memory_space<vmem>>, vector<16xf32>,
        tpu.vector_store %arg28[%swap3A_426], %gather3A_423 {strides = array<i32>} : memref<1536xf32, #tpu.memory_space<vmem>>, vector<16xf32>,
        %scan3A_428 = arith.constant 3 : i32
        %scan3A_429 = arith.addi %scan3A_386, %scan3A_428 : i32
        %mul3A_430 = arith.constant 1 : i32
        %mul3A_431 = arith.muli %scan3A_429, %mul3A_430 : i32
        %add3A_432 = arith.constant 0 : i32
        %add3A_433 = arith.addi %add3A_432, %mul3A_431 : i32
        %mul3A_434 = arith.constant 4 : i32
        %mul3A_435 = arith.muli %mul3A_434, %add3A_433 : i32
        %add3A_436 = vector.broadcast %mul3A_435 : i32 to vector<16xi32>
        %add3A_437 = arith.addi %add3A_436, %shift_right_arithmetic3A_4 : vector<16xi32>
        %gather3A_438 = tpu.vector_load_idx %arg30[%add3A_437, %and3A_6] : memref<384x16xf32, #tpu.memory_space<vmem>>[vector<16xi32>, vector<16xi32>], vector<16xf32>,
        %mul3A_439 = arith.constant 16 : i32
        %mul3A_440 = arith.muli %mul3A_439, %add3A_433 : i32
        %swap3A_441 = arith.index_cast %mul3A_440 : i32 to index
        %swap3A_442 = tpu.vector_load %arg28[%swap3A_441] {strides = array<i32>} : memref<1536xf32, #tpu.memory_space<vmem>>, vector<16xf32>,
        tpu.vector_store %arg28[%swap3A_441], %gather3A_438 {strides = array<i32>} : memref<1536xf32, #tpu.memory_space<vmem>>, vector<16xf32>,
      }
      %scan3A_305 = arith.constant 96 : i32
      %mul3A_306 = arith.constant 41472 : i32
      %mul3A_307 = arith.muli %add3A, %mul3A_306 : i32
      %mul3A_308 = arith.constant 384 : i32
      %mul3A_309 = arith.muli %add3A_279, %mul3A_308 : i32
      %add3A_310 = arith.addi %mul3A_307, %mul3A_309 : i32
      %mul3A_311 = arith.constant 4 : i32
      %mul3A_312 = arith.muli %mul3A_311, %add3A_310 : i32
      %dma_start3A_313 = tpu.memref_slice %arg8[%mul3A_312] : memref<5308416xf32, #tpu.memory_space<hbm>> -> memref<1536xf32, #tpu.memory_space<hbm>>
      %dma_start3A_314 = tpu.memref_slice %arg8[%mul3A_312] : memref<5308416xf32, #tpu.memory_space<hbm>> -> memref<1536xf32, #tpu.memory_space<hbm>>
      tpu.enqueue_dma source(%arg28 : memref<1536xf32, #tpu.memory_space<vmem>>) target(%dma_start3A_314 : memref<1536xf32, #tpu.memory_space<hbm>>) target_semaphore(%arg42 : memref<!tpu.dma_semaphore, #tpu.memory_space<semaphore_mem>>)
      %add3A_315 = arith.constant 4 : i32
      %add3A_316 = arith.addi %add3A_279, %add3A_315 : i32
      %lt3A_317 = arith.constant 108 : i32
      %lt3A_318 = arith.cmpi slt, %add3A_316, %lt3A_317 : i32
      %convert_element_type3A_319 = arith.extui %lt3A_318 : i1 to i32
      %cond3A_320 = arith.constant 0 : i32
      %cond3A_321 = arith.cmpi ne, %convert_element_type3A_319, %cond3A_320 : i32
      scf.if %cond3A_321 {
        %add3A_386 = arith.constant 4 : i32
        %add3A_387 = arith.addi %add3A_279, %add3A_386 : i32
        %mul3A_388 = arith.constant 41472 : i32
        %mul3A_389 = arith.muli %add3A, %mul3A_388 : i32
        %mul3A_390 = arith.constant 384 : i32
        %mul3A_391 = arith.muli %add3A_387, %mul3A_390 : i32
        %add3A_392 = arith.addi %mul3A_389, %mul3A_391 : i32
        %dma_start3A_393 = tpu.memref_slice %arg2[%add3A_392] : memref<1327104xi32, #tpu.memory_space<hbm>> -> memref<384xi32, #tpu.memory_space<hbm>>
        %dma_start3A_394 = tpu.memref_slice %arg2[%add3A_392] : memref<1327104xi32, #tpu.memory_space<hbm>> -> memref<384xi32, #tpu.memory_space<hbm>>
        tpu.enqueue_dma source(%dma_start3A_394 : memref<384xi32, #tpu.memory_space<hbm>>) target(%arg12 : memref<384xi32, #tpu.memory_space<vmem>>) target_semaphore(%arg34 : memref<!tpu.dma_semaphore, #tpu.memory_space<semaphore_mem>>)
        %dma_start3A_395 = arith.constant 0 : i32
        %dma_start3A_396 = arith.constant 0 : i32
        %dma_start3A_397 = tpu.memref_slice %arg16[%dma_start3A_395, %dma_start3A_396] : memref<1x384xi32, #tpu.memory_space<vmem>> -> memref<1x384xi32, #tpu.memory_space<vmem>>
        %dma_start3A_398 = tpu.memref_squeeze %dma_start3A_397 : memref<1x384xi32, #tpu.memory_space<vmem>> -> memref<384xi32, #tpu.memory_space<vmem>>
        %dma_start3A_399 = tpu.memref_slice %arg3[%add3A_392] : memref<1327104xi32, #tpu.memory_space<hbm>> -> memref<384xi32, #tpu.memory_space<hbm>>
        %dma_start3A_400 = arith.constant 0 : i32
        %dma_start3A_401 = tpu.memref_slice %arg16[%dma_start3A_395, %dma_start3A_400] : memref<1x384xi32, #tpu.memory_space<vmem>> -> memref<1x384xi32, #tpu.memory_space<vmem>>
        %dma_start3A_402 = tpu.memref_squeeze %dma_start3A_401 : memref<1x384xi32, #tpu.memory_space<vmem>> -> memref<384xi32, #tpu.memory_space<vmem>>
        %dma_start3A_403 = tpu.memref_slice %arg3[%add3A_392] : memref<1327104xi32, #tpu.memory_space<hbm>> -> memref<384xi32, #tpu.memory_space<hbm>>
        tpu.enqueue_dma source(%dma_start3A_403 : memref<384xi32, #tpu.memory_space<hbm>>) target(%dma_start3A_402 : memref<384xi32, #tpu.memory_space<vmem>>) target_semaphore(%arg34 : memref<!tpu.dma_semaphore, #tpu.memory_space<semaphore_mem>>)
      } else {
      }
      %add3A_322 = arith.constant 4 : i32
      %add3A_323 = arith.addi %add3A_279, %add3A_322 : i32
      %sub3A_324 = arith.constant 1 : i32
      %sub3A_325 = arith.subi %add3A_323, %sub3A_324 : i32
      %lt3A_326 = arith.constant 108 : i32
      %lt3A_327 = arith.cmpi slt, %sub3A_325, %lt3A_326 : i32
      %convert_element_type3A_328 = arith.extui %lt3A_327 : i1 to i32
      %cond3A_329 = arith.constant 0 : i32
      %cond3A_330 = arith.cmpi ne, %convert_element_type3A_328, %cond3A_329 : i32
      scf.if %cond3A_330 {
        %dma_wait3A_386 = arith.constant 0 : i32
        %dma_wait3A_387 = tpu.memref_slice %arg2[%dma_wait3A_386] : memref<1327104xi32, #tpu.memory_space<hbm>> -> memref<384xi32, #tpu.memory_space<hbm>>
        %dma_wait3A_388 = arith.constant 0 : i32
        %dma_wait3A_389 = tpu.memref_slice %arg2[%dma_wait3A_388] : memref<1327104xi32, #tpu.memory_space<hbm>> -> memref<384xi32, #tpu.memory_space<hbm>>
        tpu.wait_dma2 semaphore(%arg33 : memref<!tpu.dma_semaphore, #tpu.memory_space<semaphore_mem>>) src(%dma_wait3A_389 : memref<384xi32, #tpu.memory_space<hbm>>) dst(%arg11 : memref<384xi32, #tpu.memory_space<vmem>>)
        %dma_wait3A_390 = arith.constant 0 : i32
        %dma_wait3A_391 = arith.constant 0 : i32
        %dma_wait3A_392 = tpu.memref_slice %arg15[%dma_wait3A_390, %dma_wait3A_391] : memref<1x384xi32, #tpu.memory_space<vmem>> -> memref<1x384xi32, #tpu.memory_space<vmem>>
        %dma_wait3A_393 = tpu.memref_squeeze %dma_wait3A_392 : memref<1x384xi32, #tpu.memory_space<vmem>> -> memref<384xi32, #tpu.memory_space<vmem>>
        %dma_wait3A_394 = arith.constant 0 : i32
        %dma_wait3A_395 = tpu.memref_slice %arg3[%dma_wait3A_394] : memref<1327104xi32, #tpu.memory_space<hbm>> -> memref<384xi32, #tpu.memory_space<hbm>>
        %dma_wait3A_396 = arith.constant 0 : i32
        %dma_wait3A_397 = tpu.memref_slice %arg15[%dma_wait3A_390, %dma_wait3A_396] : memref<1x384xi32, #tpu.memory_space<vmem>> -> memref<1x384xi32, #tpu.memory_space<vmem>>
        %dma_wait3A_398 = tpu.memref_squeeze %dma_wait3A_397 : memref<1x384xi32, #tpu.memory_space<vmem>> -> memref<384xi32, #tpu.memory_space<vmem>>
        %dma_wait3A_399 = arith.constant 0 : i32
        %dma_wait3A_400 = tpu.memref_slice %arg3[%dma_wait3A_399] : memref<1327104xi32, #tpu.memory_space<hbm>> -> memref<384xi32, #tpu.memory_space<hbm>>
        tpu.wait_dma2 semaphore(%arg33 : memref<!tpu.dma_semaphore, #tpu.memory_space<semaphore_mem>>) src(%dma_wait3A_400 : memref<384xi32, #tpu.memory_space<hbm>>) dst(%dma_wait3A_398 : memref<384xi32, #tpu.memory_space<vmem>>)
        %dma_start3A_401 = arith.constant 0 : i32
        %dma_start3A_402 = arith.constant 0 : i32
        %dma_start3A_403 = tpu.memref_slice %arg4[%dma_start3A_401, %dma_start3A_402] : memref<40960x16xf32, #tpu.memory_space<hbm>> -> memref<40960x16xf32, #tpu.memory_space<hbm>>
        tpu.enqueue_indirect_dma source(%dma_start3A_403 : memref<40960x16xf32, #tpu.memory_space<hbm>>) target(%arg19 : memref<384x16xf32, #tpu.memory_space<vmem>>) offsets(%arg11 : memref<384xi32, #tpu.memory_space<vmem>>) semaphore(%arg37 : memref<!tpu.dma_semaphore, #tpu.memory_space<semaphore_mem>>)
        %dma_start3A_404 = arith.constant 0 : i32
        %dma_start3A_405 = arith.constant 0 : i32
        %dma_start3A_406 = tpu.memref_slice %arg15[%dma_start3A_404, %dma_start3A_405] : memref<1x384xi32, #tpu.memory_space<vmem>> -> memref<1x384xi32, #tpu.memory_space<vmem>>
        %dma_start3A_407 = tpu.memref_squeeze %dma_start3A_406 : memref<1x384xi32, #tpu.memory_space<vmem>> -> memref<384xi32, #tpu.memory_space<vmem>>
        %dma_start3A_408 = arith.constant 0 : i32
        %dma_start3A_409 = arith.constant 0 : i32
        %dma_start3A_410 = tpu.memref_slice %arg5[%dma_start3A_408, %dma_start3A_409] : memref<40960x16xf32, #tpu.memory_space<hbm>> -> memref<40960x16xf32, #tpu.memory_space<hbm>>
        tpu.enqueue_indirect_dma source(%dma_start3A_410 : memref<40960x16xf32, #tpu.memory_space<hbm>>) target(%arg23 : memref<384x16xf32, #tpu.memory_space<vmem>>) offsets(%dma_start3A_407 : memref<384xi32, #tpu.memory_space<vmem>>) semaphore(%arg37 : memref<!tpu.dma_semaphore, #tpu.memory_space<semaphore_mem>>)
      } else {
      }
      %mul3A_331 = arith.constant 4 : i32
      %mul3A_332 = arith.muli %mul3A_331, %add3A_171 : i32
      %add3A_333 = arith.constant 3 : i32
      %add3A_334 = arith.addi %mul3A_332, %add3A_333 : i32
      %dma_wait3A_335 = arith.constant 0 : i32
      %dma_wait3A_336 = arith.constant 0 : i32
      %dma_wait3A_337 = tpu.memref_slice %arg4[%dma_wait3A_335, %dma_wait3A_336] : memref<40960x16xf32, #tpu.memory_space<hbm>> -> memref<40960x16xf32, #tpu.memory_space<hbm>>
      tpu.wait_indirect_dma semaphore(%arg39 : memref<!tpu.dma_semaphore, #tpu.memory_space<semaphore_mem>>) src(%dma_wait3A_337 : memref<40960x16xf32, #tpu.memory_space<hbm>>) dst(%arg21 : memref<384x16xf32, #tpu.memory_space<vmem>>)
      %dma_wait3A_338 = arith.constant 0 : i32
      %dma_wait3A_339 = arith.constant 0 : i32
      %dma_wait3A_340 = tpu.memref_slice %arg17[%dma_wait3A_338, %dma_wait3A_339] : memref<1x384xi32, #tpu.memory_space<vmem>> -> memref<1x384xi32, #tpu.memory_space<vmem>>
      %dma_wait3A_341 = tpu.memref_squeeze %dma_wait3A_340 : memref<1x384xi32, #tpu.memory_space<vmem>> -> memref<384xi32, #tpu.memory_space<vmem>>
      %dma_wait3A_342 = arith.constant 0 : i32
      %dma_wait3A_343 = arith.constant 0 : i32
      %dma_wait3A_344 = tpu.memref_slice %arg5[%dma_wait3A_342, %dma_wait3A_343] : memref<40960x16xf32, #tpu.memory_space<hbm>> -> memref<40960x16xf32, #tpu.memory_space<hbm>>
      tpu.wait_indirect_dma semaphore(%arg39 : memref<!tpu.dma_semaphore, #tpu.memory_space<semaphore_mem>>) src(%dma_wait3A_344 : memref<40960x16xf32, #tpu.memory_space<hbm>>) dst(%arg25 : memref<384x16xf32, #tpu.memory_space<vmem>>)
      %scan3A_345 = arith.constant 0 : i32
      %scan3A_346 = arith.constant 384 : i32
      %scan3A_347 = arith.addi %scan3A_345, %scan3A_346 : i32
      %scan3A_348 = arith.constant 16 : i32
      scf.for %scan3A_386 = %scan3A_345 to %scan3A_347 step %scan3A_348  : i32 {
        %mul3A_387 = arith.constant 1 : i32
        %mul3A_388 = arith.muli %scan3A_386, %mul3A_387 : i32
        %add3A_389 = arith.constant 0 : i32
        %add3A_390 = arith.addi %add3A_389, %mul3A_388 : i32
        %get3A_391 = arith.index_cast %add3A_390 : i32 to index
        %get3A_392 = arith.constant 0 : index
        %get3A_393 = tpu.vector_load %arg21[%get3A_391, %get3A_392] {strides = array<i32>} : memref<384x16xf32, #tpu.memory_space<vmem>>, vector<16xf32>,
        %get3A_394 = arith.index_cast %add3A_390 : i32 to index
        %get3A_395 = arith.constant 0 : index
        %get3A_396 = tpu.vector_load %arg25[%get3A_394, %get3A_395] {strides = array<i32>} : memref<384x16xf32, #tpu.memory_space<vmem>>, vector<16xf32>,
        %add3A_397 = arith.addf %get3A_393, %get3A_396 : vector<16xf32>
        %mul3A_398 = arith.constant 2.000000e-01 : f32
        %mul3A_399 = vector.broadcast %mul3A_398 : f32 to vector<16xf32>
        %mul3A_400 = arith.mulf %add3A_397, %mul3A_399 : vector<16xf32>
        %max3A = arith.maximumf %add3A_397, %mul3A_400 : vector<16xf32>
        %sub3A_401 = arith.subf %max3A, %get3A_7 : vector<16xf32>
        %exp3A = math.exp %sub3A_401 : vector<16xf32>
        %swap3A = arith.index_cast %add3A_390 : i32 to index
        %swap3A_402 = arith.constant 0 : index
        %swap3A_403 = tpu.vector_load %arg30[%swap3A, %swap3A_402] {strides = array<i32>} : memref<384x16xf32, #tpu.memory_space<vmem>>, vector<16xf32>,
        tpu.vector_store %arg30[%swap3A, %swap3A_402], %exp3A {strides = array<i32>} : memref<384x16xf32, #tpu.memory_space<vmem>>, vector<16xf32>,
        %scan3A_404 = arith.constant 1 : i32
        %scan3A_405 = arith.addi %scan3A_386, %scan3A_404 : i32
        %mul3A_406 = arith.constant 1 : i32
        %mul3A_407 = arith.muli %scan3A_405, %mul3A_406 : i32
        %add3A_408 = arith.constant 0 : i32
        %add3A_409 = arith.addi %add3A_408, %mul3A_407 : i32
        %get3A_410 = arith.index_cast %add3A_409 : i32 to index
        %get3A_411 = arith.constant 0 : index
        %get3A_412 = tpu.vector_load %arg21[%get3A_410, %get3A_411] {strides = array<i32>} : memref<384x16xf32, #tpu.memory_space<vmem>>, vector<16xf32>,
        %get3A_413 = arith.index_cast %add3A_409 : i32 to index
        %get3A_414 = arith.constant 0 : index
        %get3A_415 = tpu.vector_load %arg25[%get3A_413, %get3A_414] {strides = array<i32>} : memref<384x16xf32, #tpu.memory_space<vmem>>, vector<16xf32>,
        %add3A_416 = arith.addf %get3A_412, %get3A_415 : vector<16xf32>
        %mul3A_417 = arith.constant 2.000000e-01 : f32
        %mul3A_418 = vector.broadcast %mul3A_417 : f32 to vector<16xf32>
        %mul3A_419 = arith.mulf %add3A_416, %mul3A_418 : vector<16xf32>
        %max3A_420 = arith.maximumf %add3A_416, %mul3A_419 : vector<16xf32>
        %sub3A_421 = arith.subf %max3A_420, %get3A_7 : vector<16xf32>
        %exp3A_422 = math.exp %sub3A_421 : vector<16xf32>
        %swap3A_423 = arith.index_cast %add3A_409 : i32 to index
        %swap3A_424 = arith.constant 0 : index
        %swap3A_425 = tpu.vector_load %arg30[%swap3A_423, %swap3A_424] {strides = array<i32>} : memref<384x16xf32, #tpu.memory_space<vmem>>, vector<16xf32>,
        tpu.vector_store %arg30[%swap3A_423, %swap3A_424], %exp3A_422 {strides = array<i32>} : memref<384x16xf32, #tpu.memory_space<vmem>>, vector<16xf32>,
        %scan3A_426 = arith.constant 2 : i32
        %scan3A_427 = arith.addi %scan3A_386, %scan3A_426 : i32
        %mul3A_428 = arith.constant 1 : i32
        %mul3A_429 = arith.muli %scan3A_427, %mul3A_428 : i32
        %add3A_430 = arith.constant 0 : i32
        %add3A_431 = arith.addi %add3A_430, %mul3A_429 : i32
        %get3A_432 = arith.index_cast %add3A_431 : i32 to index
        %get3A_433 = arith.constant 0 : index
        %get3A_434 = tpu.vector_load %arg21[%get3A_432, %get3A_433] {strides = array<i32>} : memref<384x16xf32, #tpu.memory_space<vmem>>, vector<16xf32>,
        %get3A_435 = arith.index_cast %add3A_431 : i32 to index
        %get3A_436 = arith.constant 0 : index
        %get3A_437 = tpu.vector_load %arg25[%get3A_435, %get3A_436] {strides = array<i32>} : memref<384x16xf32, #tpu.memory_space<vmem>>, vector<16xf32>,
        %add3A_438 = arith.addf %get3A_434, %get3A_437 : vector<16xf32>
        %mul3A_439 = arith.constant 2.000000e-01 : f32
        %mul3A_440 = vector.broadcast %mul3A_439 : f32 to vector<16xf32>
        %mul3A_441 = arith.mulf %add3A_438, %mul3A_440 : vector<16xf32>
        %max3A_442 = arith.maximumf %add3A_438, %mul3A_441 : vector<16xf32>
        %sub3A_443 = arith.subf %max3A_442, %get3A_7 : vector<16xf32>
        %exp3A_444 = math.exp %sub3A_443 : vector<16xf32>
        %swap3A_445 = arith.index_cast %add3A_431 : i32 to index
        %swap3A_446 = arith.constant 0 : index
        %swap3A_447 = tpu.vector_load %arg30[%swap3A_445, %swap3A_446] {strides = array<i32>} : memref<384x16xf32, #tpu.memory_space<vmem>>, vector<16xf32>,
        tpu.vector_store %arg30[%swap3A_445, %swap3A_446], %exp3A_444 {strides = array<i32>} : memref<384x16xf32, #tpu.memory_space<vmem>>, vector<16xf32>,
        %scan3A_448 = arith.constant 3 : i32
        %scan3A_449 = arith.addi %scan3A_386, %scan3A_448 : i32
        %mul3A_450 = arith.constant 1 : i32
        %mul3A_451 = arith.muli %scan3A_449, %mul3A_450 : i32
        %add3A_452 = arith.constant 0 : i32
        %add3A_453 = arith.addi %add3A_452, %mul3A_451 : i32
        %get3A_454 = arith.index_cast %add3A_453 : i32 to index
        %get3A_455 = arith.constant 0 : index
        %get3A_456 = tpu.vector_load %arg21[%get3A_454, %get3A_455] {strides = array<i32>} : memref<384x16xf32, #tpu.memory_space<vmem>>, vector<16xf32>,
        %get3A_457 = arith.index_cast %add3A_453 : i32 to index
        %get3A_458 = arith.constant 0 : index
        %get3A_459 = tpu.vector_load %arg25[%get3A_457, %get3A_458] {strides = array<i32>} : memref<384x16xf32, #tpu.memory_space<vmem>>, vector<16xf32>,
        %add3A_460 = arith.addf %get3A_456, %get3A_459 : vector<16xf32>
        %mul3A_461 = arith.constant 2.000000e-01 : f32
        %mul3A_462 = vector.broadcast %mul3A_461 : f32 to vector<16xf32>
        %mul3A_463 = arith.mulf %add3A_460, %mul3A_462 : vector<16xf32>
        %max3A_464 = arith.maximumf %add3A_460, %mul3A_463 : vector<16xf32>
        %sub3A_465 = arith.subf %max3A_464, %get3A_7 : vector<16xf32>
        %exp3A_466 = math.exp %sub3A_465 : vector<16xf32>
        %swap3A_467 = arith.index_cast %add3A_453 : i32 to index
        %swap3A_468 = arith.constant 0 : index
        %swap3A_469 = tpu.vector_load %arg30[%swap3A_467, %swap3A_468] {strides = array<i32>} : memref<384x16xf32, #tpu.memory_space<vmem>>, vector<16xf32>,
        tpu.vector_store %arg30[%swap3A_467, %swap3A_468], %exp3A_466 {strides = array<i32>} : memref<384x16xf32, #tpu.memory_space<vmem>>, vector<16xf32>,
        %scan3A_470 = arith.constant 4 : i32
        %scan3A_471 = arith.addi %scan3A_386, %scan3A_470 : i32
        %mul3A_472 = arith.constant 1 : i32
        %mul3A_473 = arith.muli %scan3A_471, %mul3A_472 : i32
        %add3A_474 = arith.constant 0 : i32
        %add3A_475 = arith.addi %add3A_474, %mul3A_473 : i32
        %get3A_476 = arith.index_cast %add3A_475 : i32 to index
        %get3A_477 = arith.constant 0 : index
        %get3A_478 = tpu.vector_load %arg21[%get3A_476, %get3A_477] {strides = array<i32>} : memref<384x16xf32, #tpu.memory_space<vmem>>, vector<16xf32>,
        %get3A_479 = arith.index_cast %add3A_475 : i32 to index
        %get3A_480 = arith.constant 0 : index
        %get3A_481 = tpu.vector_load %arg25[%get3A_479, %get3A_480] {strides = array<i32>} : memref<384x16xf32, #tpu.memory_space<vmem>>, vector<16xf32>,
        %add3A_482 = arith.addf %get3A_478, %get3A_481 : vector<16xf32>
        %mul3A_483 = arith.constant 2.000000e-01 : f32
        %mul3A_484 = vector.broadcast %mul3A_483 : f32 to vector<16xf32>
        %mul3A_485 = arith.mulf %add3A_482, %mul3A_484 : vector<16xf32>
        %max3A_486 = arith.maximumf %add3A_482, %mul3A_485 : vector<16xf32>
        %sub3A_487 = arith.subf %max3A_486, %get3A_7 : vector<16xf32>
        %exp3A_488 = math.exp %sub3A_487 : vector<16xf32>
        %swap3A_489 = arith.index_cast %add3A_475 : i32 to index
        %swap3A_490 = arith.constant 0 : index
        %swap3A_491 = tpu.vector_load %arg30[%swap3A_489, %swap3A_490] {strides = array<i32>} : memref<384x16xf32, #tpu.memory_space<vmem>>, vector<16xf32>,
        tpu.vector_store %arg30[%swap3A_489, %swap3A_490], %exp3A_488 {strides = array<i32>} : memref<384x16xf32, #tpu.memory_space<vmem>>, vector<16xf32>,
        %scan3A_492 = arith.constant 5 : i32
        %scan3A_493 = arith.addi %scan3A_386, %scan3A_492 : i32
        %mul3A_494 = arith.constant 1 : i32
        %mul3A_495 = arith.muli %scan3A_493, %mul3A_494 : i32
        %add3A_496 = arith.constant 0 : i32
        %add3A_497 = arith.addi %add3A_496, %mul3A_495 : i32
        %get3A_498 = arith.index_cast %add3A_497 : i32 to index
        %get3A_499 = arith.constant 0 : index
        %get3A_500 = tpu.vector_load %arg21[%get3A_498, %get3A_499] {strides = array<i32>} : memref<384x16xf32, #tpu.memory_space<vmem>>, vector<16xf32>,
        %get3A_501 = arith.index_cast %add3A_497 : i32 to index
        %get3A_502 = arith.constant 0 : index
        %get3A_503 = tpu.vector_load %arg25[%get3A_501, %get3A_502] {strides = array<i32>} : memref<384x16xf32, #tpu.memory_space<vmem>>, vector<16xf32>,
        %add3A_504 = arith.addf %get3A_500, %get3A_503 : vector<16xf32>
        %mul3A_505 = arith.constant 2.000000e-01 : f32
        %mul3A_506 = vector.broadcast %mul3A_505 : f32 to vector<16xf32>
        %mul3A_507 = arith.mulf %add3A_504, %mul3A_506 : vector<16xf32>
        %max3A_508 = arith.maximumf %add3A_504, %mul3A_507 : vector<16xf32>
        %sub3A_509 = arith.subf %max3A_508, %get3A_7 : vector<16xf32>
        %exp3A_510 = math.exp %sub3A_509 : vector<16xf32>
        %swap3A_511 = arith.index_cast %add3A_497 : i32 to index
        %swap3A_512 = arith.constant 0 : index
        %swap3A_513 = tpu.vector_load %arg30[%swap3A_511, %swap3A_512] {strides = array<i32>} : memref<384x16xf32, #tpu.memory_space<vmem>>, vector<16xf32>,
        tpu.vector_store %arg30[%swap3A_511, %swap3A_512], %exp3A_510 {strides = array<i32>} : memref<384x16xf32, #tpu.memory_space<vmem>>, vector<16xf32>,
        %scan3A_514 = arith.constant 6 : i32
        %scan3A_515 = arith.addi %scan3A_386, %scan3A_514 : i32
        %mul3A_516 = arith.constant 1 : i32
        %mul3A_517 = arith.muli %scan3A_515, %mul3A_516 : i32
        %add3A_518 = arith.constant 0 : i32
        %add3A_519 = arith.addi %add3A_518, %mul3A_517 : i32
        %get3A_520 = arith.index_cast %add3A_519 : i32 to index
        %get3A_521 = arith.constant 0 : index
        %get3A_522 = tpu.vector_load %arg21[%get3A_520, %get3A_521] {strides = array<i32>} : memref<384x16xf32, #tpu.memory_space<vmem>>, vector<16xf32>,
        %get3A_523 = arith.index_cast %add3A_519 : i32 to index
        %get3A_524 = arith.constant 0 : index
        %get3A_525 = tpu.vector_load %arg25[%get3A_523, %get3A_524] {strides = array<i32>} : memref<384x16xf32, #tpu.memory_space<vmem>>, vector<16xf32>,
        %add3A_526 = arith.addf %get3A_522, %get3A_525 : vector<16xf32>
        %mul3A_527 = arith.constant 2.000000e-01 : f32
        %mul3A_528 = vector.broadcast %mul3A_527 : f32 to vector<16xf32>
        %mul3A_529 = arith.mulf %add3A_526, %mul3A_528 : vector<16xf32>
        %max3A_530 = arith.maximumf %add3A_526, %mul3A_529 : vector<16xf32>
        %sub3A_531 = arith.subf %max3A_530, %get3A_7 : vector<16xf32>
        %exp3A_532 = math.exp %sub3A_531 : vector<16xf32>
        %swap3A_533 = arith.index_cast %add3A_519 : i32 to index
        %swap3A_534 = arith.constant 0 : index
        %swap3A_535 = tpu.vector_load %arg30[%swap3A_533, %swap3A_534] {strides = array<i32>} : memref<384x16xf32, #tpu.memory_space<vmem>>, vector<16xf32>,
        tpu.vector_store %arg30[%swap3A_533, %swap3A_534], %exp3A_532 {strides = array<i32>} : memref<384x16xf32, #tpu.memory_space<vmem>>, vector<16xf32>,
        %scan3A_536 = arith.constant 7 : i32
        %scan3A_537 = arith.addi %scan3A_386, %scan3A_536 : i32
        %mul3A_538 = arith.constant 1 : i32
        %mul3A_539 = arith.muli %scan3A_537, %mul3A_538 : i32
        %add3A_540 = arith.constant 0 : i32
        %add3A_541 = arith.addi %add3A_540, %mul3A_539 : i32
        %get3A_542 = arith.index_cast %add3A_541 : i32 to index
        %get3A_543 = arith.constant 0 : index
        %get3A_544 = tpu.vector_load %arg21[%get3A_542, %get3A_543] {strides = array<i32>} : memref<384x16xf32, #tpu.memory_space<vmem>>, vector<16xf32>,
        %get3A_545 = arith.index_cast %add3A_541 : i32 to index
        %get3A_546 = arith.constant 0 : index
        %get3A_547 = tpu.vector_load %arg25[%get3A_545, %get3A_546] {strides = array<i32>} : memref<384x16xf32, #tpu.memory_space<vmem>>, vector<16xf32>,
        %add3A_548 = arith.addf %get3A_544, %get3A_547 : vector<16xf32>
        %mul3A_549 = arith.constant 2.000000e-01 : f32
        %mul3A_550 = vector.broadcast %mul3A_549 : f32 to vector<16xf32>
        %mul3A_551 = arith.mulf %add3A_548, %mul3A_550 : vector<16xf32>
        %max3A_552 = arith.maximumf %add3A_548, %mul3A_551 : vector<16xf32>
        %sub3A_553 = arith.subf %max3A_552, %get3A_7 : vector<16xf32>
        %exp3A_554 = math.exp %sub3A_553 : vector<16xf32>
        %swap3A_555 = arith.index_cast %add3A_541 : i32 to index
        %swap3A_556 = arith.constant 0 : index
        %swap3A_557 = tpu.vector_load %arg30[%swap3A_555, %swap3A_556] {strides = array<i32>} : memref<384x16xf32, #tpu.memory_space<vmem>>, vector<16xf32>,
        tpu.vector_store %arg30[%swap3A_555, %swap3A_556], %exp3A_554 {strides = array<i32>} : memref<384x16xf32, #tpu.memory_space<vmem>>, vector<16xf32>,
        %scan3A_558 = arith.constant 8 : i32
        %scan3A_559 = arith.addi %scan3A_386, %scan3A_558 : i32
        %mul3A_560 = arith.constant 1 : i32
        %mul3A_561 = arith.muli %scan3A_559, %mul3A_560 : i32
        %add3A_562 = arith.constant 0 : i32
        %add3A_563 = arith.addi %add3A_562, %mul3A_561 : i32
        %get3A_564 = arith.index_cast %add3A_563 : i32 to index
        %get3A_565 = arith.constant 0 : index
        %get3A_566 = tpu.vector_load %arg21[%get3A_564, %get3A_565] {strides = array<i32>} : memref<384x16xf32, #tpu.memory_space<vmem>>, vector<16xf32>,
        %get3A_567 = arith.index_cast %add3A_563 : i32 to index
        %get3A_568 = arith.constant 0 : index
        %get3A_569 = tpu.vector_load %arg25[%get3A_567, %get3A_568] {strides = array<i32>} : memref<384x16xf32, #tpu.memory_space<vmem>>, vector<16xf32>,
        %add3A_570 = arith.addf %get3A_566, %get3A_569 : vector<16xf32>
        %mul3A_571 = arith.constant 2.000000e-01 : f32
        %mul3A_572 = vector.broadcast %mul3A_571 : f32 to vector<16xf32>
        %mul3A_573 = arith.mulf %add3A_570, %mul3A_572 : vector<16xf32>
        %max3A_574 = arith.maximumf %add3A_570, %mul3A_573 : vector<16xf32>
        %sub3A_575 = arith.subf %max3A_574, %get3A_7 : vector<16xf32>
        %exp3A_576 = math.exp %sub3A_575 : vector<16xf32>
        %swap3A_577 = arith.index_cast %add3A_563 : i32 to index
        %swap3A_578 = arith.constant 0 : index
        %swap3A_579 = tpu.vector_load %arg30[%swap3A_577, %swap3A_578] {strides = array<i32>} : memref<384x16xf32, #tpu.memory_space<vmem>>, vector<16xf32>,
        tpu.vector_store %arg30[%swap3A_577, %swap3A_578], %exp3A_576 {strides = array<i32>} : memref<384x16xf32, #tpu.memory_space<vmem>>, vector<16xf32>,
        %scan3A_580 = arith.constant 9 : i32
        %scan3A_581 = arith.addi %scan3A_386, %scan3A_580 : i32
        %mul3A_582 = arith.constant 1 : i32
        %mul3A_583 = arith.muli %scan3A_581, %mul3A_582 : i32
        %add3A_584 = arith.constant 0 : i32
        %add3A_585 = arith.addi %add3A_584, %mul3A_583 : i32
        %get3A_586 = arith.index_cast %add3A_585 : i32 to index
        %get3A_587 = arith.constant 0 : index
        %get3A_588 = tpu.vector_load %arg21[%get3A_586, %get3A_587] {strides = array<i32>} : memref<384x16xf32, #tpu.memory_space<vmem>>, vector<16xf32>,
        %get3A_589 = arith.index_cast %add3A_585 : i32 to index
        %get3A_590 = arith.constant 0 : index
        %get3A_591 = tpu.vector_load %arg25[%get3A_589, %get3A_590] {strides = array<i32>} : memref<384x16xf32, #tpu.memory_space<vmem>>, vector<16xf32>,
        %add3A_592 = arith.addf %get3A_588, %get3A_591 : vector<16xf32>
        %mul3A_593 = arith.constant 2.000000e-01 : f32
        %mul3A_594 = vector.broadcast %mul3A_593 : f32 to vector<16xf32>
        %mul3A_595 = arith.mulf %add3A_592, %mul3A_594 : vector<16xf32>
        %max3A_596 = arith.maximumf %add3A_592, %mul3A_595 : vector<16xf32>
        %sub3A_597 = arith.subf %max3A_596, %get3A_7 : vector<16xf32>
        %exp3A_598 = math.exp %sub3A_597 : vector<16xf32>
        %swap3A_599 = arith.index_cast %add3A_585 : i32 to index
        %swap3A_600 = arith.constant 0 : index
        %swap3A_601 = tpu.vector_load %arg30[%swap3A_599, %swap3A_600] {strides = array<i32>} : memref<384x16xf32, #tpu.memory_space<vmem>>, vector<16xf32>,
        tpu.vector_store %arg30[%swap3A_599, %swap3A_600], %exp3A_598 {strides = array<i32>} : memref<384x16xf32, #tpu.memory_space<vmem>>, vector<16xf32>,
        %scan3A_602 = arith.constant 10 : i32
        %scan3A_603 = arith.addi %scan3A_386, %scan3A_602 : i32
        %mul3A_604 = arith.constant 1 : i32
        %mul3A_605 = arith.muli %scan3A_603, %mul3A_604 : i32
        %add3A_606 = arith.constant 0 : i32
        %add3A_607 = arith.addi %add3A_606, %mul3A_605 : i32
        %get3A_608 = arith.index_cast %add3A_607 : i32 to index
        %get3A_609 = arith.constant 0 : index
        %get3A_610 = tpu.vector_load %arg21[%get3A_608, %get3A_609] {strides = array<i32>} : memref<384x16xf32, #tpu.memory_space<vmem>>, vector<16xf32>,
        %get3A_611 = arith.index_cast %add3A_607 : i32 to index
        %get3A_612 = arith.constant 0 : index
        %get3A_613 = tpu.vector_load %arg25[%get3A_611, %get3A_612] {strides = array<i32>} : memref<384x16xf32, #tpu.memory_space<vmem>>, vector<16xf32>,
        %add3A_614 = arith.addf %get3A_610, %get3A_613 : vector<16xf32>
        %mul3A_615 = arith.constant 2.000000e-01 : f32
        %mul3A_616 = vector.broadcast %mul3A_615 : f32 to vector<16xf32>
        %mul3A_617 = arith.mulf %add3A_614, %mul3A_616 : vector<16xf32>
        %max3A_618 = arith.maximumf %add3A_614, %mul3A_617 : vector<16xf32>
        %sub3A_619 = arith.subf %max3A_618, %get3A_7 : vector<16xf32>
        %exp3A_620 = math.exp %sub3A_619 : vector<16xf32>
        %swap3A_621 = arith.index_cast %add3A_607 : i32 to index
        %swap3A_622 = arith.constant 0 : index
        %swap3A_623 = tpu.vector_load %arg30[%swap3A_621, %swap3A_622] {strides = array<i32>} : memref<384x16xf32, #tpu.memory_space<vmem>>, vector<16xf32>,
        tpu.vector_store %arg30[%swap3A_621, %swap3A_622], %exp3A_620 {strides = array<i32>} : memref<384x16xf32, #tpu.memory_space<vmem>>, vector<16xf32>,
        %scan3A_624 = arith.constant 11 : i32
        %scan3A_625 = arith.addi %scan3A_386, %scan3A_624 : i32
        %mul3A_626 = arith.constant 1 : i32
        %mul3A_627 = arith.muli %scan3A_625, %mul3A_626 : i32
        %add3A_628 = arith.constant 0 : i32
        %add3A_629 = arith.addi %add3A_628, %mul3A_627 : i32
        %get3A_630 = arith.index_cast %add3A_629 : i32 to index
        %get3A_631 = arith.constant 0 : index
        %get3A_632 = tpu.vector_load %arg21[%get3A_630, %get3A_631] {strides = array<i32>} : memref<384x16xf32, #tpu.memory_space<vmem>>, vector<16xf32>,
        %get3A_633 = arith.index_cast %add3A_629 : i32 to index
        %get3A_634 = arith.constant 0 : index
        %get3A_635 = tpu.vector_load %arg25[%get3A_633, %get3A_634] {strides = array<i32>} : memref<384x16xf32, #tpu.memory_space<vmem>>, vector<16xf32>,
        %add3A_636 = arith.addf %get3A_632, %get3A_635 : vector<16xf32>
        %mul3A_637 = arith.constant 2.000000e-01 : f32
        %mul3A_638 = vector.broadcast %mul3A_637 : f32 to vector<16xf32>
        %mul3A_639 = arith.mulf %add3A_636, %mul3A_638 : vector<16xf32>
        %max3A_640 = arith.maximumf %add3A_636, %mul3A_639 : vector<16xf32>
        %sub3A_641 = arith.subf %max3A_640, %get3A_7 : vector<16xf32>
        %exp3A_642 = math.exp %sub3A_641 : vector<16xf32>
        %swap3A_643 = arith.index_cast %add3A_629 : i32 to index
        %swap3A_644 = arith.constant 0 : index
        %swap3A_645 = tpu.vector_load %arg30[%swap3A_643, %swap3A_644] {strides = array<i32>} : memref<384x16xf32, #tpu.memory_space<vmem>>, vector<16xf32>,
        tpu.vector_store %arg30[%swap3A_643, %swap3A_644], %exp3A_642 {strides = array<i32>} : memref<384x16xf32, #tpu.memory_space<vmem>>, vector<16xf32>,
        %scan3A_646 = arith.constant 12 : i32
        %scan3A_647 = arith.addi %scan3A_386, %scan3A_646 : i32
        %mul3A_648 = arith.constant 1 : i32
        %mul3A_649 = arith.muli %scan3A_647, %mul3A_648 : i32
        %add3A_650 = arith.constant 0 : i32
        %add3A_651 = arith.addi %add3A_650, %mul3A_649 : i32
        %get3A_652 = arith.index_cast %add3A_651 : i32 to index
        %get3A_653 = arith.constant 0 : index
        %get3A_654 = tpu.vector_load %arg21[%get3A_652, %get3A_653] {strides = array<i32>} : memref<384x16xf32, #tpu.memory_space<vmem>>, vector<16xf32>,
        %get3A_655 = arith.index_cast %add3A_651 : i32 to index
        %get3A_656 = arith.constant 0 : index
        %get3A_657 = tpu.vector_load %arg25[%get3A_655, %get3A_656] {strides = array<i32>} : memref<384x16xf32, #tpu.memory_space<vmem>>, vector<16xf32>,
        %add3A_658 = arith.addf %get3A_654, %get3A_657 : vector<16xf32>
        %mul3A_659 = arith.constant 2.000000e-01 : f32
        %mul3A_660 = vector.broadcast %mul3A_659 : f32 to vector<16xf32>
        %mul3A_661 = arith.mulf %add3A_658, %mul3A_660 : vector<16xf32>
        %max3A_662 = arith.maximumf %add3A_658, %mul3A_661 : vector<16xf32>
        %sub3A_663 = arith.subf %max3A_662, %get3A_7 : vector<16xf32>
        %exp3A_664 = math.exp %sub3A_663 : vector<16xf32>
        %swap3A_665 = arith.index_cast %add3A_651 : i32 to index
        %swap3A_666 = arith.constant 0 : index
        %swap3A_667 = tpu.vector_load %arg30[%swap3A_665, %swap3A_666] {strides = array<i32>} : memref<384x16xf32, #tpu.memory_space<vmem>>, vector<16xf32>,
        tpu.vector_store %arg30[%swap3A_665, %swap3A_666], %exp3A_664 {strides = array<i32>} : memref<384x16xf32, #tpu.memory_space<vmem>>, vector<16xf32>,
        %scan3A_668 = arith.constant 13 : i32
        %scan3A_669 = arith.addi %scan3A_386, %scan3A_668 : i32
        %mul3A_670 = arith.constant 1 : i32
        %mul3A_671 = arith.muli %scan3A_669, %mul3A_670 : i32
        %add3A_672 = arith.constant 0 : i32
        %add3A_673 = arith.addi %add3A_672, %mul3A_671 : i32
        %get3A_674 = arith.index_cast %add3A_673 : i32 to index
        %get3A_675 = arith.constant 0 : index
        %get3A_676 = tpu.vector_load %arg21[%get3A_674, %get3A_675] {strides = array<i32>} : memref<384x16xf32, #tpu.memory_space<vmem>>, vector<16xf32>,
        %get3A_677 = arith.index_cast %add3A_673 : i32 to index
        %get3A_678 = arith.constant 0 : index
        %get3A_679 = tpu.vector_load %arg25[%get3A_677, %get3A_678] {strides = array<i32>} : memref<384x16xf32, #tpu.memory_space<vmem>>, vector<16xf32>,
        %add3A_680 = arith.addf %get3A_676, %get3A_679 : vector<16xf32>
        %mul3A_681 = arith.constant 2.000000e-01 : f32
        %mul3A_682 = vector.broadcast %mul3A_681 : f32 to vector<16xf32>
        %mul3A_683 = arith.mulf %add3A_680, %mul3A_682 : vector<16xf32>
        %max3A_684 = arith.maximumf %add3A_680, %mul3A_683 : vector<16xf32>
        %sub3A_685 = arith.subf %max3A_684, %get3A_7 : vector<16xf32>
        %exp3A_686 = math.exp %sub3A_685 : vector<16xf32>
        %swap3A_687 = arith.index_cast %add3A_673 : i32 to index
        %swap3A_688 = arith.constant 0 : index
        %swap3A_689 = tpu.vector_load %arg30[%swap3A_687, %swap3A_688] {strides = array<i32>} : memref<384x16xf32, #tpu.memory_space<vmem>>, vector<16xf32>,
        tpu.vector_store %arg30[%swap3A_687, %swap3A_688], %exp3A_686 {strides = array<i32>} : memref<384x16xf32, #tpu.memory_space<vmem>>, vector<16xf32>,
        %scan3A_690 = arith.constant 14 : i32
        %scan3A_691 = arith.addi %scan3A_386, %scan3A_690 : i32
        %mul3A_692 = arith.constant 1 : i32
        %mul3A_693 = arith.muli %scan3A_691, %mul3A_692 : i32
        %add3A_694 = arith.constant 0 : i32
        %add3A_695 = arith.addi %add3A_694, %mul3A_693 : i32
        %get3A_696 = arith.index_cast %add3A_695 : i32 to index
        %get3A_697 = arith.constant 0 : index
        %get3A_698 = tpu.vector_load %arg21[%get3A_696, %get3A_697] {strides = array<i32>} : memref<384x16xf32, #tpu.memory_space<vmem>>, vector<16xf32>,
        %get3A_699 = arith.index_cast %add3A_695 : i32 to index
        %get3A_700 = arith.constant 0 : index
        %get3A_701 = tpu.vector_load %arg25[%get3A_699, %get3A_700] {strides = array<i32>} : memref<384x16xf32, #tpu.memory_space<vmem>>, vector<16xf32>,
        %add3A_702 = arith.addf %get3A_698, %get3A_701 : vector<16xf32>
        %mul3A_703 = arith.constant 2.000000e-01 : f32
        %mul3A_704 = vector.broadcast %mul3A_703 : f32 to vector<16xf32>
        %mul3A_705 = arith.mulf %add3A_702, %mul3A_704 : vector<16xf32>
        %max3A_706 = arith.maximumf %add3A_702, %mul3A_705 : vector<16xf32>
        %sub3A_707 = arith.subf %max3A_706, %get3A_7 : vector<16xf32>
        %exp3A_708 = math.exp %sub3A_707 : vector<16xf32>
        %swap3A_709 = arith.index_cast %add3A_695 : i32 to index
        %swap3A_710 = arith.constant 0 : index
        %swap3A_711 = tpu.vector_load %arg30[%swap3A_709, %swap3A_710] {strides = array<i32>} : memref<384x16xf32, #tpu.memory_space<vmem>>, vector<16xf32>,
        tpu.vector_store %arg30[%swap3A_709, %swap3A_710], %exp3A_708 {strides = array<i32>} : memref<384x16xf32, #tpu.memory_space<vmem>>, vector<16xf32>,
        %scan3A_712 = arith.constant 15 : i32
        %scan3A_713 = arith.addi %scan3A_386, %scan3A_712 : i32
        %mul3A_714 = arith.constant 1 : i32
        %mul3A_715 = arith.muli %scan3A_713, %mul3A_714 : i32
        %add3A_716 = arith.constant 0 : i32
        %add3A_717 = arith.addi %add3A_716, %mul3A_715 : i32
        %get3A_718 = arith.index_cast %add3A_717 : i32 to index
        %get3A_719 = arith.constant 0 : index
        %get3A_720 = tpu.vector_load %arg21[%get3A_718, %get3A_719] {strides = array<i32>} : memref<384x16xf32, #tpu.memory_space<vmem>>, vector<16xf32>,
        %get3A_721 = arith.index_cast %add3A_717 : i32 to index
        %get3A_722 = arith.constant 0 : index
        %get3A_723 = tpu.vector_load %arg25[%get3A_721, %get3A_722] {strides = array<i32>} : memref<384x16xf32, #tpu.memory_space<vmem>>, vector<16xf32>,
        %add3A_724 = arith.addf %get3A_720, %get3A_723 : vector<16xf32>
        %mul3A_725 = arith.constant 2.000000e-01 : f32
        %mul3A_726 = vector.broadcast %mul3A_725 : f32 to vector<16xf32>
        %mul3A_727 = arith.mulf %add3A_724, %mul3A_726 : vector<16xf32>
        %max3A_728 = arith.maximumf %add3A_724, %mul3A_727 : vector<16xf32>
        %sub3A_729 = arith.subf %max3A_728, %get3A_7 : vector<16xf32>
        %exp3A_730 = math.exp %sub3A_729 : vector<16xf32>
        %swap3A_731 = arith.index_cast %add3A_717 : i32 to index
        %swap3A_732 = arith.constant 0 : index
        %swap3A_733 = tpu.vector_load %arg30[%swap3A_731, %swap3A_732] {strides = array<i32>} : memref<384x16xf32, #tpu.memory_space<vmem>>, vector<16xf32>,
        tpu.vector_store %arg30[%swap3A_731, %swap3A_732], %exp3A_730 {strides = array<i32>} : memref<384x16xf32, #tpu.memory_space<vmem>>, vector<16xf32>,
      }
      %scan3A_349 = arith.constant 384 : i32
      %run_scoped3A_350 = arith.constant 0 : i32
      "tpu.region"() ({
        %run_scoped3A_386 = tpu.sem_alloc : memref<!tpu.dma_semaphore, #tpu.memory_space<semaphore_mem>>
        %dma_start3A_387 = arith.constant 0 : i32
        %dma_start3A_388 = tpu.memref_slice %arg17[%run_scoped3A_350, %dma_start3A_387] : memref<1x384xi32, #tpu.memory_space<vmem>> -> memref<1x384xi32, #tpu.memory_space<vmem>>
        %dma_start3A_389 = tpu.memref_squeeze %dma_start3A_388 : memref<1x384xi32, #tpu.memory_space<vmem>> -> memref<384xi32, #tpu.memory_space<vmem>>
        %dma_start3A_390 = arith.constant 0 : i32
        %dma_start3A_391 = arith.constant 0 : i32
        %dma_start3A_392 = tpu.memref_slice %arg44[%dma_start3A_390, %dma_start3A_391] : memref<40960x16xf32, #tpu.memory_space<vmem_shared>> -> memref<40960x16xf32, #tpu.memory_space<vmem_shared>>
        tpu.enqueue_indirect_dma source(%arg30 : memref<384x16xf32, #tpu.memory_space<vmem>>) target(%dma_start3A_392 : memref<40960x16xf32, #tpu.memory_space<vmem_shared>>) offsets(%dma_start3A_389 : memref<384xi32, #tpu.memory_space<vmem>>) semaphore(%run_scoped3A_386 : memref<!tpu.dma_semaphore, #tpu.memory_space<semaphore_mem>>) {add = true}
        %dma_wait3A_393 = arith.constant 0 : i32
        %dma_wait3A_394 = tpu.memref_slice %arg17[%run_scoped3A_350, %dma_wait3A_393] : memref<1x384xi32, #tpu.memory_space<vmem>> -> memref<1x384xi32, #tpu.memory_space<vmem>>
        %dma_wait3A_395 = tpu.memref_squeeze %dma_wait3A_394 : memref<1x384xi32, #tpu.memory_space<vmem>> -> memref<384xi32, #tpu.memory_space<vmem>>
        %dma_wait3A_396 = arith.constant 0 : i32
        %dma_wait3A_397 = arith.constant 0 : i32
        %dma_wait3A_398 = tpu.memref_slice %arg44[%dma_wait3A_396, %dma_wait3A_397] : memref<40960x16xf32, #tpu.memory_space<vmem_shared>> -> memref<40960x16xf32, #tpu.memory_space<vmem_shared>>
        tpu.wait_indirect_dma semaphore(%run_scoped3A_386 : memref<!tpu.dma_semaphore, #tpu.memory_space<semaphore_mem>>) src(%arg30 : memref<384x16xf32, #tpu.memory_space<vmem>>) dst(%dma_wait3A_398 : memref<40960x16xf32, #tpu.memory_space<vmem_shared>>)
        tpu.yield
      }) : () -> ()
      %ge3A_351 = arith.constant 4 : i32
      %ge3A_352 = arith.cmpi sge, %add3A_334, %ge3A_351 : i32
      %convert_element_type3A_353 = arith.extui %ge3A_352 : i1 to i32
      %cond3A_354 = arith.constant 0 : i32
      %cond3A_355 = arith.cmpi ne, %convert_element_type3A_353, %cond3A_354 : i32
      scf.if %cond3A_355 {
        %dma_wait3A_386 = arith.constant 0 : i32
        %dma_wait3A_387 = tpu.memref_slice %arg8[%dma_wait3A_386] : memref<5308416xf32, #tpu.memory_space<hbm>> -> memref<1536xf32, #tpu.memory_space<hbm>>
        %dma_wait3A_388 = arith.constant 0 : i32
        %dma_wait3A_389 = tpu.memref_slice %arg8[%dma_wait3A_388] : memref<5308416xf32, #tpu.memory_space<hbm>> -> memref<1536xf32, #tpu.memory_space<hbm>>
        tpu.wait_dma2 semaphore(%arg43 : memref<!tpu.dma_semaphore, #tpu.memory_space<semaphore_mem>>) src(%arg29 : memref<1536xf32, #tpu.memory_space<vmem>>) dst(%dma_wait3A_389 : memref<1536xf32, #tpu.memory_space<hbm>>)
      } else {
      }
      %scan3A_356 = arith.constant 0 : i32
      %scan3A_357 = arith.constant 96 : i32
      %scan3A_358 = arith.addi %scan3A_356, %scan3A_357 : i32
      %scan3A_359 = arith.constant 4 : i32
      scf.for %scan3A_386 = %scan3A_356 to %scan3A_358 step %scan3A_359  : i32 {
        %mul3A_387 = arith.constant 1 : i32
        %mul3A_388 = arith.muli %scan3A_386, %mul3A_387 : i32
        %add3A_389 = arith.constant 0 : i32
        %add3A_390 = arith.addi %add3A_389, %mul3A_388 : i32
        %mul3A_391 = arith.constant 4 : i32
        %mul3A_392 = arith.muli %mul3A_391, %add3A_390 : i32
        %add3A_393 = vector.broadcast %mul3A_392 : i32 to vector<16xi32>
        %add3A_394 = arith.addi %add3A_393, %shift_right_arithmetic3A_4 : vector<16xi32>
        %gather3A = tpu.vector_load_idx %arg30[%add3A_394, %and3A_6] : memref<384x16xf32, #tpu.memory_space<vmem>>[vector<16xi32>, vector<16xi32>], vector<16xf32>,
        %mul3A_395 = arith.constant 16 : i32
        %mul3A_396 = arith.muli %mul3A_395, %add3A_390 : i32
        %swap3A = arith.index_cast %mul3A_396 : i32 to index
        %swap3A_397 = tpu.vector_load %arg29[%swap3A] {strides = array<i32>} : memref<1536xf32, #tpu.memory_space<vmem>>, vector<16xf32>,
        tpu.vector_store %arg29[%swap3A], %gather3A {strides = array<i32>} : memref<1536xf32, #tpu.memory_space<vmem>>, vector<16xf32>,
        %scan3A_398 = arith.constant 1 : i32
        %scan3A_399 = arith.addi %scan3A_386, %scan3A_398 : i32
        %mul3A_400 = arith.constant 1 : i32
        %mul3A_401 = arith.muli %scan3A_399, %mul3A_400 : i32
        %add3A_402 = arith.constant 0 : i32
        %add3A_403 = arith.addi %add3A_402, %mul3A_401 : i32
        %mul3A_404 = arith.constant 4 : i32
        %mul3A_405 = arith.muli %mul3A_404, %add3A_403 : i32
        %add3A_406 = vector.broadcast %mul3A_405 : i32 to vector<16xi32>
        %add3A_407 = arith.addi %add3A_406, %shift_right_arithmetic3A_4 : vector<16xi32>
        %gather3A_408 = tpu.vector_load_idx %arg30[%add3A_407, %and3A_6] : memref<384x16xf32, #tpu.memory_space<vmem>>[vector<16xi32>, vector<16xi32>], vector<16xf32>,
        %mul3A_409 = arith.constant 16 : i32
        %mul3A_410 = arith.muli %mul3A_409, %add3A_403 : i32
        %swap3A_411 = arith.index_cast %mul3A_410 : i32 to index
        %swap3A_412 = tpu.vector_load %arg29[%swap3A_411] {strides = array<i32>} : memref<1536xf32, #tpu.memory_space<vmem>>, vector<16xf32>,
        tpu.vector_store %arg29[%swap3A_411], %gather3A_408 {strides = array<i32>} : memref<1536xf32, #tpu.memory_space<vmem>>, vector<16xf32>,
        %scan3A_413 = arith.constant 2 : i32
        %scan3A_414 = arith.addi %scan3A_386, %scan3A_413 : i32
        %mul3A_415 = arith.constant 1 : i32
        %mul3A_416 = arith.muli %scan3A_414, %mul3A_415 : i32
        %add3A_417 = arith.constant 0 : i32
        %add3A_418 = arith.addi %add3A_417, %mul3A_416 : i32
        %mul3A_419 = arith.constant 4 : i32
        %mul3A_420 = arith.muli %mul3A_419, %add3A_418 : i32
        %add3A_421 = vector.broadcast %mul3A_420 : i32 to vector<16xi32>
        %add3A_422 = arith.addi %add3A_421, %shift_right_arithmetic3A_4 : vector<16xi32>
        %gather3A_423 = tpu.vector_load_idx %arg30[%add3A_422, %and3A_6] : memref<384x16xf32, #tpu.memory_space<vmem>>[vector<16xi32>, vector<16xi32>], vector<16xf32>,
        %mul3A_424 = arith.constant 16 : i32
        %mul3A_425 = arith.muli %mul3A_424, %add3A_418 : i32
        %swap3A_426 = arith.index_cast %mul3A_425 : i32 to index
        %swap3A_427 = tpu.vector_load %arg29[%swap3A_426] {strides = array<i32>} : memref<1536xf32, #tpu.memory_space<vmem>>, vector<16xf32>,
        tpu.vector_store %arg29[%swap3A_426], %gather3A_423 {strides = array<i32>} : memref<1536xf32, #tpu.memory_space<vmem>>, vector<16xf32>,
        %scan3A_428 = arith.constant 3 : i32
        %scan3A_429 = arith.addi %scan3A_386, %scan3A_428 : i32
        %mul3A_430 = arith.constant 1 : i32
        %mul3A_431 = arith.muli %scan3A_429, %mul3A_430 : i32
        %add3A_432 = arith.constant 0 : i32
        %add3A_433 = arith.addi %add3A_432, %mul3A_431 : i32
        %mul3A_434 = arith.constant 4 : i32
        %mul3A_435 = arith.muli %mul3A_434, %add3A_433 : i32
        %add3A_436 = vector.broadcast %mul3A_435 : i32 to vector<16xi32>
        %add3A_437 = arith.addi %add3A_436, %shift_right_arithmetic3A_4 : vector<16xi32>
        %gather3A_438 = tpu.vector_load_idx %arg30[%add3A_437, %and3A_6] : memref<384x16xf32, #tpu.memory_space<vmem>>[vector<16xi32>, vector<16xi32>], vector<16xf32>,
        %mul3A_439 = arith.constant 16 : i32
        %mul3A_440 = arith.muli %mul3A_439, %add3A_433 : i32
        %swap3A_441 = arith.index_cast %mul3A_440 : i32 to index
        %swap3A_442 = tpu.vector_load %arg29[%swap3A_441] {strides = array<i32>} : memref<1536xf32, #tpu.memory_space<vmem>>, vector<16xf32>,
        tpu.vector_store %arg29[%swap3A_441], %gather3A_438 {strides = array<i32>} : memref<1536xf32, #tpu.memory_space<vmem>>, vector<16xf32>,
      }
      %scan3A_360 = arith.constant 96 : i32
      %mul3A_361 = arith.constant 41472 : i32
      %mul3A_362 = arith.muli %add3A, %mul3A_361 : i32
      %mul3A_363 = arith.constant 384 : i32
      %mul3A_364 = arith.muli %add3A_334, %mul3A_363 : i32
      %add3A_365 = arith.addi %mul3A_362, %mul3A_364 : i32
      %mul3A_366 = arith.constant 4 : i32
      %mul3A_367 = arith.muli %mul3A_366, %add3A_365 : i32
      %dma_start3A_368 = tpu.memref_slice %arg8[%mul3A_367] : memref<5308416xf32, #tpu.memory_space<hbm>> -> memref<1536xf32, #tpu.memory_space<hbm>>
      %dma_start3A_369 = tpu.memref_slice %arg8[%mul3A_367] : memref<5308416xf32, #tpu.memory_space<hbm>> -> memref<1536xf32, #tpu.memory_space<hbm>>
      tpu.enqueue_dma source(%arg29 : memref<1536xf32, #tpu.memory_space<vmem>>) target(%dma_start3A_369 : memref<1536xf32, #tpu.memory_space<hbm>>) target_semaphore(%arg43 : memref<!tpu.dma_semaphore, #tpu.memory_space<semaphore_mem>>)
      %add3A_370 = arith.constant 4 : i32
      %add3A_371 = arith.addi %add3A_334, %add3A_370 : i32
      %lt3A_372 = arith.constant 108 : i32
      %lt3A_373 = arith.cmpi slt, %add3A_371, %lt3A_372 : i32
      %convert_element_type3A_374 = arith.extui %lt3A_373 : i1 to i32
      %cond3A_375 = arith.constant 0 : i32
      %cond3A_376 = arith.cmpi ne, %convert_element_type3A_374, %cond3A_375 : i32
      scf.if %cond3A_376 {
        %add3A_386 = arith.constant 4 : i32
        %add3A_387 = arith.addi %add3A_334, %add3A_386 : i32
        %mul3A_388 = arith.constant 41472 : i32
        %mul3A_389 = arith.muli %add3A, %mul3A_388 : i32
        %mul3A_390 = arith.constant 384 : i32
        %mul3A_391 = arith.muli %add3A_387, %mul3A_390 : i32
        %add3A_392 = arith.addi %mul3A_389, %mul3A_391 : i32
        %dma_start3A_393 = tpu.memref_slice %arg2[%add3A_392] : memref<1327104xi32, #tpu.memory_space<hbm>> -> memref<384xi32, #tpu.memory_space<hbm>>
        %dma_start3A_394 = tpu.memref_slice %arg2[%add3A_392] : memref<1327104xi32, #tpu.memory_space<hbm>> -> memref<384xi32, #tpu.memory_space<hbm>>
        tpu.enqueue_dma source(%dma_start3A_394 : memref<384xi32, #tpu.memory_space<hbm>>) target(%arg13 : memref<384xi32, #tpu.memory_space<vmem>>) target_semaphore(%arg35 : memref<!tpu.dma_semaphore, #tpu.memory_space<semaphore_mem>>)
        %dma_start3A_395 = arith.constant 0 : i32
        %dma_start3A_396 = arith.constant 0 : i32
        %dma_start3A_397 = tpu.memref_slice %arg17[%dma_start3A_395, %dma_start3A_396] : memref<1x384xi32, #tpu.memory_space<vmem>> -> memref<1x384xi32, #tpu.memory_space<vmem>>
        %dma_start3A_398 = tpu.memref_squeeze %dma_start3A_397 : memref<1x384xi32, #tpu.memory_space<vmem>> -> memref<384xi32, #tpu.memory_space<vmem>>
        %dma_start3A_399 = tpu.memref_slice %arg3[%add3A_392] : memref<1327104xi32, #tpu.memory_space<hbm>> -> memref<384xi32, #tpu.memory_space<hbm>>
        %dma_start3A_400 = arith.constant 0 : i32
        %dma_start3A_401 = tpu.memref_slice %arg17[%dma_start3A_395, %dma_start3A_400] : memref<1x384xi32, #tpu.memory_space<vmem>> -> memref<1x384xi32, #tpu.memory_space<vmem>>
        %dma_start3A_402 = tpu.memref_squeeze %dma_start3A_401 : memref<1x384xi32, #tpu.memory_space<vmem>> -> memref<384xi32, #tpu.memory_space<vmem>>
        %dma_start3A_403 = tpu.memref_slice %arg3[%add3A_392] : memref<1327104xi32, #tpu.memory_space<hbm>> -> memref<384xi32, #tpu.memory_space<hbm>>
        tpu.enqueue_dma source(%dma_start3A_403 : memref<384xi32, #tpu.memory_space<hbm>>) target(%dma_start3A_402 : memref<384xi32, #tpu.memory_space<vmem>>) target_semaphore(%arg35 : memref<!tpu.dma_semaphore, #tpu.memory_space<semaphore_mem>>)
      } else {
      }
      %add3A_377 = arith.constant 4 : i32
      %add3A_378 = arith.addi %add3A_334, %add3A_377 : i32
      %sub3A_379 = arith.constant 1 : i32
      %sub3A_380 = arith.subi %add3A_378, %sub3A_379 : i32
      %lt3A_381 = arith.constant 108 : i32
      %lt3A_382 = arith.cmpi slt, %sub3A_380, %lt3A_381 : i32
      %convert_element_type3A_383 = arith.extui %lt3A_382 : i1 to i32
      %cond3A_384 = arith.constant 0 : i32
      %cond3A_385 = arith.cmpi ne, %convert_element_type3A_383, %cond3A_384 : i32
      scf.if %cond3A_385 {
        %dma_wait3A_386 = arith.constant 0 : i32
        %dma_wait3A_387 = tpu.memref_slice %arg2[%dma_wait3A_386] : memref<1327104xi32, #tpu.memory_space<hbm>> -> memref<384xi32, #tpu.memory_space<hbm>>
        %dma_wait3A_388 = arith.constant 0 : i32
        %dma_wait3A_389 = tpu.memref_slice %arg2[%dma_wait3A_388] : memref<1327104xi32, #tpu.memory_space<hbm>> -> memref<384xi32, #tpu.memory_space<hbm>>
        tpu.wait_dma2 semaphore(%arg34 : memref<!tpu.dma_semaphore, #tpu.memory_space<semaphore_mem>>) src(%dma_wait3A_389 : memref<384xi32, #tpu.memory_space<hbm>>) dst(%arg12 : memref<384xi32, #tpu.memory_space<vmem>>)
        %dma_wait3A_390 = arith.constant 0 : i32
        %dma_wait3A_391 = arith.constant 0 : i32
        %dma_wait3A_392 = tpu.memref_slice %arg16[%dma_wait3A_390, %dma_wait3A_391] : memref<1x384xi32, #tpu.memory_space<vmem>> -> memref<1x384xi32, #tpu.memory_space<vmem>>
        %dma_wait3A_393 = tpu.memref_squeeze %dma_wait3A_392 : memref<1x384xi32, #tpu.memory_space<vmem>> -> memref<384xi32, #tpu.memory_space<vmem>>
        %dma_wait3A_394 = arith.constant 0 : i32
        %dma_wait3A_395 = tpu.memref_slice %arg3[%dma_wait3A_394] : memref<1327104xi32, #tpu.memory_space<hbm>> -> memref<384xi32, #tpu.memory_space<hbm>>
        %dma_wait3A_396 = arith.constant 0 : i32
        %dma_wait3A_397 = tpu.memref_slice %arg16[%dma_wait3A_390, %dma_wait3A_396] : memref<1x384xi32, #tpu.memory_space<vmem>> -> memref<1x384xi32, #tpu.memory_space<vmem>>
        %dma_wait3A_398 = tpu.memref_squeeze %dma_wait3A_397 : memref<1x384xi32, #tpu.memory_space<vmem>> -> memref<384xi32, #tpu.memory_space<vmem>>
        %dma_wait3A_399 = arith.constant 0 : i32
        %dma_wait3A_400 = tpu.memref_slice %arg3[%dma_wait3A_399] : memref<1327104xi32, #tpu.memory_space<hbm>> -> memref<384xi32, #tpu.memory_space<hbm>>
        tpu.wait_dma2 semaphore(%arg34 : memref<!tpu.dma_semaphore, #tpu.memory_space<semaphore_mem>>) src(%dma_wait3A_400 : memref<384xi32, #tpu.memory_space<hbm>>) dst(%dma_wait3A_398 : memref<384xi32, #tpu.memory_space<vmem>>)
        %dma_start3A_401 = arith.constant 0 : i32
        %dma_start3A_402 = arith.constant 0 : i32
        %dma_start3A_403 = tpu.memref_slice %arg4[%dma_start3A_401, %dma_start3A_402] : memref<40960x16xf32, #tpu.memory_space<hbm>> -> memref<40960x16xf32, #tpu.memory_space<hbm>>
        tpu.enqueue_indirect_dma source(%dma_start3A_403 : memref<40960x16xf32, #tpu.memory_space<hbm>>) target(%arg20 : memref<384x16xf32, #tpu.memory_space<vmem>>) offsets(%arg12 : memref<384xi32, #tpu.memory_space<vmem>>) semaphore(%arg38 : memref<!tpu.dma_semaphore, #tpu.memory_space<semaphore_mem>>)
        %dma_start3A_404 = arith.constant 0 : i32
        %dma_start3A_405 = arith.constant 0 : i32
        %dma_start3A_406 = tpu.memref_slice %arg16[%dma_start3A_404, %dma_start3A_405] : memref<1x384xi32, #tpu.memory_space<vmem>> -> memref<1x384xi32, #tpu.memory_space<vmem>>
        %dma_start3A_407 = tpu.memref_squeeze %dma_start3A_406 : memref<1x384xi32, #tpu.memory_space<vmem>> -> memref<384xi32, #tpu.memory_space<vmem>>
        %dma_start3A_408 = arith.constant 0 : i32
        %dma_start3A_409 = arith.constant 0 : i32
        %dma_start3A_410 = tpu.memref_slice %arg5[%dma_start3A_408, %dma_start3A_409] : memref<40960x16xf32, #tpu.memory_space<hbm>> -> memref<40960x16xf32, #tpu.memory_space<hbm>>
        tpu.enqueue_indirect_dma source(%dma_start3A_410 : memref<40960x16xf32, #tpu.memory_space<hbm>>) target(%arg24 : memref<384x16xf32, #tpu.memory_space<vmem>>) offsets(%dma_start3A_407 : memref<384xi32, #tpu.memory_space<vmem>>) semaphore(%arg38 : memref<!tpu.dma_semaphore, #tpu.memory_space<semaphore_mem>>)
      } else {
      }
    }
    %scan3A_144 = arith.constant 27 : i32
    %dma_wait3A_145 = arith.constant 0 : i32
    %dma_wait3A_146 = tpu.memref_slice %arg8[%dma_wait3A_145] : memref<5308416xf32, #tpu.memory_space<hbm>> -> memref<1536xf32, #tpu.memory_space<hbm>>
    %dma_wait3A_147 = arith.constant 0 : i32
    %dma_wait3A_148 = tpu.memref_slice %arg8[%dma_wait3A_147] : memref<5308416xf32, #tpu.memory_space<hbm>> -> memref<1536xf32, #tpu.memory_space<hbm>>
    tpu.wait_dma2 semaphore(%arg40 : memref<!tpu.dma_semaphore, #tpu.memory_space<semaphore_mem>>) src(%arg26 : memref<1536xf32, #tpu.memory_space<vmem>>) dst(%dma_wait3A_148 : memref<1536xf32, #tpu.memory_space<hbm>>)
    %dma_wait3A_149 = arith.constant 0 : i32
    %dma_wait3A_150 = tpu.memref_slice %arg8[%dma_wait3A_149] : memref<5308416xf32, #tpu.memory_space<hbm>> -> memref<1536xf32, #tpu.memory_space<hbm>>
    %dma_wait3A_151 = arith.constant 0 : i32
    %dma_wait3A_152 = tpu.memref_slice %arg8[%dma_wait3A_151] : memref<5308416xf32, #tpu.memory_space<hbm>> -> memref<1536xf32, #tpu.memory_space<hbm>>
    tpu.wait_dma2 semaphore(%arg41 : memref<!tpu.dma_semaphore, #tpu.memory_space<semaphore_mem>>) src(%arg27 : memref<1536xf32, #tpu.memory_space<vmem>>) dst(%dma_wait3A_152 : memref<1536xf32, #tpu.memory_space<hbm>>)
    %dma_wait3A_153 = arith.constant 0 : i32
    %dma_wait3A_154 = tpu.memref_slice %arg8[%dma_wait3A_153] : memref<5308416xf32, #tpu.memory_space<hbm>> -> memref<1536xf32, #tpu.memory_space<hbm>>
    %dma_wait3A_155 = arith.constant 0 : i32
    %dma_wait3A_156 = tpu.memref_slice %arg8[%dma_wait3A_155] : memref<5308416xf32, #tpu.memory_space<hbm>> -> memref<1536xf32, #tpu.memory_space<hbm>>
    tpu.wait_dma2 semaphore(%arg42 : memref<!tpu.dma_semaphore, #tpu.memory_space<semaphore_mem>>) src(%arg28 : memref<1536xf32, #tpu.memory_space<vmem>>) dst(%dma_wait3A_156 : memref<1536xf32, #tpu.memory_space<hbm>>)
    %dma_wait3A_157 = arith.constant 0 : i32
    %dma_wait3A_158 = tpu.memref_slice %arg8[%dma_wait3A_157] : memref<5308416xf32, #tpu.memory_space<hbm>> -> memref<1536xf32, #tpu.memory_space<hbm>>
    %dma_wait3A_159 = arith.constant 0 : i32
    %dma_wait3A_160 = tpu.memref_slice %arg8[%dma_wait3A_159] : memref<5308416xf32, #tpu.memory_space<hbm>> -> memref<1536xf32, #tpu.memory_space<hbm>>
    tpu.wait_dma2 semaphore(%arg43 : memref<!tpu.dma_semaphore, #tpu.memory_space<semaphore_mem>>) src(%arg29 : memref<1536xf32, #tpu.memory_space<vmem>>) dst(%dma_wait3A_160 : memref<1536xf32, #tpu.memory_space<hbm>>)
    %barrier3A_161 = arith.constant 0 : index
    tpu.barrier barrier_id(%barrier3A_161)
    %mul3A_162 = arith.constant 2560 : i32
    %mul3A_163 = arith.muli %arg1, %mul3A_162 : i32
    %mul3A_164 = arith.constant 40960 : i32
    %mul3A_165 = arith.muli %arg0, %mul3A_164 : i32
    %add3A_166 = arith.addi %mul3A_165, %mul3A_163 : i32
    "tpu.region"() ({
      %run_scoped3A = tpu.sem_alloc : memref<!tpu.dma_semaphore, #tpu.memory_space<semaphore_mem>>
      %dma_start3A_167 = arith.constant 0 : i32
      %dma_start3A_168 = tpu.memref_slice %arg9[%add3A_166, %dma_start3A_167] : memref<81920x16xf32, #tpu.memory_space<hbm>> -> memref<2560x16xf32, #tpu.memory_space<hbm>>
      %dma_start3A_169 = arith.constant 0 : i32
      %dma_start3A_170 = tpu.memref_slice %arg44[%mul3A_163, %dma_start3A_169] : memref<40960x16xf32, #tpu.memory_space<vmem_shared>> -> memref<2560x16xf32, #tpu.memory_space<vmem_shared>>
      tpu.enqueue_dma source(%dma_start3A_170 : memref<2560x16xf32, #tpu.memory_space<vmem_shared>>) target(%dma_start3A_168 : memref<2560x16xf32, #tpu.memory_space<hbm>>) target_semaphore(%run_scoped3A : memref<!tpu.dma_semaphore, #tpu.memory_space<semaphore_mem>>)
      %dma_wait3A_171 = arith.constant 0 : i32
      %dma_wait3A_172 = tpu.memref_slice %arg9[%add3A_166, %dma_wait3A_171] : memref<81920x16xf32, #tpu.memory_space<hbm>> -> memref<2560x16xf32, #tpu.memory_space<hbm>>
      %dma_wait3A_173 = arith.constant 0 : i32
      %dma_wait3A_174 = tpu.memref_slice %arg44[%mul3A_163, %dma_wait3A_173] : memref<40960x16xf32, #tpu.memory_space<vmem_shared>> -> memref<2560x16xf32, #tpu.memory_space<vmem_shared>>
      tpu.wait_dma2 semaphore(%run_scoped3A : memref<!tpu.dma_semaphore, #tpu.memory_space<semaphore_mem>>) src(%dma_wait3A_174 : memref<2560x16xf32, #tpu.memory_space<vmem_shared>>) dst(%dma_wait3A_172 : memref<2560x16xf32, #tpu.memory_space<hbm>>)
      tpu.yield
    }) : () -> ()
    return
  }
}

</mosaic_0001>

<sc_bundles>
// kernel: _edge_ex.3.cloned.1.call-start
scs
__scs_entry_jumppad:
0x0: {  	(pc) =	sbr.rel $0x88, $3  }
0x1: {  	(tag) =	ssettag $0x0;
	lr =	simm.s32 $0x1  }
0x2: {  	[smem:$0x3F9B] =	sst lr;
	_ =	strace $0xD0000000  }
0x3: {  	_ = 	snop  }
0x4: {  	_ = 	snop  }
0x5: {  	_ = 	snop  }
0x6: {  	_ = 	snop  }
0x7: {  	_ = 	snop  }
__scs_overlays_trampoline_lowered:
0x8: {  	[smem:$0x3FAA] =	sst s0  }
0x9: {  	[smem:$0x3FAB] =	sst s1  }
0xa: {  	[smem:$0x3FAC] =	sst s2  }
0xb: {  	[smem:$0x3FAD] =	sst s3  }
0xc: {  	[smem:$0x3FAE] =	sst s4  }
0xd: {  	[smem:$0x3FAF] =	sst s5  }
0xe: {  	[smem:$0x3FB0] =	sst s6  }
0xf: {  	[smem:$0x3FB1] =	sst s7  }
0x10: {  	[smem:$0x3FB2] =	sst s8  }
0x11: {  	[smem:$0x3FB3] =	sst s9;
	s0 =	simm.s32 @!p0 $0x0  }
0x12: {  	s1 =	sld [smem:$0x3F99];
	s0 =	simm.s32 @p0 $0x1  }
0x13: {  	[smem:$0x3FB4] =	sst s0;
	s0 =	simm.s32 @!p1 $0x0  }
0x14: {  	s2 =	sld [smem:$0x3F98];
	s0 =	simm.s32 @p1 $0x1  }
0x15: {  	[smem:$0x3FB5] =	sst s0;
	s0 =	simm.s32 @!p2 $0x0  }
0x16: {  	s3 =	sld [smem:$0x3FDB];
	s0 =	simm.s32 @p2 $0x1  }
0x17: {  	s4 =	simm.s32 $0x1BF5;
	[smem:$0x3FB7] =	sst s0  }
0x18: {  	s0 =	sld [smem:$0x3F9A];
	_ =	swait.ge [sflag:s4], $0x0  }
0x19: {  	s7 =	sld [smem:$0x3F9B]  }
0x1a: {  	s8 =	sadd.s32 $0xFFFFE003, lr  }
0x1b: {  	s9 =	sadd.s32 $0xFFFFFEF7, lr;
	s5 =	simm.s32 $0xFFFFFFFF;
	p2 =	slt.u32 s8, $0xFFFFF086  }
0x1c: {  	p1 =	slt.u32 s9, $0xF7A;
	s5 =	simm.s32 @!p2 $0x0  }
0x1d: {  	s5 =	simm.s32 @p1 $0x1;
	p0 =	seq.s32 s7, s2  }
0x1e: {  	s7 =	smul.u32 @!p0 $0xF7A, s2;
	p2 =	seq.s32 @!p0 s5, $0x0  }
0x1f: {  	s9 =	smul.u32 $0xF7A, s1;
	s8 =	simm.s32 @!p0 $0x1BF5;
	p2 =	por !p2, p0  }
0x20: {  	[sflag:s8] =	ssyncset.s32 @!p0 $0xFFFFF086;
	s6 =	sadd.s32 @!p0 s3, s7;
	s7 =	simm.s32 @!p0 $0x108  }
0x21: {  	s3 =	sadd.s32 s3, s9;
	s6 =	sadd.s32 @!p0 $0x88, s6;
	s7 =	simm.s32 @p2 $0x1082  }
0x22: {  	[simem:s7], [sflag:s8] =	dma.local @!p0 [hbm:s6], $0xF7A  }
0x23: {  	s9 =	sor.u32 $0xD0000000, s2;
	s6 =	simm.s32 $0x108;
	_ =	swait.ge @!p0 [sflag:s8], $0x0  }
0x24: {  	s3 =	sadd.s32 $0x88, s3;
	s6 =	simm.s32 @!p1 $0x1082;
	[sflag:s4] =	ssyncset.s32 $0xFFFFF086  }
0x25: {  	[simem:s6], [sflag:s4] =	dma.local [hbm:s3], $0xF7A  }
0x26: {  	[smem:$0x3F9B] =	sst s1;
	(tag) =	ssettag s2;
	_ =	strace s9  }
0x27: {  	s1 =	sld [smem:$0x3FAB]  }
0x28: {  	s2 =	sld [smem:$0x3FAC]  }
0x29: {  	s4 =	sld [smem:$0x3FAE]  }
0x2a: {  	p0 =	seq.s32 s5, $0x0;
	s5 =	sld [smem:$0x3FAF]  }
0x2b: {  	s6 =	sld [smem:$0x3FB0]  }
0x2c: {  	s7 =	sld [smem:$0x3FB1]  }
0x2d: {  	s3 =	simm.s32 $0x108;
	s8 =	sld [smem:$0x3FB2]  }
0x2e: {  	s3 =	simm.s32 @!p0 $0x1082;
	s9 =	sld [smem:$0x3FB3]  }
0x2f: {  	lr =	sadd.s32 s0, s3;
	s0 =	sld [smem:$0x3FAA]  }
0x30: {  	s3 =	sld [smem:$0x3FAD]  }
0x31: {  	[smem:$0x3FB6] =	sst s10  }
0x32: {  	s10 =	sld [smem:$0x3FB4];
	_ =	sdelay $0x3  }
0x33: {  	p0 =	seq.s32 s10, $0x1;
	s10 =	sld [smem:$0x3FB6];
	_ =	sdelay $0x3  }
0x34: {  	[smem:$0x3FB6] =	sst s10  }
0x35: {  	s10 =	sld [smem:$0x3FB5];
	_ =	sdelay $0x3  }
0x36: {  	p1 =	seq.s32 s10, $0x1;
	s10 =	sld [smem:$0x3FB6];
	_ =	sdelay $0x3  }
0x37: {  	[smem:$0x3FB6] =	sst s10  }
0x38: {  	s10 =	sld [smem:$0x3FB7]  }
0x39: {  	_ = 	snop;
	(pc) =	sbr.ind lr, $3  }
0x3a: {  	_ = 	snop  }
0x3b: {  	_ = 	snop  }
0x3c: {  	p2 =	seq.s32 s10, $0x1;
	s10 =	sld [smem:$0x3FB6]  }
0x3d: {  	_ =	shalt  }
0x3e: {  	_ =	shalt  }
0x3f: {  	_ =	shalt  }
0x40: {  	_ =	shalt  }
0x41: {  	_ =	shalt  }
0x42: {  	_ =	shalt  }
0x43: {  	_ =	shalt  }
0x44: {  	_ =	shalt  }
0x45: {  	_ =	shalt  }
0x46: {  	_ =	shalt  }
0x47: {  	_ =	shalt  }
0x48: {  	_ =	shalt  }
0x49: {  	_ =	shalt  }
0x4a: {  	_ =	shalt  }
0x4b: {  	_ =	shalt  }
0x4c: {  	_ =	shalt  }
0x4d: {  	_ =	shalt  }
0x4e: {  	_ =	shalt  }
0x4f: {  	_ =	shalt  }
0x50: {  	_ =	shalt  }
0x51: {  	_ =	shalt  }
0x52: {  	_ =	shalt  }
0x53: {  	_ =	shalt  }
0x54: {  	_ =	shalt  }
0x55: {  	_ =	shalt  }
0x56: {  	_ =	shalt  }
0x57: {  	_ =	shalt  }
0x58: {  	_ =	shalt  }
0x59: {  	_ =	shalt  }
0x5a: {  	_ =	shalt  }
0x5b: {  	_ =	shalt  }
0x5c: {  	_ =	shalt  }
0x5d: {  	_ =	shalt  }
0x5e: {  	_ =	shalt  }
0x5f: {  	_ =	shalt  }
0x60: {  	_ =	shalt  }
0x61: {  	_ =	shalt  }
0x62: {  	_ =	shalt  }
0x63: {  	_ =	shalt  }
0x64: {  	_ =	shalt  }
0x65: {  	_ =	shalt  }
0x66: {  	_ =	shalt  }
0x67: {  	_ =	shalt  }
0x68: {  	_ =	shalt  }
0x69: {  	_ =	shalt  }
0x6a: {  	_ =	shalt  }
0x6b: {  	_ =	shalt  }
0x6c: {  	_ =	shalt  }
0x6d: {  	_ =	shalt  }
0x6e: {  	_ =	shalt  }
0x6f: {  	_ =	shalt  }
0x70: {  	_ =	shalt  }
0x71: {  	_ =	shalt  }
0x72: {  	_ =	shalt  }
0x73: {  	_ =	shalt  }
0x74: {  	_ =	shalt  }
0x75: {  	_ =	shalt  }
0x76: {  	_ =	shalt  }
0x77: {  	_ =	shalt  }
0x78: {  	_ =	shalt  }
0x79: {  	_ =	shalt  }
0x7a: {  	_ =	shalt  }
0x7b: {  	_ =	shalt  }
0x7c: {  	_ =	shalt  }
0x7d: {  	_ =	shalt  }
0x7e: {  	_ =	shalt  }
0x7f: {  	_ =	shalt  }
0x80: {  	_ =	shalt  }
0x81: {  	_ =	shalt  }
0x82: {  	_ =	shalt  }
0x83: {  	_ =	shalt  }
0x84: {  	_ =	shalt  }
0x85: {  	_ =	shalt  }
0x86: {  	_ =	shalt  }
0x87: {  	_ =	shalt  }
.Lfunc_end0:
.L_simem_size_0:
called_computation_lowered:
.L_overlay_start_0:
0x88: {  	s2 =	sld [smem:$0x3FD9]  }
0x89: {  	s3 =	sld [smem:$0x3FFE];
	_ =	sdelay $0x1  }
0x8a: {  	s1 =	srdreg.scid  }
0x8b: {  	s0 =	sand.u32 $0x1, s1  }
0x8c: {  	s14 =	sshll.u32 s0, $0xA;
	s2 =	sadd.s32 s3, s2  }
0x8d: {  	s2 =	sadd.s32 s2, s14  }
0x8e: {  	[smem:$0x3FC2] =	sst s2  }
0x8f: {  	_ = 	snop  }
0x90: {  	s2 =	sld [smem:$0x3FD0]  }
0x91: {  	s15 =	sld [smem:$0x3FC9]  }
0x92: {  	s4 =	sld [smem:$0x3FC8]  }
0x93: {  	s6 =	simm.s32 $0xA;
	s7 =	simm.s32 $0x10;
	s5 =	sld [smem:$0x3FC5]  }
0x94: {  	[smem:s7], [sflag:s6] =	dma.local [hbm:s2], $0x1  }
0x95: {  	_ =	swait.eq [sflag:s6], $0x1  }
0x96: {  	[sflag:s6] =	ssyncset.done $0x0  }
0x97: {  	s16 =	sld [smem:$0x10];
	[sflag:s6] =	ssyncadd.s32 $0xFFFFFFFF  }
0x98: {  	s17 =	sld [smem:$0x11];
	(tm) =	ssettm $0x1  }
0x99: {  	s18 =	sld [smem:$0x3FFB];
	_ =	sdelay $0x3  }
0x9a: {  	_ =	strace s18  }
0x9b: {  	s7 =	sld [smem:$0x3FFC];
	_ =	sdelay $0x3  }
0x9c: {  	_ =	strace s7  }
0x9d: {  	s7 =	sld [smem:$0x3FFD];
	_ =	sdelay $0x3  }
0x9e: {  	_ =	strace s7  }
0x9f: {  	_ =	strace $0x8FFFFFFF  }
0xa0: {  	s19 =	sld [smem:$0x3FDB];
	_ =	sdelay $0x1  }
0xa1: {  	s8 =	simm.s32 $_scs_section_size  }
0xa2: {  	s9 =	simm.s32 $_size__tile_overlayer_lowered;
	s10 =	simm.s32 $_tile_overlayer_lowered  }
0xa3: {  	s22 =	simm.s32 $0x1BFF;
	s21 =	sshll.u32 s10, $0x1;
	s7 =	sadd.s32 s8, s19  }
0xa4: {  	s11 =	simm.s32 $0x0;
	s20 =	sshll.u32 s9, $0x1;
	s9 =	sadd.s32 s21, s7  }
0xa5: {  	[timem:s11], [sflag:s22] =	dma.local [hbm:s9], s20  }
0xa6: {  	_ =	swait.ge [sflag:s22], s20  }
0xa7: {  	s8 =	ssub.s32 $0x0, s20;
	[sflag:s22] =	ssyncset.done $0x0  }
0xa8: {  	[sflag:s22] =	ssyncadd.s32 s8;
	_ =	sdelay $0x1  }
0xa9: {  	s23 =	simm.s32 $0x1B8B  }
0xaa: {  	_ =	swait.ge [sflag:s23], $0x1  }
0xab: {  	[sflag:s23] =	ssyncset.done $0x0  }
0xac: {  	s25 =	simm.s32 $0x1B8E;
	s24 =	sld [smem:$0x3FFE];
	[sflag:s23] =	ssyncadd.s32 $0xFFFFFFFF  }
0xad: {  	s26 =	simm.s32 $execute0_lowered;
	[smem:$0x3FD2] =	sst s25  }
0xae: {  	s9 =	sshll.u32 s26, $0x1;
	_ =	strace $0x80000046;
	[dreg:$0x1] =	wrdreg $0xFFFFFFFF  }
0xaf: {  	s28 =	simm.s32 $_size_execute0_lowered;
	s7 =	sadd.s32 s7, s9;
	[dreg:$0x0] =	wrdreg $0x0  }
0xb0: {  	s9 =	sshll.u32 s28, $0x1;
	[dreg:$0x2] =	wrdreg s7  }
0xb1: {  	[dreg:$0x3] =	wrdreg s9  }
0xb2: {  	[dreg:$0x4] =	wrdreg $0xC0  }
0xb3: {  	_ =	task [dreg:s11], $0x5FFFF  }
0xb4: {  	[dreg:$0x1] =	wrdreg $0xFFFFFFFF  }
0xb5: {  	[dreg:$0x0] =	wrdreg $0x60  }
0xb6: {  	[dreg:$0x2] =	wrdreg s15  }
0xb7: {  	[dreg:$0x3] =	wrdreg s4  }
0xb8: {  	[dreg:$0x4] =	wrdreg s24  }
0xb9: {  	[dreg:$0x5] =	wrdreg s5  }
0xba: {  	[dreg:$0x6] =	wrdreg s16  }
0xbb: {  	[dreg:$0x7] =	wrdreg s17  }
0xbc: {  	[dreg:$0x8] =	wrdreg $0xFC100  }
0xbd: {  	[dreg:$0x9] =	wrdreg $0x9  }
0xbe: {  	_ =	task.clear_ibuf [dreg:s11], $0xAFFFF;
	_ =	strace $0x90000046  }
0xbf: {  	s29 =	simm.s32 $0x9;
	_ =	strace $0x80000048  }
0xc0: {  	_ =	swait.ge [sflag:s29], $0x1  }
0xc1: {  	[sflag:s29] =	ssyncadd.s32 $0xFFFFFFFF  }
0xc2: {  	_ =	strace $0x90000048  }
0xc3: {  	_ =	sfence  }
0xc4: {  	s30 =	sld [smem:$0x0];
	_ =	sdelay $0x2  }
0xc5: {  	s31 =	sshll.u32 s1, $0xD;
	s1 =	sshrl.u32 s1, $0x2  }
0xc6: {  	s3 =	sand.u32 $0x4000, s31;
	s1 =	sadd.s32 s1, s30  }
0xc7: {  	s0 =	sor.u32 s3, s0;
	s1 =	sshll.u32 s1, $0x11  }
0xc8: {  	s0 =	sor.u32 s1, s0  }
0xc9: {  	s0 =	sadd.s32 $0x8F2B, s0  }
0xca: {  	[sflag:s0] =	ssyncadd.remote.s32 $0x1  }
0xcb: {  	_ =	sfence.sel $0xFFFF  }
0xcc: {  	[dreg:$0x0] =	wrdreg $0xFFFFFFFF;
	(pc) =	sbr.abs _section_cstart, $3  }
0xcd: {  	[dreg:$0x1] =	wrdreg $0xFFFFFFFF  }
0xce: {  	_ =	task.clear_ibuf [dreg:s11], $0x2FFFF;
	_ =	strace $0x9FFFFFFF  }
0xcf: {  	(tm) =	ssettm $0x7FFFFFFF  }
tec
execute0_lowered:
.L_overlay_start_1:
0x0: {  	(tag) =	ssettag $0x1  }
0x1: {  	s0 =	rddreg [dreg:$0x0]  }
0x2: {  	s2 =	rddreg [dreg:$0x1]  }
0x3: {  	s1 =	rddreg [dreg:$0x2]  }
0x4: {  	s4 =	rddreg [dreg:$0x4]  }
0x5: {  	s3 =	rddreg [dreg:$0x5]  }
0x6: {  	s5 =	rddreg [dreg:$0x6];
	s6 =	simm.s32 $0x0;
	s7 =	srdreg.scid  }
0x7: {  	s14 =	stileid.u32;
	[smem:$0x7FF] =	sst s6  }
0x8: {  	s8 =	sadd.s32 $0x1E00, s1;
	s7 =	sand.u32 $0x1, s7;
	s9 =	sadd.s32 $0x15E00, s1  }
0x9: {  	s11 =	sshll.u32 s14, $0x1;
	s13 =	smul.u32 $0x28000, s14;
	s1 =	sadd.s32 $0xA00, s1  }
0xa: {  	s23 =	smul.u32 $0x1400, s14;
	s25 =	sshll.u32 s14, $0x6;
	_ =	strace $0x80000047  }
0xb: {  	s10 =	ssub.s32 $0x2, s7;
	s11 =	sor.u32 s7, s11;
	s7 =	smul.u32 $0x14000, s7  }
0xc: {  	[dreg:$0x8] =	wrdreg s1;
	s12 =	sshrl.u32 s10, $0x1;
	s15 =	smul.u32 $0xA200, s11  }
0xd: {  	s24 =	sshrl.u32 s13, $0x2;
	s13 =	simm.s32 $0x8;
	s1 =	ssub.s32 s10, s12  }
0xe: {  	s11 =	sadd.s32 s24, s5;
	s12 =	sor.u32 $0x1C0D, s25;
	s7 =	sadd.s32 s23, s7  }
0xf: {  	s10 =	simm.s32 $0x0;
	[dreg:$0x9] =	wrdreg s11;
	s26 =	sshrl.u32 s15, $0x3  }
0x10: {  	s17 =	sadd.s32 $0x300, s15;
	s20 =	sadd.s32 $0x480, s15;
	s3 =	sadd.s32 s3, s7  }
0x11: {  	s1 =	smax.u32 s1, $0x1;
	s25 =	sadd.s32 $0x600, s15;
	s28 =	sor.u32 $0x180, s15  }
0x12: {  	s29 =	sadd.s32 $0x780, s15;
	s30 =	sadd.s32 $0x900, s15;
	[dreg:$0xa] =	wrdreg s12  }
0x13: {  	s7 =	simm.s32 $0x180;
	s31 =	sadd.s32 s0, s26;
	[dreg:$0x11] =	wrdreg s3  }
0x14: {  	s14 =	sadd.s32 s2, s26;
	s11 =	sor.u32 $0x30, s26;
	[dreg:$0x14] =	wrdreg s1  }
0x15: {  	s19 =	smov.u32 s17;
	s18 =	sshrl.u32 s17, $0x3;
	[dreg:$0x15] =	wrdreg s25  }
0x16: {  	s26 =	smov.u32 s20;
	s22 =	sshrl.u32 s20, $0x3;
	[dreg:$0xb] =	wrdreg s31  }
0x17: {  	s17 =	smov.u32 s15;
	[dreg:$0xc] =	wrdreg s14;
	s16 =	sadd.s32 s0, s11  }
0x18: {  	s1 =	simm.s32 $0xD;
	s11 =	sadd.s32 s2, s11;
	[dreg:$0xd] =	wrdreg s16  }
0x19: {  	s25 =	simm.s32 $0xE400;
	s21 =	sadd.s32 s0, s18;
	[dreg:$0xe] =	wrdreg s11  }
0x1a: {  	s20 =	simm.s32 $0x7;
	s23 =	sadd.s32 s0, s22;
	[dreg:$0xf] =	wrdreg s21  }
.Ltmp0:
0x1b: {  	s24 =	sadd.s32 s2, s22;
	[dreg:$0x12] =	wrdreg s23;
	(pc) =	sbr.rel .LBB2_1-.Ltmp0, $4  }
0x1c: {  	s31 =	sadd.s32 $0xA80, s15;
	s14 =	simm.s32 $0x900;
	[dreg:$0x13] =	wrdreg s24  }
0x1d: {  	v1 =	vlaneseq.u32;
	s15 =	simm.s32 $0x480;
	s11 =	sadd.s32 s2, s18;
	[dreg:$0x16] =	wrdreg s31  }
0x1e: {  	v0 =	vshrl.u32 v1, $0x2;
	s16 =	simm.s32 $0xA80;
	s21 =	simm.s32 $0x3;
	s24 =	simm.s32 $0x5  }
0x1f: {  	v1 =	vand.u32 $0x3, v1;
	v0 =	vmul.u32 $0x10, v0;
	s18 =	simm.s32 $0x4;
	s23 =	simm.s32 $0x6;
	[dreg:$0x10] =	wrdreg s11  }
.LBB2_20:
0x20: {  	s3 =	simm.s32 $0x9  }
0x21: {  	_ =	swait.ge [sflag:s3], $0x600  }
0x22: {  	[sflag:s3] =	ssyncset.done $0x0  }
0x23: {  	s22 =	simm.s32 $0xA;
	[sflag:s3] =	ssyncadd.s32 $0xFFFFFA00  }
0x24: {  	_ =	swait.ge [sflag:s22], $0x600  }
0x25: {  	[sflag:s22] =	ssyncset.done $0x0  }
0x26: {  	s31 =	simm.s32 $0xB;
	[sflag:s22] =	ssyncadd.s32 $0xFFFFFA00  }
0x27: {  	_ =	swait.ge [sflag:s31], $0x600  }
0x28: {  	[sflag:s31] =	ssyncset.done $0x0  }
0x29: {  	s10 =	simm.s32 $0xC;
	[sflag:s31] =	ssyncadd.s32 $0xFFFFFA00  }
0x2a: {  	_ =	swait.ge [sflag:s10], $0x600  }
0x2b: {  	[sflag:s10] =	ssyncset.done $0x0  }
0x2c: {  	[sflag:s10] =	ssyncadd.s32 $0xFFFFFA00  }
0x2d: {  	[bflag:$0x0] =	sbarrier.arrive $0xFFFF  }
0x2e: {  	s12 =	rddreg [dreg:$0xa]  }
0x2f: {  	s11 =	rddreg [dreg:$0x11]  }
0x30: {  	s10 =	rddreg [dreg:$0x18]  }
0x31: {  	[hbm:s11], [sflag:s12] =	dma.local [spmem:s10], $0x1400  }
0x32: {  	_ =	swait.ge [sflag:s1], $0x1400  }
0x33: {  	s22 =	rddreg [dreg:$0x17]  }
0x34: {  	s31 =	rddreg [dreg:$0x14];
	s10 =	sadd.s32 $0x1, s22  }
0x35: {  	p0 =	sne.s32 s10, s31  }
.Ltmp1:
0x36: {  	_ = 	snop;
	(pc) =	sbr.rel @!p0 .LBB2_21-.Ltmp1, $3  }
0x37: {  	_ =	sdelay $0x1  }
0x38: {  	[sflag:s1] =	ssyncset.done $0x0  }
0x39: {  	[sflag:s1] =	ssyncadd.s32 $0xFFFFEC00  }
.LBB2_1:
0x3a: {  	[dreg:$0x17] =	wrdreg s10  }
0x3b: {  	s3 =	rddreg [dreg:$0x9]  }
0x3c: {  	s11 =	rddreg [dreg:$0x8];
	s3 =	sshrl.u32 s3, $0x3  }
0x3d: {  	[dreg:$0x18] =	wrdreg s3  }
0x3e: {  	[spmem:s3], [sflag:s12] =	dma.local [hbm:s11], $0x1400  }
0x3f: {  	_ =	swait.ge [sflag:s1], $0x1400  }
0x40: {  	[sflag:s1] =	ssyncset.done $0x0  }
0x41: {  	[sflag:s1] =	ssyncadd.s32 $0xFFFFEC00  }
0x42: {  	s31 =	simm.s32 $0xFC00;
	s22 =	rddreg [dreg:$0x3]  }
0x43: {  	[tilespmem:s31], [sflag:$0xD] =	stream.linear.gather [hbm4b:s22+s6], $0x10, $0x38;
	[tilespmem:$0x19C10] =	vst v63  }
0x44: {  	_ =	swait.ge [sflag:s1], $0x10  }
0x45: {  	[sflag:s1] =	ssyncset.done $0x0  }
0x46: {  	[sflag:s1] =	ssyncadd.s32 $0xFFFFFFF0  }
0x47: {  	[bflag:$0x0] =	sbarrier.arrive $0xFFFF  }
0x48: {  	s10 =	rddreg [dreg:$0xb]  }
0x49: {  	v2 =	vld [tilespmem:$0xFC00];
	[tilespmem:s6], [sflag:$0x1] =	stream.linear.gather [hbm4b:s10+s6], $0x180, $0x38  }
0x4a: {  	s11 =	rddreg [dreg:$0xc];
	s10 =	simm.s32 $0x600  }
0x4b: {  	[tilespmem:s10], [sflag:$0x1] =	stream.linear.gather [hbm4b:s11+s6], $0x180, $0x38;
	[tilespmem:$0x19C10] =	vst v63  }
0x4c: {  	s12 =	rddreg [dreg:$0xd]  }
0x4d: {  	[tilespmem:s7], [sflag:$0x2] =	stream.linear.gather [hbm4b:s12+s6], $0x180, $0x38;
	[tilespmem:$0x19C10] =	vst v63  }
0x4e: {  	s22 =	rddreg [dreg:$0xe];
	s11 =	simm.s32 $0x780  }
0x4f: {  	[tilespmem:s11], [sflag:$0x2] =	stream.linear.gather [hbm4b:s22+s6], $0x180, $0x38;
	[tilespmem:$0x19C10] =	vst v63  }
0x50: {  	s31 =	rddreg [dreg:$0xf];
	s12 =	simm.s32 $0x300  }
0x51: {  	[tilespmem:s12], [sflag:$0x3] =	stream.linear.gather [hbm4b:s31+s6], $0x180, $0x38;
	[tilespmem:$0x19C10] =	vst v63  }
0x52: {  	s22 =	rddreg [dreg:$0x10]  }
0x53: {  	[tilespmem:s14], [sflag:$0x3] =	stream.linear.gather [hbm4b:s22+s6], $0x180, $0x38;
	[tilespmem:$0x19C10] =	vst v63  }
0x54: {  	s31 =	rddreg [dreg:$0x12]  }
0x55: {  	[tilespmem:s15], [sflag:$0x4] =	stream.linear.gather [hbm4b:s31+s6], $0x180, $0x38;
	[tilespmem:$0x19C10] =	vst v63  }
0x56: {  	s22 =	rddreg [dreg:$0x13];
	s31 =	simm.s32 $0x1  }
0x57: {  	[tilespmem:s16], [sflag:$0x4] =	stream.linear.gather [hbm4b:s22+s6], $0x180, $0x38;
	[tilespmem:$0x19C10] =	vst v63  }
0x58: {  	_ =	swait.ge [sflag:s31], $0x180  }
0x59: {  	[sflag:s31] =	ssyncset.done $0x0  }
0x5a: {  	[sflag:s31] =	ssyncadd.s32 $0xFFFFFE80  }
0x5b: {  	_ =	swait.ge [sflag:s31], $0x180  }
0x5c: {  	[sflag:s31] =	ssyncset.done $0x0  }
0x5d: {  	s22 =	simm.s32 $0xC00;
	[sflag:s31] =	ssyncadd.s32 $0xFFFFFE80  }
0x5e: {  	[tilespmem:s22], [sflag:$0x5] =	stream.indirect.gather [hbm4b:s8+s7], $0x10, s6, s7, $0xb8;
	[tilespmem:$0x19C10] =	vst v63  }
0x5f: {  	s31 =	simm.s32 $0x6C00;
	s22 =	simm.s32 $0x2  }
0x60: {  	[tilespmem:s31], [sflag:$0x5] =	stream.indirect.gather [hbm4b:s9+s7], $0x10, s10, s7, $0xb8;
	[tilespmem:$0x19C10] =	vst v63  }
0x61: {  	_ =	swait.ge [sflag:s22], $0x180  }
0x62: {  	[sflag:s22] =	ssyncset.done $0x0  }
0x63: {  	[sflag:s22] =	ssyncadd.s32 $0xFFFFFE80  }
0x64: {  	_ =	swait.ge [sflag:s22], $0x180  }
0x65: {  	[sflag:s22] =	ssyncset.done $0x0  }
0x66: {  	s31 =	simm.s32 $0x2400;
	[sflag:s22] =	ssyncadd.s32 $0xFFFFFE80  }
0x67: {  	[tilespmem:s31], [sflag:$0x6] =	stream.indirect.gather [hbm4b:s8+s7], $0x10, s7, s7, $0xb8;
	[tilespmem:$0x19C10] =	vst v63  }
0x68: {  	s10 =	simm.s32 $0x8400  }
0x69: {  	[tilespmem:s10], [sflag:$0x6] =	stream.indirect.gather [hbm4b:s9+s7], $0x10, s11, s7, $0xb8;
	[tilespmem:$0x19C10] =	vst v63  }
0x6a: {  	_ =	swait.ge [sflag:s21], $0x180  }
0x6b: {  	[sflag:s21] =	ssyncset.done $0x0  }
0x6c: {  	[sflag:s21] =	ssyncadd.s32 $0xFFFFFE80  }
0x6d: {  	_ =	swait.ge [sflag:s21], $0x180  }
0x6e: {  	[sflag:s21] =	ssyncset.done $0x0  }
0x6f: {  	s22 =	simm.s32 $0x3C00;
	[sflag:s21] =	ssyncadd.s32 $0xFFFFFE80  }
0x70: {  	[tilespmem:s22], [sflag:$0x7] =	stream.indirect.gather [hbm4b:s8+s7], $0x10, s12, s7, $0xb8;
	[tilespmem:$0x19C10] =	vst v63  }
0x71: {  	s31 =	simm.s32 $0x9C00;
	s22 =	simm.s32 $0x0  }
0x72: {  	[tilespmem:s31], [sflag:$0x7] =	stream.indirect.gather [hbm4b:s9+s7], $0x10, s14, s7, $0xb8;
	[tilespmem:$0x19C10] =	vst v63  }
.LBB2_2:
0x73: {  	_ =	swait.ge [sflag:s24], $0x1800  }
0x74: {  	[sflag:s24] =	ssyncset.done $0x0  }
0x75: {  	[sflag:s24] =	ssyncadd.s32 $0xFFFFE800  }
0x76: {  	_ =	swait.ge [sflag:s24], $0x1800  }
0x77: {  	s12 =	simm.s32 $0xFFFFFFF0;
	s3 =	simm.s32 $0xE480;
	[sflag:s24] =	ssyncset.done $0x0  }
0x78: {  	s10 =	simm.s32 $0x6C80;
	s31 =	simm.s32 $0xC80;
	[sflag:s24] =	ssyncadd.s32 $0xFFFFE800  }
.LBB2_3:
0x79: {  	v3 =	vld [tilespmem:s31+$0xFFFFFF80]  }
0x7a: {  	v4 =	vld [tilespmem:s10+$0xFFFFFF80];
	_ =	sdelay $0x4  }
0x7b: {  	v3 =	vadd.f32 v4, v3;
	_ =	sdelay $0x1  }
0x7c: {  	v4 =	vmul.f32 $2.000000030e-01, v3;
	_ =	sdelay $0x1  }
0x7d: {  	v3 =	vmax.f32 v3, v4  }
0x7e: {  	v3 =	vsub.f32 v3, v2;
	_ =	sdelay $0x1  }
0x7f: {  	v3 =	vmul.f32 $1.442695020e+00, v3;
	_ =	sdelay $0x1  }
0x80: {  	(erf) = vpow2.f32 v3;
	_ =	sdelay $0x8  }
0x81: {  	v3 =	vpop (erf)  }
0x82: {  	[tilespmem:s3+$0xFFFFFF80] =	vst v3  }
0x83: {  	v3 =	vld [tilespmem:s31+$0xFFFFFF90]  }
0x84: {  	v49 =	vld [tilespmem:s10+$0xFFFFFF90];
	_ =	sdelay $0x4  }
0x85: {  	v3 =	vadd.f32 v49, v3;
	_ =	sdelay $0x1  }
0x86: {  	v4 =	vmul.f32 $2.000000030e-01, v3;
	_ =	sdelay $0x1  }
0x87: {  	v3 =	vmax.f32 v3, v4  }
0x88: {  	v3 =	vsub.f32 v3, v2;
	_ =	sdelay $0x1  }
0x89: {  	v3 =	vmul.f32 $1.442695020e+00, v3;
	_ =	sdelay $0x1  }
0x8a: {  	(erf) = vpow2.f32 v3;
	_ =	sdelay $0x8  }
0x8b: {  	v3 =	vpop (erf)  }
0x8c: {  	[tilespmem:s3+$0xFFFFFF90] =	vst v3  }
0x8d: {  	v3 =	vld [tilespmem:s31+$0xFFFFFFA0]  }
0x8e: {  	v50 =	vld [tilespmem:s10+$0xFFFFFFA0];
	_ =	sdelay $0x4  }
0x8f: {  	v3 =	vadd.f32 v50, v3;
	_ =	sdelay $0x1  }
0x90: {  	v4 =	vmul.f32 $2.000000030e-01, v3;
	_ =	sdelay $0x1  }
0x91: {  	v3 =	vmax.f32 v3, v4  }
0x92: {  	v3 =	vsub.f32 v3, v2;
	_ =	sdelay $0x1  }
0x93: {  	v3 =	vmul.f32 $1.442695020e+00, v3;
	_ =	sdelay $0x1  }
0x94: {  	(erf) = vpow2.f32 v3;
	_ =	sdelay $0x8  }
0x95: {  	v3 =	vpop (erf)  }
0x96: {  	[tilespmem:s3+$0xFFFFFFA0] =	vst v3  }
0x97: {  	v3 =	vld [tilespmem:s31+$0xFFFFFFB0]  }
0x98: {  	v51 =	vld [tilespmem:s10+$0xFFFFFFB0];
	_ =	sdelay $0x4  }
0x99: {  	v3 =	vadd.f32 v51, v3;
	_ =	sdelay $0x1  }
0x9a: {  	v4 =	vmul.f32 $2.000000030e-01, v3;
	_ =	sdelay $0x1  }
0x9b: {  	v3 =	vmax.f32 v3, v4  }
0x9c: {  	v3 =	vsub.f32 v3, v2;
	_ =	sdelay $0x1  }
0x9d: {  	v3 =	vmul.f32 $1.442695020e+00, v3;
	_ =	sdelay $0x1  }
0x9e: {  	(erf) = vpow2.f32 v3;
	_ =	sdelay $0x8  }
0x9f: {  	v3 =	vpop (erf)  }
0xa0: {  	[tilespmem:s3+$0xFFFFFFB0] =	vst v3  }
0xa1: {  	v3 =	vld [tilespmem:s31+$0xFFFFFFC0]  }
0xa2: {  	v52 =	vld [tilespmem:s10+$0xFFFFFFC0];
	_ =	sdelay $0x4  }
0xa3: {  	v3 =	vadd.f32 v52, v3;
	_ =	sdelay $0x1  }
0xa4: {  	v4 =	vmul.f32 $2.000000030e-01, v3;
	_ =	sdelay $0x1  }
0xa5: {  	v3 =	vmax.f32 v3, v4  }
0xa6: {  	v3 =	vsub.f32 v3, v2;
	_ =	sdelay $0x1  }
0xa7: {  	v3 =	vmul.f32 $1.442695020e+00, v3;
	_ =	sdelay $0x1  }
0xa8: {  	(erf) = vpow2.f32 v3;
	_ =	sdelay $0x8  }
0xa9: {  	v3 =	vpop (erf)  }
0xaa: {  	[tilespmem:s3+$0xFFFFFFC0] =	vst v3  }
0xab: {  	v3 =	vld [tilespmem:s31+$0xFFFFFFD0]  }
0xac: {  	v53 =	vld [tilespmem:s10+$0xFFFFFFD0];
	_ =	sdelay $0x4  }
0xad: {  	v3 =	vadd.f32 v53, v3;
	_ =	sdelay $0x1  }
0xae: {  	v4 =	vmul.f32 $2.000000030e-01, v3;
	_ =	sdelay $0x1  }
0xaf: {  	v3 =	vmax.f32 v3, v4  }
0xb0: {  	v3 =	vsub.f32 v3, v2;
	_ =	sdelay $0x1  }
0xb1: {  	v3 =	vmul.f32 $1.442695020e+00, v3;
	_ =	sdelay $0x1  }
0xb2: {  	(erf) = vpow2.f32 v3;
	_ =	sdelay $0x8  }
0xb3: {  	v3 =	vpop (erf)  }
0xb4: {  	[tilespmem:s3+$0xFFFFFFD0] =	vst v3  }
0xb5: {  	v3 =	vld [tilespmem:s31+$0xFFFFFFE0]  }
0xb6: {  	v54 =	vld [tilespmem:s10+$0xFFFFFFE0];
	_ =	sdelay $0x4  }
0xb7: {  	v3 =	vadd.f32 v54, v3;
	_ =	sdelay $0x1  }
0xb8: {  	v4 =	vmul.f32 $2.000000030e-01, v3;
	_ =	sdelay $0x1  }
0xb9: {  	v3 =	vmax.f32 v3, v4  }
0xba: {  	v3 =	vsub.f32 v3, v2;
	_ =	sdelay $0x1  }
0xbb: {  	v3 =	vmul.f32 $1.442695020e+00, v3;
	_ =	sdelay $0x1  }
0xbc: {  	(erf) = vpow2.f32 v3;
	_ =	sdelay $0x8  }
0xbd: {  	v3 =	vpop (erf)  }
0xbe: {  	[tilespmem:s3+$0xFFFFFFE0] =	vst v3  }
0xbf: {  	v3 =	vld [tilespmem:s31+$0xFFFFFFF0]  }
0xc0: {  	v55 =	vld [tilespmem:s10+$0xFFFFFFF0];
	_ =	sdelay $0x4  }
0xc1: {  	v3 =	vadd.f32 v55, v3;
	_ =	sdelay $0x1  }
0xc2: {  	v4 =	vmul.f32 $2.000000030e-01, v3;
	_ =	sdelay $0x1  }
0xc3: {  	v3 =	vmax.f32 v3, v4  }
0xc4: {  	v3 =	vsub.f32 v3, v2;
	_ =	sdelay $0x1  }
0xc5: {  	v3 =	vmul.f32 $1.442695020e+00, v3;
	_ =	sdelay $0x1  }
0xc6: {  	(erf) = vpow2.f32 v3;
	_ =	sdelay $0x8  }
0xc7: {  	v3 =	vpop (erf)  }
0xc8: {  	[tilespmem:s3+$0xFFFFFFF0] =	vst v3  }
0xc9: {  	v3 =	vld [tilespmem:s31+$0x0]  }
0xca: {  	v56 =	vld [tilespmem:s10+$0x0];
	_ =	sdelay $0x4  }
0xcb: {  	v3 =	vadd.f32 v56, v3;
	_ =	sdelay $0x1  }
0xcc: {  	v4 =	vmul.f32 $2.000000030e-01, v3;
	_ =	sdelay $0x1  }
0xcd: {  	v3 =	vmax.f32 v3, v4  }
0xce: {  	v3 =	vsub.f32 v3, v2;
	_ =	sdelay $0x1  }
0xcf: {  	v3 =	vmul.f32 $1.442695020e+00, v3;
	_ =	sdelay $0x1  }
0xd0: {  	(erf) = vpow2.f32 v3;
	_ =	sdelay $0x8  }
0xd1: {  	v3 =	vpop (erf)  }
0xd2: {  	[tilespmem:s3+$0x0] =	vst v3  }
0xd3: {  	v3 =	vld [tilespmem:s31+$0x10]  }
0xd4: {  	v57 =	vld [tilespmem:s10+$0x10];
	_ =	sdelay $0x4  }
0xd5: {  	v3 =	vadd.f32 v57, v3;
	_ =	sdelay $0x1  }
0xd6: {  	v4 =	vmul.f32 $2.000000030e-01, v3;
	_ =	sdelay $0x1  }
0xd7: {  	v3 =	vmax.f32 v3, v4  }
0xd8: {  	v3 =	vsub.f32 v3, v2;
	_ =	sdelay $0x1  }
0xd9: {  	v3 =	vmul.f32 $1.442695020e+00, v3;
	_ =	sdelay $0x1  }
0xda: {  	(erf) = vpow2.f32 v3;
	_ =	sdelay $0x8  }
0xdb: {  	v3 =	vpop (erf)  }
0xdc: {  	[tilespmem:s3+$0x10] =	vst v3  }
0xdd: {  	v3 =	vld [tilespmem:s31+$0x20]  }
0xde: {  	v58 =	vld [tilespmem:s10+$0x20];
	_ =	sdelay $0x4  }
0xdf: {  	v3 =	vadd.f32 v58, v3;
	_ =	sdelay $0x1  }
0xe0: {  	v4 =	vmul.f32 $2.000000030e-01, v3;
	_ =	sdelay $0x1  }
0xe1: {  	v3 =	vmax.f32 v3, v4  }
0xe2: {  	v3 =	vsub.f32 v3, v2;
	_ =	sdelay $0x1  }
0xe3: {  	v3 =	vmul.f32 $1.442695020e+00, v3;
	_ =	sdelay $0x1  }
0xe4: {  	(erf) = vpow2.f32 v3;
	_ =	sdelay $0x8  }
0xe5: {  	v3 =	vpop (erf)  }
0xe6: {  	[tilespmem:s3+$0x20] =	vst v3  }
0xe7: {  	v3 =	vld [tilespmem:s31+$0x30]  }
0xe8: {  	v59 =	vld [tilespmem:s10+$0x30];
	_ =	sdelay $0x4  }
0xe9: {  	v3 =	vadd.f32 v59, v3;
	_ =	sdelay $0x1  }
0xea: {  	v4 =	vmul.f32 $2.000000030e-01, v3;
	_ =	sdelay $0x1  }
0xeb: {  	v3 =	vmax.f32 v3, v4  }
0xec: {  	v3 =	vsub.f32 v3, v2;
	_ =	sdelay $0x1  }
0xed: {  	v3 =	vmul.f32 $1.442695020e+00, v3;
	_ =	sdelay $0x1  }
0xee: {  	(erf) = vpow2.f32 v3;
	_ =	sdelay $0x8  }
0xef: {  	v3 =	vpop (erf)  }
0xf0: {  	[tilespmem:s3+$0x30] =	vst v3  }
0xf1: {  	v3 =	vld [tilespmem:s31+$0x40]  }
0xf2: {  	v60 =	vld [tilespmem:s10+$0x40];
	_ =	sdelay $0x4  }
0xf3: {  	v3 =	vadd.f32 v60, v3;
	_ =	sdelay $0x1  }
0xf4: {  	v4 =	vmul.f32 $2.000000030e-01, v3;
	_ =	sdelay $0x1  }
0xf5: {  	v3 =	vmax.f32 v3, v4  }
0xf6: {  	v3 =	vsub.f32 v3, v2;
	_ =	sdelay $0x1  }
0xf7: {  	v3 =	vmul.f32 $1.442695020e+00, v3;
	_ =	sdelay $0x1  }
0xf8: {  	(erf) = vpow2.f32 v3;
	_ =	sdelay $0x8  }
0xf9: {  	v3 =	vpop (erf)  }
0xfa: {  	[tilespmem:s3+$0x40] =	vst v3  }
0xfb: {  	v3 =	vld [tilespmem:s31+$0x50]  }
0xfc: {  	v61 =	vld [tilespmem:s10+$0x50];
	_ =	sdelay $0x4  }
0xfd: {  	v3 =	vadd.f32 v61, v3;
	_ =	sdelay $0x1  }
0xfe: {  	v4 =	vmul.f32 $2.000000030e-01, v3;
	_ =	sdelay $0x1  }
0xff: {  	v3 =	vmax.f32 v3, v4  }
0x100: {  	v3 =	vsub.f32 v3, v2;
	_ =	sdelay $0x1  }
0x101: {  	v3 =	vmul.f32 $1.442695020e+00, v3;
	_ =	sdelay $0x1  }
0x102: {  	(erf) = vpow2.f32 v3;
	_ =	sdelay $0x8  }
0x103: {  	v3 =	vpop (erf)  }
0x104: {  	[tilespmem:s3+$0x50] =	vst v3  }
0x105: {  	v3 =	vld [tilespmem:s31+$0x60]  }
0x106: {  	v62 =	vld [tilespmem:s10+$0x60];
	_ =	sdelay $0x4  }
0x107: {  	v3 =	vadd.f32 v62, v3;
	_ =	sdelay $0x1  }
0x108: {  	v4 =	vmul.f32 $2.000000030e-01, v3;
	_ =	sdelay $0x1  }
0x109: {  	v3 =	vmax.f32 v3, v4  }
0x10a: {  	v3 =	vsub.f32 v3, v2;
	_ =	sdelay $0x1  }
0x10b: {  	v3 =	vmul.f32 $1.442695020e+00, v3;
	_ =	sdelay $0x1  }
0x10c: {  	(erf) = vpow2.f32 v3;
	_ =	sdelay $0x8  }
0x10d: {  	v3 =	vpop (erf)  }
0x10e: {  	[tilespmem:s3+$0x60] =	vst v3  }
0x10f: {  	v3 =	vld [tilespmem:s31+$0x70]  }
0x110: {  	v63 =	vld [tilespmem:s10+$0x70];
	_ =	sdelay $0x4  }
0x111: {  	v3 =	vadd.f32 v63, v3;
	_ =	sdelay $0x1  }
0x112: {  	v4 =	vmul.f32 $2.000000030e-01, v3;
	_ =	sdelay $0x1  }
0x113: {  	v3 =	vmax.f32 v3, v4  }
0x114: {  	v3 =	vsub.f32 v3, v2;
	_ =	sdelay $0x1  }
0x115: {  	v3 =	vmul.f32 $1.442695020e+00, v3;
	_ =	sdelay $0x1  }
0x116: {  	(erf) = vpow2.f32 v3;
	_ =	sdelay $0x3  }
0x117: {  	s12 =	sadd.s32 $0x10, s12  }
0x118: {  	p0 =	slt.u32 s12, $0x170  }
.Ltmp2:
0x119: {  	_ = 	snop;
	(pc) =	sbr.rel @p0 .LBB2_3-.Ltmp2, $3  }
0x11a: {  	_ =	sdelay $0x1  }
0x11b: {  	v3 =	vpop (erf)  }
0x11c: {  	s10 =	sadd.s32 $0x100, s10;
	s31 =	sadd.s32 $0x100, s31;
	[tilespmem:s3+$0x70] =	vst v3;
	s3 =	sadd.s32 $0x100, s3  }
0x11d: {  	s3 =	simm.s32 $0x0  }
0x11e: {  	s11 =	simm.s32 $0x600;
	v3 =	vmov s3  }
0x11f: {  	[spmem:s5] =	stream.indirect.scatter.add.f32 [tilespmem:s25], [sflag:$0xD], $0x10, s11, s7, $0xb8;
	v3 =	vshll.u32 v3, $0x4;
	[tilespmem:$0x19C10] =	vst v63  }
0x120: {  	_ =	swait.ge [sflag:s1], $0x1800;
	v3 =	vor.u32 v0, v3  }
0x121: {  	p0 =	seq.s32 s22, $0x0;
	[sflag:s1] =	ssyncset.done $0x0;
	v3 =	vor.u32 v1, v3  }
0x122: {  	s3 =	simm.s32 @!p0 $0x9;
	[sflag:s1] =	ssyncadd.s32 $0xFFFFE800  }
0x123: {  	s10 =	simm.s32 $0x4;
	_ =	swait.ge @!p0 [sflag:s3], $0x600  }
0x124: {  	v4 =	vmov s10;
	[sflag:s3] =	ssyncset.done @!p0 $0x0  }
0x125: {  	v4 =	vshll.u32 v4, $0x4;
	[sflag:s3] =	ssyncadd.s32 @!p0 $0xFFFFFA00  }
0x126: {  	v4 =	vor.u32 v0, v4;
	v3 =	vld.idx.msk [tilespmem:v3+s25+$0x0], $0xffff  }
0x127: {  	v4 =	vor.u32 v1, v4;
	_ =	sdelay $0x1  }
0x128: {  	s12 =	simm.s32 $0x8  }
0x129: {  	v5 =	vmov s12;
	s3 =	simm.s32 $0xCC20  }
0x12a: {  	[tilespmem:s3+$0xFFFFFFE0] =	vst v3;
	v3 =	vshll.u32 v5, $0x4  }
0x12b: {  	v4 =	vld.idx.msk [tilespmem:v4+s25+$0x0], $0xffff;
	v3 =	vor.u32 v0, v3  }
0x12c: {  	v3 =	vor.u32 v1, v3;
	_ =	sdelay $0x1  }
0x12d: {  	s31 =	simm.s32 $0xC  }
0x12e: {  	v5 =	vmov s31  }
0x12f: {  	v5 =	vshll.u32 v5, $0x4;
	[tilespmem:s3+$0xFFFFFFF0] =	vst v4  }
0x130: {  	v4 =	vor.u32 v0, v5;
	v3 =	vld.idx.msk [tilespmem:v3+s25+$0x0], $0xffff  }
0x131: {  	v4 =	vor.u32 v1, v4;
	_ =	sdelay $0x2  }
0x132: {  	s10 =	simm.s32 $0x0;
	s11 =	simm.s32 $0x10  }
.LBB2_5:
0x133: {  	v5 =	vmov s11;
	s10 =	sadd.s32 $0x4, s10;
	[tilespmem:s3+$0x0] =	vst v3  }
0x134: {  	v3 =	vshll.u32 v5, $0x4;
	p1 =	slt.u32 s10, $0x5C;
	v4 =	vld.idx.msk [tilespmem:v4+s25+$0x0], $0xffff  }
0x135: {  	v3 =	vor.u32 v0, v3  }
0x136: {  	v3 =	vor.u32 v1, v3;
	_ =	sdelay $0x2  }
0x137: {  	s12 =	sadd.s32 $0x4, s11  }
0x138: {  	v5 =	vmov s12;
	[tilespmem:s3+$0x10] =	vst v4  }
0x139: {  	v4 =	vshll.u32 v5, $0x4;
	v3 =	vld.idx.msk [tilespmem:v3+s25+$0x0], $0xffff  }
0x13a: {  	v4 =	vor.u32 v0, v4  }
0x13b: {  	v4 =	vor.u32 v1, v4;
	_ =	sdelay $0x2  }
0x13c: {  	s12 =	sadd.s32 $0x8, s11;
	s3 =	sadd.s32 $0x40, s3  }
0x13d: {  	[tilespmem:s3+$0xFFFFFFE0] =	vst v3;
	v3 =	vmov s12  }
0x13e: {  	v4 =	vld.idx.msk [tilespmem:v4+s25+$0x0], $0xffff;
	v3 =	vshll.u32 v3, $0x4  }
0x13f: {  	v3 =	vor.u32 v0, v3  }
0x140: {  	v3 =	vor.u32 v1, v3;
	_ =	sdelay $0x2  }
0x141: {  	s12 =	sadd.s32 $0xC, s11  }
0x142: {  	[tilespmem:s3+$0xFFFFFFF0] =	vst v4;
	v4 =	vmov s12  }
0x143: {  	v3 =	vld.idx.msk [tilespmem:v3+s25+$0x0], $0xffff;
	v4 =	vshll.u32 v4, $0x4  }
.Ltmp3:
0x144: {  	v4 =	vor.u32 v0, v4;
	(pc) =	sbr.rel @p1 .LBB2_5-.Ltmp3, $2  }
0x145: {  	v4 =	vor.u32 v1, v4;
	_ =	sdelay $0x2  }
0x146: {  	s11 =	sadd.s32 $0x10, s11  }
0x147: {  	_ =	sdelay $0x2  }
0x148: {  	[tilespmem:s3+$0x0] =	vst v3  }
0x149: {  	v3 =	vld.idx.msk [tilespmem:v4+s25+$0x0], $0xffff  }
0x14a: {  	s12 =	smul.u32 $0x600, s22;
	_ =	sdelay $0x1  }
0x14b: {  	s10 =	sadd.s32 s17, s12  }
0x14c: {  	s11 =	simm.s32 $0xCC00;
	s10 =	sshrl.u32 s10, $0x1  }
0x14d: {  	p1 =	seq.s32 s22, $0x1A;
	s10 =	sadd.s32 s4, s10;
	[tilespmem:s3+$0x10] =	vst v3;
	s3 =	rddreg [dreg:$0x15]  }
0x14e: {  	[hbm4b:s10+s6] =	stream.linear.scatter [tilespmem:s11], [sflag:$0x9], $0x600, $0x38;
	[tilespmem:$0x19C10] =	vst v63  }
0x14f: {  	s3 =	sadd.s32 @!p1 s12, s3  }
0x150: {  	s3 =	sshrl.u32 @!p1 s3, $0x3  }
0x151: {  	s11 =	simm.s32 @!p1 $0x0;
	s10 =	sadd.s32 @!p1 s0, s3  }
0x152: {  	[tilespmem:s11], [sflag:$0x1] =	stream.linear.gather @!p1 [hbm4b:s10+s11], $0x180, $0x38;
	[tilespmem:$0x19C10] =	vst v63  }
0x153: {  	s3 =	sadd.s32 @!p1 s2, s3;
	s10 =	simm.s32 @!p1 $0x600  }
0x154: {  	[tilespmem:s10], [sflag:$0x1] =	stream.linear.gather @!p1 [hbm4b:s3+s11], $0x180, $0x38;
	[tilespmem:$0x19C10] =	vst v63  }
0x155: {  	_ =	swait.ge [sflag:s18], $0x180  }
0x156: {  	[sflag:s18] =	ssyncset.done $0x0  }
0x157: {  	[sflag:s18] =	ssyncadd.s32 $0xFFFFFE80  }
0x158: {  	_ =	swait.ge [sflag:s18], $0x180  }
0x159: {  	[sflag:s18] =	ssyncset.done $0x0  }
0x15a: {  	s10 =	simm.s32 $0x5400;
	[sflag:s18] =	ssyncadd.s32 $0xFFFFFE80  }
0x15b: {  	[tilespmem:s10], [sflag:$0x8] =	stream.indirect.gather [hbm4b:s8+s7], $0x10, s15, s7, $0xb8;
	[tilespmem:$0x19C10] =	vst v63  }
0x15c: {  	s11 =	simm.s32 $0xB400  }
0x15d: {  	[tilespmem:s11], [sflag:$0x8] =	stream.indirect.gather [hbm4b:s9+s7], $0x10, s16, s7, $0xb8;
	[tilespmem:$0x19C10] =	vst v63  }
0x15e: {  	_ =	swait.ge [sflag:s23], $0x1800  }
0x15f: {  	[sflag:s23] =	ssyncset.done $0x0  }
0x160: {  	[sflag:s23] =	ssyncadd.s32 $0xFFFFE800  }
0x161: {  	_ =	swait.ge [sflag:s23], $0x1800  }
0x162: {  	s31 =	simm.s32 $0x8480;
	s3 =	simm.s32 $0xFFFFFFF0;
	[sflag:s23] =	ssyncset.done $0x0  }
0x163: {  	s10 =	simm.s32 $0xE480;
	s11 =	simm.s32 $0x2480;
	[sflag:s23] =	ssyncadd.s32 $0xFFFFE800  }
.LBB2_7:
0x164: {  	v3 =	vld [tilespmem:s11+$0xFFFFFF80]  }
0x165: {  	v4 =	vld [tilespmem:s31+$0xFFFFFF80];
	_ =	sdelay $0x4  }
0x166: {  	v3 =	vadd.f32 v4, v3;
	_ =	sdelay $0x1  }
0x167: {  	v4 =	vmul.f32 $2.000000030e-01, v3;
	_ =	sdelay $0x1  }
0x168: {  	v3 =	vmax.f32 v3, v4  }
0x169: {  	v3 =	vsub.f32 v3, v2;
	_ =	sdelay $0x1  }
0x16a: {  	v3 =	vmul.f32 $1.442695020e+00, v3;
	_ =	sdelay $0x1  }
0x16b: {  	(erf) = vpow2.f32 v3;
	_ =	sdelay $0x8  }
0x16c: {  	v3 =	vpop (erf)  }
0x16d: {  	[tilespmem:s10+$0xFFFFFF80] =	vst v3  }
0x16e: {  	v3 =	vld [tilespmem:s11+$0xFFFFFF90]  }
0x16f: {  	v49 =	vld [tilespmem:s31+$0xFFFFFF90];
	_ =	sdelay $0x4  }
0x170: {  	v3 =	vadd.f32 v49, v3;
	_ =	sdelay $0x1  }
0x171: {  	v4 =	vmul.f32 $2.000000030e-01, v3;
	_ =	sdelay $0x1  }
0x172: {  	v3 =	vmax.f32 v3, v4  }
0x173: {  	v3 =	vsub.f32 v3, v2;
	_ =	sdelay $0x1  }
0x174: {  	v3 =	vmul.f32 $1.442695020e+00, v3;
	_ =	sdelay $0x1  }
0x175: {  	(erf) = vpow2.f32 v3;
	_ =	sdelay $0x8  }
0x176: {  	v3 =	vpop (erf)  }
0x177: {  	[tilespmem:s10+$0xFFFFFF90] =	vst v3  }
0x178: {  	v3 =	vld [tilespmem:s11+$0xFFFFFFA0]  }
0x179: {  	v50 =	vld [tilespmem:s31+$0xFFFFFFA0];
	_ =	sdelay $0x4  }
0x17a: {  	v3 =	vadd.f32 v50, v3;
	_ =	sdelay $0x1  }
0x17b: {  	v4 =	vmul.f32 $2.000000030e-01, v3;
	_ =	sdelay $0x1  }
0x17c: {  	v3 =	vmax.f32 v3, v4  }
0x17d: {  	v3 =	vsub.f32 v3, v2;
	_ =	sdelay $0x1  }
0x17e: {  	v3 =	vmul.f32 $1.442695020e+00, v3;
	_ =	sdelay $0x1  }
0x17f: {  	(erf) = vpow2.f32 v3;
	_ =	sdelay $0x8  }
0x180: {  	v3 =	vpop (erf)  }
0x181: {  	[tilespmem:s10+$0xFFFFFFA0] =	vst v3  }
0x182: {  	v3 =	vld [tilespmem:s11+$0xFFFFFFB0]  }
0x183: {  	v51 =	vld [tilespmem:s31+$0xFFFFFFB0];
	_ =	sdelay $0x4  }
0x184: {  	v3 =	vadd.f32 v51, v3;
	_ =	sdelay $0x1  }
0x185: {  	v4 =	vmul.f32 $2.000000030e-01, v3;
	_ =	sdelay $0x1  }
0x186: {  	v3 =	vmax.f32 v3, v4  }
0x187: {  	v3 =	vsub.f32 v3, v2;
	_ =	sdelay $0x1  }
0x188: {  	v3 =	vmul.f32 $1.442695020e+00, v3;
	_ =	sdelay $0x1  }
0x189: {  	(erf) = vpow2.f32 v3;
	_ =	sdelay $0x8  }
0x18a: {  	v3 =	vpop (erf)  }
0x18b: {  	[tilespmem:s10+$0xFFFFFFB0] =	vst v3  }
0x18c: {  	v3 =	vld [tilespmem:s11+$0xFFFFFFC0]  }
0x18d: {  	v52 =	vld [tilespmem:s31+$0xFFFFFFC0];
	_ =	sdelay $0x4  }
0x18e: {  	v3 =	vadd.f32 v52, v3;
	_ =	sdelay $0x1  }
0x18f: {  	v4 =	vmul.f32 $2.000000030e-01, v3;
	_ =	sdelay $0x1  }
0x190: {  	v3 =	vmax.f32 v3, v4  }
0x191: {  	v3 =	vsub.f32 v3, v2;
	_ =	sdelay $0x1  }
0x192: {  	v3 =	vmul.f32 $1.442695020e+00, v3;
	_ =	sdelay $0x1  }
0x193: {  	(erf) = vpow2.f32 v3;
	_ =	sdelay $0x8  }
0x194: {  	v3 =	vpop (erf)  }
0x195: {  	[tilespmem:s10+$0xFFFFFFC0] =	vst v3  }
0x196: {  	v3 =	vld [tilespmem:s11+$0xFFFFFFD0]  }
0x197: {  	v53 =	vld [tilespmem:s31+$0xFFFFFFD0];
	_ =	sdelay $0x4  }
0x198: {  	v3 =	vadd.f32 v53, v3;
	_ =	sdelay $0x1  }
0x199: {  	v4 =	vmul.f32 $2.000000030e-01, v3;
	_ =	sdelay $0x1  }
0x19a: {  	v3 =	vmax.f32 v3, v4  }
0x19b: {  	v3 =	vsub.f32 v3, v2;
	_ =	sdelay $0x1  }
0x19c: {  	v3 =	vmul.f32 $1.442695020e+00, v3;
	_ =	sdelay $0x1  }
0x19d: {  	(erf) = vpow2.f32 v3;
	_ =	sdelay $0x8  }
0x19e: {  	v3 =	vpop (erf)  }
0x19f: {  	[tilespmem:s10+$0xFFFFFFD0] =	vst v3  }
0x1a0: {  	v3 =	vld [tilespmem:s11+$0xFFFFFFE0]  }
0x1a1: {  	v54 =	vld [tilespmem:s31+$0xFFFFFFE0];
	_ =	sdelay $0x4  }
0x1a2: {  	v3 =	vadd.f32 v54, v3;
	_ =	sdelay $0x1  }
0x1a3: {  	v4 =	vmul.f32 $2.000000030e-01, v3;
	_ =	sdelay $0x1  }
0x1a4: {  	v3 =	vmax.f32 v3, v4  }
0x1a5: {  	v3 =	vsub.f32 v3, v2;
	_ =	sdelay $0x1  }
0x1a6: {  	v3 =	vmul.f32 $1.442695020e+00, v3;
	_ =	sdelay $0x1  }
0x1a7: {  	(erf) = vpow2.f32 v3;
	_ =	sdelay $0x8  }
0x1a8: {  	v3 =	vpop (erf)  }
0x1a9: {  	[tilespmem:s10+$0xFFFFFFE0] =	vst v3  }
0x1aa: {  	v3 =	vld [tilespmem:s11+$0xFFFFFFF0]  }
0x1ab: {  	v55 =	vld [tilespmem:s31+$0xFFFFFFF0];
	_ =	sdelay $0x4  }
0x1ac: {  	v3 =	vadd.f32 v55, v3;
	_ =	sdelay $0x1  }
0x1ad: {  	v4 =	vmul.f32 $2.000000030e-01, v3;
	_ =	sdelay $0x1  }
0x1ae: {  	v3 =	vmax.f32 v3, v4  }
0x1af: {  	v3 =	vsub.f32 v3, v2;
	_ =	sdelay $0x1  }
0x1b0: {  	v3 =	vmul.f32 $1.442695020e+00, v3;
	_ =	sdelay $0x1  }
0x1b1: {  	(erf) = vpow2.f32 v3;
	_ =	sdelay $0x8  }
0x1b2: {  	v3 =	vpop (erf)  }
0x1b3: {  	[tilespmem:s10+$0xFFFFFFF0] =	vst v3  }
0x1b4: {  	v3 =	vld [tilespmem:s11+$0x0]  }
0x1b5: {  	v56 =	vld [tilespmem:s31+$0x0];
	_ =	sdelay $0x4  }
0x1b6: {  	v3 =	vadd.f32 v56, v3;
	_ =	sdelay $0x1  }
0x1b7: {  	v4 =	vmul.f32 $2.000000030e-01, v3;
	_ =	sdelay $0x1  }
0x1b8: {  	v3 =	vmax.f32 v3, v4  }
0x1b9: {  	v3 =	vsub.f32 v3, v2;
	_ =	sdelay $0x1  }
0x1ba: {  	v3 =	vmul.f32 $1.442695020e+00, v3;
	_ =	sdelay $0x1  }
0x1bb: {  	(erf) = vpow2.f32 v3;
	_ =	sdelay $0x8  }
0x1bc: {  	v3 =	vpop (erf)  }
0x1bd: {  	[tilespmem:s10+$0x0] =	vst v3  }
0x1be: {  	v3 =	vld [tilespmem:s11+$0x10]  }
0x1bf: {  	v57 =	vld [tilespmem:s31+$0x10];
	_ =	sdelay $0x4  }
0x1c0: {  	v3 =	vadd.f32 v57, v3;
	_ =	sdelay $0x1  }
0x1c1: {  	v4 =	vmul.f32 $2.000000030e-01, v3;
	_ =	sdelay $0x1  }
0x1c2: {  	v3 =	vmax.f32 v3, v4  }
0x1c3: {  	v3 =	vsub.f32 v3, v2;
	_ =	sdelay $0x1  }
0x1c4: {  	v3 =	vmul.f32 $1.442695020e+00, v3;
	_ =	sdelay $0x1  }
0x1c5: {  	(erf) = vpow2.f32 v3;
	_ =	sdelay $0x8  }
0x1c6: {  	v3 =	vpop (erf)  }
0x1c7: {  	[tilespmem:s10+$0x10] =	vst v3  }
0x1c8: {  	v3 =	vld [tilespmem:s11+$0x20]  }
0x1c9: {  	v58 =	vld [tilespmem:s31+$0x20];
	_ =	sdelay $0x4  }
0x1ca: {  	v3 =	vadd.f32 v58, v3;
	_ =	sdelay $0x1  }
0x1cb: {  	v4 =	vmul.f32 $2.000000030e-01, v3;
	_ =	sdelay $0x1  }
0x1cc: {  	v3 =	vmax.f32 v3, v4  }
0x1cd: {  	v3 =	vsub.f32 v3, v2;
	_ =	sdelay $0x1  }
0x1ce: {  	v3 =	vmul.f32 $1.442695020e+00, v3;
	_ =	sdelay $0x1  }
0x1cf: {  	(erf) = vpow2.f32 v3;
	_ =	sdelay $0x8  }
0x1d0: {  	v3 =	vpop (erf)  }
0x1d1: {  	[tilespmem:s10+$0x20] =	vst v3  }
0x1d2: {  	v3 =	vld [tilespmem:s11+$0x30]  }
0x1d3: {  	v59 =	vld [tilespmem:s31+$0x30];
	_ =	sdelay $0x4  }
0x1d4: {  	v3 =	vadd.f32 v59, v3;
	_ =	sdelay $0x1  }
0x1d5: {  	v4 =	vmul.f32 $2.000000030e-01, v3;
	_ =	sdelay $0x1  }
0x1d6: {  	v3 =	vmax.f32 v3, v4  }
0x1d7: {  	v3 =	vsub.f32 v3, v2;
	_ =	sdelay $0x1  }
0x1d8: {  	v3 =	vmul.f32 $1.442695020e+00, v3;
	_ =	sdelay $0x1  }
0x1d9: {  	(erf) = vpow2.f32 v3;
	_ =	sdelay $0x8  }
0x1da: {  	v3 =	vpop (erf)  }
0x1db: {  	[tilespmem:s10+$0x30] =	vst v3  }
0x1dc: {  	v3 =	vld [tilespmem:s11+$0x40]  }
0x1dd: {  	v60 =	vld [tilespmem:s31+$0x40];
	_ =	sdelay $0x4  }
0x1de: {  	v3 =	vadd.f32 v60, v3;
	_ =	sdelay $0x1  }
0x1df: {  	v4 =	vmul.f32 $2.000000030e-01, v3;
	_ =	sdelay $0x1  }
0x1e0: {  	v3 =	vmax.f32 v3, v4  }
0x1e1: {  	v3 =	vsub.f32 v3, v2;
	_ =	sdelay $0x1  }
0x1e2: {  	v3 =	vmul.f32 $1.442695020e+00, v3;
	_ =	sdelay $0x1  }
0x1e3: {  	(erf) = vpow2.f32 v3;
	_ =	sdelay $0x8  }
0x1e4: {  	v3 =	vpop (erf)  }
0x1e5: {  	[tilespmem:s10+$0x40] =	vst v3  }
0x1e6: {  	v3 =	vld [tilespmem:s11+$0x50]  }
0x1e7: {  	v61 =	vld [tilespmem:s31+$0x50];
	_ =	sdelay $0x4  }
0x1e8: {  	v3 =	vadd.f32 v61, v3;
	_ =	sdelay $0x1  }
0x1e9: {  	v4 =	vmul.f32 $2.000000030e-01, v3;
	_ =	sdelay $0x1  }
0x1ea: {  	v3 =	vmax.f32 v3, v4  }
0x1eb: {  	v3 =	vsub.f32 v3, v2;
	_ =	sdelay $0x1  }
0x1ec: {  	v3 =	vmul.f32 $1.442695020e+00, v3;
	_ =	sdelay $0x1  }
0x1ed: {  	(erf) = vpow2.f32 v3;
	_ =	sdelay $0x8  }
0x1ee: {  	v3 =	vpop (erf)  }
0x1ef: {  	[tilespmem:s10+$0x50] =	vst v3  }
0x1f0: {  	v3 =	vld [tilespmem:s11+$0x60]  }
0x1f1: {  	v62 =	vld [tilespmem:s31+$0x60];
	_ =	sdelay $0x4  }
0x1f2: {  	v3 =	vadd.f32 v62, v3;
	_ =	sdelay $0x1  }
0x1f3: {  	v4 =	vmul.f32 $2.000000030e-01, v3;
	_ =	sdelay $0x1  }
0x1f4: {  	v3 =	vmax.f32 v3, v4  }
0x1f5: {  	v3 =	vsub.f32 v3, v2;
	_ =	sdelay $0x1  }
0x1f6: {  	v3 =	vmul.f32 $1.442695020e+00, v3;
	_ =	sdelay $0x1  }
0x1f7: {  	(erf) = vpow2.f32 v3;
	_ =	sdelay $0x8  }
0x1f8: {  	v3 =	vpop (erf)  }
0x1f9: {  	[tilespmem:s10+$0x60] =	vst v3  }
0x1fa: {  	v3 =	vld [tilespmem:s11+$0x70]  }
0x1fb: {  	v63 =	vld [tilespmem:s31+$0x70];
	_ =	sdelay $0x4  }
0x1fc: {  	v3 =	vadd.f32 v63, v3;
	_ =	sdelay $0x1  }
0x1fd: {  	v4 =	vmul.f32 $2.000000030e-01, v3;
	_ =	sdelay $0x1  }
0x1fe: {  	v3 =	vmax.f32 v3, v4  }
0x1ff: {  	v3 =	vsub.f32 v3, v2;
	_ =	sdelay $0x1  }
0x200: {  	v3 =	vmul.f32 $1.442695020e+00, v3;
	_ =	sdelay $0x1  }
0x201: {  	(erf) = vpow2.f32 v3;
	_ =	sdelay $0x3  }
0x202: {  	s3 =	sadd.s32 $0x10, s3  }
0x203: {  	p2 =	slt.u32 s3, $0x170  }
.Ltmp4:
0x204: {  	_ = 	snop;
	(pc) =	sbr.rel @p2 .LBB2_7-.Ltmp4, $3  }
0x205: {  	_ =	sdelay $0x1  }
0x206: {  	v3 =	vpop (erf)  }
0x207: {  	s31 =	sadd.s32 $0x100, s31;
	s11 =	sadd.s32 $0x100, s11;
	[tilespmem:s10+$0x70] =	vst v3;
	s10 =	sadd.s32 $0x100, s10  }
0x208: {  	s3 =	simm.s32 $0x0  }
0x209: {  	s10 =	simm.s32 $0x780;
	v3 =	vmov s3  }
0x20a: {  	[spmem:s5] =	stream.indirect.scatter.add.f32 [tilespmem:s25], [sflag:$0xD], $0x10, s10, s7, $0xb8;
	v3 =	vshll.u32 v3, $0x4;
	[tilespmem:$0x19C10] =	vst v63  }
0x20b: {  	_ =	swait.ge [sflag:s1], $0x1800;
	v3 =	vor.u32 v0, v3  }
0x20c: {  	[sflag:s1] =	ssyncset.done $0x0;
	v3 =	vor.u32 v1, v3  }
0x20d: {  	s3 =	simm.s32 @!p0 $0xA;
	[sflag:s1] =	ssyncadd.s32 $0xFFFFE800  }
0x20e: {  	s10 =	simm.s32 $0x4;
	_ =	swait.ge @!p0 [sflag:s3], $0x600  }
0x20f: {  	v4 =	vmov s10;
	[sflag:s3] =	ssyncset.done @!p0 $0x0  }
0x210: {  	v4 =	vshll.u32 v4, $0x4;
	[sflag:s3] =	ssyncadd.s32 @!p0 $0xFFFFFA00  }
0x211: {  	v4 =	vor.u32 v0, v4;
	v3 =	vld.idx.msk [tilespmem:v3+s25+$0x0], $0xffff  }
0x212: {  	v4 =	vor.u32 v1, v4;
	_ =	sdelay $0x1  }
0x213: {  	s11 =	simm.s32 $0x8  }
0x214: {  	v5 =	vmov s11;
	s3 =	simm.s32 $0xD220  }
0x215: {  	[tilespmem:s3+$0xFFFFFFE0] =	vst v3;
	v3 =	vshll.u32 v5, $0x4  }
0x216: {  	v4 =	vld.idx.msk [tilespmem:v4+s25+$0x0], $0xffff;
	v3 =	vor.u32 v0, v3  }
0x217: {  	v3 =	vor.u32 v1, v3;
	_ =	sdelay $0x1  }
0x218: {  	s31 =	simm.s32 $0xC  }
0x219: {  	v5 =	vmov s31  }
0x21a: {  	v5 =	vshll.u32 v5, $0x4;
	[tilespmem:s3+$0xFFFFFFF0] =	vst v4  }
0x21b: {  	v4 =	vor.u32 v0, v5;
	v3 =	vld.idx.msk [tilespmem:v3+s25+$0x0], $0xffff  }
0x21c: {  	v4 =	vor.u32 v1, v4;
	_ =	sdelay $0x2  }
0x21d: {  	s11 =	simm.s32 $0x10;
	s10 =	simm.s32 $0x0  }
.LBB2_9:
0x21e: {  	v5 =	vmov s11;
	s10 =	sadd.s32 $0x4, s10;
	[tilespmem:s3+$0x0] =	vst v3  }
0x21f: {  	v3 =	vshll.u32 v5, $0x4;
	p2 =	slt.u32 s10, $0x5C;
	v4 =	vld.idx.msk [tilespmem:v4+s25+$0x0], $0xffff  }
0x220: {  	v3 =	vor.u32 v0, v3  }
0x221: {  	v3 =	vor.u32 v1, v3;
	_ =	sdelay $0x2  }
0x222: {  	s31 =	sadd.s32 $0x4, s11  }
0x223: {  	v5 =	vmov s31;
	[tilespmem:s3+$0x10] =	vst v4  }
0x224: {  	v4 =	vshll.u32 v5, $0x4;
	v3 =	vld.idx.msk [tilespmem:v3+s25+$0x0], $0xffff  }
0x225: {  	v4 =	vor.u32 v0, v4  }
0x226: {  	v4 =	vor.u32 v1, v4;
	_ =	sdelay $0x2  }
0x227: {  	s31 =	sadd.s32 $0x8, s11;
	s3 =	sadd.s32 $0x40, s3  }
0x228: {  	[tilespmem:s3+$0xFFFFFFE0] =	vst v3;
	v3 =	vmov s31  }
0x229: {  	v4 =	vld.idx.msk [tilespmem:v4+s25+$0x0], $0xffff;
	v3 =	vshll.u32 v3, $0x4  }
0x22a: {  	v3 =	vor.u32 v0, v3  }
0x22b: {  	v3 =	vor.u32 v1, v3;
	_ =	sdelay $0x2  }
0x22c: {  	s31 =	sadd.s32 $0xC, s11  }
0x22d: {  	[tilespmem:s3+$0xFFFFFFF0] =	vst v4;
	v4 =	vmov s31  }
0x22e: {  	v3 =	vld.idx.msk [tilespmem:v3+s25+$0x0], $0xffff;
	v4 =	vshll.u32 v4, $0x4  }
.Ltmp5:
0x22f: {  	v4 =	vor.u32 v0, v4;
	(pc) =	sbr.rel @p2 .LBB2_9-.Ltmp5, $2  }
0x230: {  	v4 =	vor.u32 v1, v4;
	_ =	sdelay $0x2  }
0x231: {  	s11 =	sadd.s32 $0x10, s11  }
0x232: {  	_ =	sdelay $0x2  }
0x233: {  	[tilespmem:s3+$0x0] =	vst v3  }
0x234: {  	v3 =	vld.idx.msk [tilespmem:v4+s25+$0x0], $0xffff;
	_ =	sdelay $0x2  }
0x235: {  	s10 =	sadd.s32 s12, s28  }
0x236: {  	s10 =	sshrl.u32 s10, $0x1  }
0x237: {  	s11 =	simm.s32 $0xD200;
	s10 =	sadd.s32 s4, s10;
	[tilespmem:s3+$0x10] =	vst v3;
	s3 =	sadd.s32 @!p1 s12, s29  }
0x238: {  	[hbm4b:s10+s6] =	stream.linear.scatter [tilespmem:s11], [sflag:$0xA], $0x600, $0x38;
	[tilespmem:$0x19C10] =	vst v63  }
0x239: {  	s3 =	sshrl.u32 @!p1 s3, $0x3  }
0x23a: {  	s31 =	simm.s32 @!p1 $0x180;
	s11 =	simm.s32 @!p1 $0x0;
	s10 =	sadd.s32 @!p1 s0, s3  }
0x23b: {  	[tilespmem:s31], [sflag:$0x2] =	stream.linear.gather @!p1 [hbm4b:s10+s11], $0x180, $0x38;
	[tilespmem:$0x19C10] =	vst v63  }
0x23c: {  	s3 =	sadd.s32 @!p1 s2, s3;
	s10 =	simm.s32 @!p1 $0x780  }
0x23d: {  	[tilespmem:s10], [sflag:$0x2] =	stream.linear.gather @!p1 [hbm4b:s3+s11], $0x180, $0x38;
	[tilespmem:$0x19C10] =	vst v63  }
0x23e: {  	s3 =	simm.s32 @!p1 $0x1  }
0x23f: {  	_ =	swait.ge @!p1 [sflag:s3], $0x180  }
0x240: {  	[sflag:s3] =	ssyncset.done @!p1 $0x0  }
0x241: {  	[sflag:s3] =	ssyncadd.s32 @!p1 $0xFFFFFE80  }
0x242: {  	_ =	swait.ge @!p1 [sflag:s3], $0x180  }
0x243: {  	[sflag:s3] =	ssyncset.done @!p1 $0x0  }
0x244: {  	[sflag:s3] =	ssyncadd.s32 @!p1 $0xFFFFFE80;
	s3 =	simm.s32 @!p1 $0xC00  }
0x245: {  	[tilespmem:s3], [sflag:$0x5] =	stream.indirect.gather @!p1 [hbm4b:s8+s31], $0x10, s11, s31, $0xb8;
	[tilespmem:$0x19C10] =	vst v63  }
0x246: {  	s10 =	simm.s32 @!p1 $0x6C00;
	s3 =	simm.s32 @!p1 $0x600  }
0x247: {  	[tilespmem:s10], [sflag:$0x5] =	stream.indirect.gather @!p1 [hbm4b:s9+s31], $0x10, s3, s31, $0xb8;
	[tilespmem:$0x19C10] =	vst v63  }
0x248: {  	_ =	swait.ge [sflag:s20], $0x1800  }
0x249: {  	[sflag:s20] =	ssyncset.done $0x0  }
0x24a: {  	[sflag:s20] =	ssyncadd.s32 $0xFFFFE800  }
0x24b: {  	_ =	swait.ge [sflag:s20], $0x1800  }
0x24c: {  	s11 =	simm.s32 $0x3C80;
	s3 =	simm.s32 $0xFFFFFFF0;
	[sflag:s20] =	ssyncset.done $0x0  }
0x24d: {  	s10 =	simm.s32 $0xE480;
	s31 =	simm.s32 $0x9C80;
	[sflag:s20] =	ssyncadd.s32 $0xFFFFE800  }
.LBB2_11:
0x24e: {  	v3 =	vld [tilespmem:s11+$0xFFFFFF80]  }
0x24f: {  	v4 =	vld [tilespmem:s31+$0xFFFFFF80];
	_ =	sdelay $0x4  }
0x250: {  	v3 =	vadd.f32 v4, v3;
	_ =	sdelay $0x1  }
0x251: {  	v4 =	vmul.f32 $2.000000030e-01, v3;
	_ =	sdelay $0x1  }
0x252: {  	v3 =	vmax.f32 v3, v4  }
0x253: {  	v3 =	vsub.f32 v3, v2;
	_ =	sdelay $0x1  }
0x254: {  	v3 =	vmul.f32 $1.442695020e+00, v3;
	_ =	sdelay $0x1  }
0x255: {  	(erf) = vpow2.f32 v3;
	_ =	sdelay $0x8  }
0x256: {  	v3 =	vpop (erf)  }
0x257: {  	[tilespmem:s10+$0xFFFFFF80] =	vst v3  }
0x258: {  	v3 =	vld [tilespmem:s11+$0xFFFFFF90]  }
0x259: {  	v49 =	vld [tilespmem:s31+$0xFFFFFF90];
	_ =	sdelay $0x4  }
0x25a: {  	v3 =	vadd.f32 v49, v3;
	_ =	sdelay $0x1  }
0x25b: {  	v4 =	vmul.f32 $2.000000030e-01, v3;
	_ =	sdelay $0x1  }
0x25c: {  	v3 =	vmax.f32 v3, v4  }
0x25d: {  	v3 =	vsub.f32 v3, v2;
	_ =	sdelay $0x1  }
0x25e: {  	v3 =	vmul.f32 $1.442695020e+00, v3;
	_ =	sdelay $0x1  }
0x25f: {  	(erf) = vpow2.f32 v3;
	_ =	sdelay $0x8  }
0x260: {  	v3 =	vpop (erf)  }
0x261: {  	[tilespmem:s10+$0xFFFFFF90] =	vst v3  }
0x262: {  	v3 =	vld [tilespmem:s11+$0xFFFFFFA0]  }
0x263: {  	v50 =	vld [tilespmem:s31+$0xFFFFFFA0];
	_ =	sdelay $0x4  }
0x264: {  	v3 =	vadd.f32 v50, v3;
	_ =	sdelay $0x1  }
0x265: {  	v4 =	vmul.f32 $2.000000030e-01, v3;
	_ =	sdelay $0x1  }
0x266: {  	v3 =	vmax.f32 v3, v4  }
0x267: {  	v3 =	vsub.f32 v3, v2;
	_ =	sdelay $0x1  }
0x268: {  	v3 =	vmul.f32 $1.442695020e+00, v3;
	_ =	sdelay $0x1  }
0x269: {  	(erf) = vpow2.f32 v3;
	_ =	sdelay $0x8  }
0x26a: {  	v3 =	vpop (erf)  }
0x26b: {  	[tilespmem:s10+$0xFFFFFFA0] =	vst v3  }
0x26c: {  	v3 =	vld [tilespmem:s11+$0xFFFFFFB0]  }
0x26d: {  	v51 =	vld [tilespmem:s31+$0xFFFFFFB0];
	_ =	sdelay $0x4  }
0x26e: {  	v3 =	vadd.f32 v51, v3;
	_ =	sdelay $0x1  }
0x26f: {  	v4 =	vmul.f32 $2.000000030e-01, v3;
	_ =	sdelay $0x1  }
0x270: {  	v3 =	vmax.f32 v3, v4  }
0x271: {  	v3 =	vsub.f32 v3, v2;
	_ =	sdelay $0x1  }
0x272: {  	v3 =	vmul.f32 $1.442695020e+00, v3;
	_ =	sdelay $0x1  }
0x273: {  	(erf) = vpow2.f32 v3;
	_ =	sdelay $0x8  }
0x274: {  	v3 =	vpop (erf)  }
0x275: {  	[tilespmem:s10+$0xFFFFFFB0] =	vst v3  }
0x276: {  	v3 =	vld [tilespmem:s11+$0xFFFFFFC0]  }
0x277: {  	v52 =	vld [tilespmem:s31+$0xFFFFFFC0];
	_ =	sdelay $0x4  }
0x278: {  	v3 =	vadd.f32 v52, v3;
	_ =	sdelay $0x1  }
0x279: {  	v4 =	vmul.f32 $2.000000030e-01, v3;
	_ =	sdelay $0x1  }
0x27a: {  	v3 =	vmax.f32 v3, v4  }
0x27b: {  	v3 =	vsub.f32 v3, v2;
	_ =	sdelay $0x1  }
0x27c: {  	v3 =	vmul.f32 $1.442695020e+00, v3;
	_ =	sdelay $0x1  }
0x27d: {  	(erf) = vpow2.f32 v3;
	_ =	sdelay $0x8  }
0x27e: {  	v3 =	vpop (erf)  }
0x27f: {  	[tilespmem:s10+$0xFFFFFFC0] =	vst v3  }
0x280: {  	v3 =	vld [tilespmem:s11+$0xFFFFFFD0]  }
0x281: {  	v53 =	vld [tilespmem:s31+$0xFFFFFFD0];
	_ =	sdelay $0x4  }
0x282: {  	v3 =	vadd.f32 v53, v3;
	_ =	sdelay $0x1  }
0x283: {  	v4 =	vmul.f32 $2.000000030e-01, v3;
	_ =	sdelay $0x1  }
0x284: {  	v3 =	vmax.f32 v3, v4  }
0x285: {  	v3 =	vsub.f32 v3, v2;
	_ =	sdelay $0x1  }
0x286: {  	v3 =	vmul.f32 $1.442695020e+00, v3;
	_ =	sdelay $0x1  }
0x287: {  	(erf) = vpow2.f32 v3;
	_ =	sdelay $0x8  }
0x288: {  	v3 =	vpop (erf)  }
0x289: {  	[tilespmem:s10+$0xFFFFFFD0] =	vst v3  }
0x28a: {  	v3 =	vld [tilespmem:s11+$0xFFFFFFE0]  }
0x28b: {  	v54 =	vld [tilespmem:s31+$0xFFFFFFE0];
	_ =	sdelay $0x4  }
0x28c: {  	v3 =	vadd.f32 v54, v3;
	_ =	sdelay $0x1  }
0x28d: {  	v4 =	vmul.f32 $2.000000030e-01, v3;
	_ =	sdelay $0x1  }
0x28e: {  	v3 =	vmax.f32 v3, v4  }
0x28f: {  	v3 =	vsub.f32 v3, v2;
	_ =	sdelay $0x1  }
0x290: {  	v3 =	vmul.f32 $1.442695020e+00, v3;
	_ =	sdelay $0x1  }
0x291: {  	(erf) = vpow2.f32 v3;
	_ =	sdelay $0x8  }
0x292: {  	v3 =	vpop (erf)  }
0x293: {  	[tilespmem:s10+$0xFFFFFFE0] =	vst v3  }
0x294: {  	v3 =	vld [tilespmem:s11+$0xFFFFFFF0]  }
0x295: {  	v55 =	vld [tilespmem:s31+$0xFFFFFFF0];
	_ =	sdelay $0x4  }
0x296: {  	v3 =	vadd.f32 v55, v3;
	_ =	sdelay $0x1  }
0x297: {  	v4 =	vmul.f32 $2.000000030e-01, v3;
	_ =	sdelay $0x1  }
0x298: {  	v3 =	vmax.f32 v3, v4  }
0x299: {  	v3 =	vsub.f32 v3, v2;
	_ =	sdelay $0x1  }
0x29a: {  	v3 =	vmul.f32 $1.442695020e+00, v3;
	_ =	sdelay $0x1  }
0x29b: {  	(erf) = vpow2.f32 v3;
	_ =	sdelay $0x8  }
0x29c: {  	v3 =	vpop (erf)  }
0x29d: {  	[tilespmem:s10+$0xFFFFFFF0] =	vst v3  }
0x29e: {  	v3 =	vld [tilespmem:s11+$0x0]  }
0x29f: {  	v56 =	vld [tilespmem:s31+$0x0];
	_ =	sdelay $0x4  }
0x2a0: {  	v3 =	vadd.f32 v56, v3;
	_ =	sdelay $0x1  }
0x2a1: {  	v4 =	vmul.f32 $2.000000030e-01, v3;
	_ =	sdelay $0x1  }
0x2a2: {  	v3 =	vmax.f32 v3, v4  }
0x2a3: {  	v3 =	vsub.f32 v3, v2;
	_ =	sdelay $0x1  }
0x2a4: {  	v3 =	vmul.f32 $1.442695020e+00, v3;
	_ =	sdelay $0x1  }
0x2a5: {  	(erf) = vpow2.f32 v3;
	_ =	sdelay $0x8  }
0x2a6: {  	v3 =	vpop (erf)  }
0x2a7: {  	[tilespmem:s10+$0x0] =	vst v3  }
0x2a8: {  	v3 =	vld [tilespmem:s11+$0x10]  }
0x2a9: {  	v57 =	vld [tilespmem:s31+$0x10];
	_ =	sdelay $0x4  }
0x2aa: {  	v3 =	vadd.f32 v57, v3;
	_ =	sdelay $0x1  }
0x2ab: {  	v4 =	vmul.f32 $2.000000030e-01, v3;
	_ =	sdelay $0x1  }
0x2ac: {  	v3 =	vmax.f32 v3, v4  }
0x2ad: {  	v3 =	vsub.f32 v3, v2;
	_ =	sdelay $0x1  }
0x2ae: {  	v3 =	vmul.f32 $1.442695020e+00, v3;
	_ =	sdelay $0x1  }
0x2af: {  	(erf) = vpow2.f32 v3;
	_ =	sdelay $0x8  }
0x2b0: {  	v3 =	vpop (erf)  }
0x2b1: {  	[tilespmem:s10+$0x10] =	vst v3  }
0x2b2: {  	v3 =	vld [tilespmem:s11+$0x20]  }
0x2b3: {  	v58 =	vld [tilespmem:s31+$0x20];
	_ =	sdelay $0x4  }
0x2b4: {  	v3 =	vadd.f32 v58, v3;
	_ =	sdelay $0x1  }
0x2b5: {  	v4 =	vmul.f32 $2.000000030e-01, v3;
	_ =	sdelay $0x1  }
0x2b6: {  	v3 =	vmax.f32 v3, v4  }
0x2b7: {  	v3 =	vsub.f32 v3, v2;
	_ =	sdelay $0x1  }
0x2b8: {  	v3 =	vmul.f32 $1.442695020e+00, v3;
	_ =	sdelay $0x1  }
0x2b9: {  	(erf) = vpow2.f32 v3;
	_ =	sdelay $0x8  }
0x2ba: {  	v3 =	vpop (erf)  }
0x2bb: {  	[tilespmem:s10+$0x20] =	vst v3  }
0x2bc: {  	v3 =	vld [tilespmem:s11+$0x30]  }
0x2bd: {  	v59 =	vld [tilespmem:s31+$0x30];
	_ =	sdelay $0x4  }
0x2be: {  	v3 =	vadd.f32 v59, v3;
	_ =	sdelay $0x1  }
0x2bf: {  	v4 =	vmul.f32 $2.000000030e-01, v3;
	_ =	sdelay $0x1  }
0x2c0: {  	v3 =	vmax.f32 v3, v4  }
0x2c1: {  	v3 =	vsub.f32 v3, v2;
	_ =	sdelay $0x1  }
0x2c2: {  	v3 =	vmul.f32 $1.442695020e+00, v3;
	_ =	sdelay $0x1  }
0x2c3: {  	(erf) = vpow2.f32 v3;
	_ =	sdelay $0x8  }
0x2c4: {  	v3 =	vpop (erf)  }
0x2c5: {  	[tilespmem:s10+$0x30] =	vst v3  }
0x2c6: {  	v3 =	vld [tilespmem:s11+$0x40]  }
0x2c7: {  	v60 =	vld [tilespmem:s31+$0x40];
	_ =	sdelay $0x4  }
0x2c8: {  	v3 =	vadd.f32 v60, v3;
	_ =	sdelay $0x1  }
0x2c9: {  	v4 =	vmul.f32 $2.000000030e-01, v3;
	_ =	sdelay $0x1  }
0x2ca: {  	v3 =	vmax.f32 v3, v4  }
0x2cb: {  	v3 =	vsub.f32 v3, v2;
	_ =	sdelay $0x1  }
0x2cc: {  	v3 =	vmul.f32 $1.442695020e+00, v3;
	_ =	sdelay $0x1  }
0x2cd: {  	(erf) = vpow2.f32 v3;
	_ =	sdelay $0x8  }
0x2ce: {  	v3 =	vpop (erf)  }
0x2cf: {  	[tilespmem:s10+$0x40] =	vst v3  }
0x2d0: {  	v3 =	vld [tilespmem:s11+$0x50]  }
0x2d1: {  	v61 =	vld [tilespmem:s31+$0x50];
	_ =	sdelay $0x4  }
0x2d2: {  	v3 =	vadd.f32 v61, v3;
	_ =	sdelay $0x1  }
0x2d3: {  	v4 =	vmul.f32 $2.000000030e-01, v3;
	_ =	sdelay $0x1  }
0x2d4: {  	v3 =	vmax.f32 v3, v4  }
0x2d5: {  	v3 =	vsub.f32 v3, v2;
	_ =	sdelay $0x1  }
0x2d6: {  	v3 =	vmul.f32 $1.442695020e+00, v3;
	_ =	sdelay $0x1  }
0x2d7: {  	(erf) = vpow2.f32 v3;
	_ =	sdelay $0x8  }
0x2d8: {  	v3 =	vpop (erf)  }
0x2d9: {  	[tilespmem:s10+$0x50] =	vst v3  }
0x2da: {  	v3 =	vld [tilespmem:s11+$0x60]  }
0x2db: {  	v62 =	vld [tilespmem:s31+$0x60];
	_ =	sdelay $0x4  }
0x2dc: {  	v3 =	vadd.f32 v62, v3;
	_ =	sdelay $0x1  }
0x2dd: {  	v4 =	vmul.f32 $2.000000030e-01, v3;
	_ =	sdelay $0x1  }
0x2de: {  	v3 =	vmax.f32 v3, v4  }
0x2df: {  	v3 =	vsub.f32 v3, v2;
	_ =	sdelay $0x1  }
0x2e0: {  	v3 =	vmul.f32 $1.442695020e+00, v3;
	_ =	sdelay $0x1  }
0x2e1: {  	(erf) = vpow2.f32 v3;
	_ =	sdelay $0x8  }
0x2e2: {  	v3 =	vpop (erf)  }
0x2e3: {  	[tilespmem:s10+$0x60] =	vst v3  }
0x2e4: {  	v3 =	vld [tilespmem:s11+$0x70]  }
0x2e5: {  	v63 =	vld [tilespmem:s31+$0x70];
	_ =	sdelay $0x4  }
0x2e6: {  	v3 =	vadd.f32 v63, v3;
	_ =	sdelay $0x1  }
0x2e7: {  	v4 =	vmul.f32 $2.000000030e-01, v3;
	_ =	sdelay $0x1  }
0x2e8: {  	v3 =	vmax.f32 v3, v4  }
0x2e9: {  	v3 =	vsub.f32 v3, v2;
	_ =	sdelay $0x1  }
0x2ea: {  	v3 =	vmul.f32 $1.442695020e+00, v3;
	_ =	sdelay $0x1  }
0x2eb: {  	(erf) = vpow2.f32 v3;
	_ =	sdelay $0x3  }
0x2ec: {  	s3 =	sadd.s32 $0x10, s3  }
0x2ed: {  	p2 =	slt.u32 s3, $0x170  }
.Ltmp6:
0x2ee: {  	_ = 	snop;
	(pc) =	sbr.rel @p2 .LBB2_11-.Ltmp6, $3  }
0x2ef: {  	_ =	sdelay $0x1  }
0x2f0: {  	v3 =	vpop (erf)  }
0x2f1: {  	s31 =	sadd.s32 $0x100, s31;
	s11 =	sadd.s32 $0x100, s11;
	[tilespmem:s10+$0x70] =	vst v3;
	s10 =	sadd.s32 $0x100, s10  }
0x2f2: {  	s3 =	simm.s32 $0x0  }
0x2f3: {  	v3 =	vmov s3  }
0x2f4: {  	[spmem:s5] =	stream.indirect.scatter.add.f32 [tilespmem:s25], [sflag:$0xD], $0x10, s14, s7, $0xb8;
	v3 =	vshll.u32 v3, $0x4;
	[tilespmem:$0x19C10] =	vst v63  }
0x2f5: {  	_ =	swait.ge [sflag:s1], $0x1800;
	v3 =	vor.u32 v0, v3  }
0x2f6: {  	[sflag:s1] =	ssyncset.done $0x0;
	v3 =	vor.u32 v1, v3  }
0x2f7: {  	s3 =	simm.s32 @!p0 $0xB;
	[sflag:s1] =	ssyncadd.s32 $0xFFFFE800  }
0x2f8: {  	s10 =	simm.s32 $0x4;
	_ =	swait.ge @!p0 [sflag:s3], $0x600  }
0x2f9: {  	v4 =	vmov s10;
	[sflag:s3] =	ssyncset.done @!p0 $0x0  }
0x2fa: {  	v4 =	vshll.u32 v4, $0x4;
	[sflag:s3] =	ssyncadd.s32 @!p0 $0xFFFFFA00  }
0x2fb: {  	v4 =	vor.u32 v0, v4;
	v3 =	vld.idx.msk [tilespmem:v3+s25+$0x0], $0xffff  }
0x2fc: {  	v4 =	vor.u32 v1, v4;
	_ =	sdelay $0x1  }
0x2fd: {  	s11 =	simm.s32 $0x8  }
0x2fe: {  	v5 =	vmov s11;
	s3 =	simm.s32 $0xD820  }
0x2ff: {  	[tilespmem:s3+$0xFFFFFFE0] =	vst v3;
	v3 =	vshll.u32 v5, $0x4  }
0x300: {  	v4 =	vld.idx.msk [tilespmem:v4+s25+$0x0], $0xffff;
	v3 =	vor.u32 v0, v3  }
0x301: {  	v3 =	vor.u32 v1, v3;
	_ =	sdelay $0x1  }
0x302: {  	s31 =	simm.s32 $0xC  }
0x303: {  	v5 =	vmov s31  }
0x304: {  	v5 =	vshll.u32 v5, $0x4;
	[tilespmem:s3+$0xFFFFFFF0] =	vst v4  }
0x305: {  	v4 =	vor.u32 v0, v5;
	v3 =	vld.idx.msk [tilespmem:v3+s25+$0x0], $0xffff  }
0x306: {  	v4 =	vor.u32 v1, v4;
	_ =	sdelay $0x2  }
0x307: {  	s10 =	simm.s32 $0x0;
	s11 =	simm.s32 $0x10  }
.LBB2_13:
0x308: {  	v5 =	vmov s11;
	s10 =	sadd.s32 $0x4, s10;
	[tilespmem:s3+$0x0] =	vst v3  }
0x309: {  	v3 =	vshll.u32 v5, $0x4;
	p2 =	slt.u32 s10, $0x5C;
	v4 =	vld.idx.msk [tilespmem:v4+s25+$0x0], $0xffff  }
0x30a: {  	v3 =	vor.u32 v0, v3  }
0x30b: {  	v3 =	vor.u32 v1, v3;
	_ =	sdelay $0x2  }
0x30c: {  	s31 =	sadd.s32 $0x4, s11  }
0x30d: {  	v5 =	vmov s31;
	[tilespmem:s3+$0x10] =	vst v4  }
0x30e: {  	v4 =	vshll.u32 v5, $0x4;
	v3 =	vld.idx.msk [tilespmem:v3+s25+$0x0], $0xffff  }
0x30f: {  	v4 =	vor.u32 v0, v4  }
0x310: {  	v4 =	vor.u32 v1, v4;
	_ =	sdelay $0x2  }
0x311: {  	s31 =	sadd.s32 $0x8, s11;
	s3 =	sadd.s32 $0x40, s3  }
0x312: {  	[tilespmem:s3+$0xFFFFFFE0] =	vst v3;
	v3 =	vmov s31  }
0x313: {  	v4 =	vld.idx.msk [tilespmem:v4+s25+$0x0], $0xffff;
	v3 =	vshll.u32 v3, $0x4  }
0x314: {  	v3 =	vor.u32 v0, v3  }
0x315: {  	v3 =	vor.u32 v1, v3;
	_ =	sdelay $0x2  }
0x316: {  	s31 =	sadd.s32 $0xC, s11  }
0x317: {  	[tilespmem:s3+$0xFFFFFFF0] =	vst v4;
	v4 =	vmov s31  }
0x318: {  	v3 =	vld.idx.msk [tilespmem:v3+s25+$0x0], $0xffff;
	v4 =	vshll.u32 v4, $0x4  }
.Ltmp7:
0x319: {  	v4 =	vor.u32 v0, v4;
	(pc) =	sbr.rel @p2 .LBB2_13-.Ltmp7, $2  }
0x31a: {  	v4 =	vor.u32 v1, v4;
	_ =	sdelay $0x2  }
0x31b: {  	s11 =	sadd.s32 $0x10, s11  }
0x31c: {  	_ =	sdelay $0x2  }
0x31d: {  	[tilespmem:s3+$0x0] =	vst v3  }
0x31e: {  	v3 =	vld.idx.msk [tilespmem:v4+s25+$0x0], $0xffff;
	_ =	sdelay $0x2  }
0x31f: {  	s10 =	sadd.s32 s12, s19  }
0x320: {  	s10 =	sshrl.u32 s10, $0x1  }
0x321: {  	s11 =	simm.s32 $0xD800;
	s10 =	sadd.s32 s4, s10;
	[tilespmem:s3+$0x10] =	vst v3;
	s3 =	sadd.s32 @!p1 s12, s30  }
0x322: {  	[hbm4b:s10+s6] =	stream.linear.scatter [tilespmem:s11], [sflag:$0xB], $0x600, $0x38;
	[tilespmem:$0x19C10] =	vst v63  }
0x323: {  	s3 =	sshrl.u32 @!p1 s3, $0x3  }
0x324: {  	s31 =	simm.s32 @!p1 $0x300;
	s11 =	simm.s32 @!p1 $0x0;
	s10 =	sadd.s32 @!p1 s0, s3  }
0x325: {  	[tilespmem:s31], [sflag:$0x3] =	stream.linear.gather @!p1 [hbm4b:s10+s11], $0x180, $0x38;
	[tilespmem:$0x19C10] =	vst v63  }
0x326: {  	s3 =	sadd.s32 @!p1 s2, s3;
	s10 =	simm.s32 @!p1 $0x900  }
0x327: {  	[tilespmem:s10], [sflag:$0x3] =	stream.linear.gather @!p1 [hbm4b:s3+s11], $0x180, $0x38;
	[tilespmem:$0x19C10] =	vst v63  }
0x328: {  	s3 =	simm.s32 @!p1 $0x2  }
0x329: {  	_ =	swait.ge @!p1 [sflag:s3], $0x180  }
0x32a: {  	[sflag:s3] =	ssyncset.done @!p1 $0x0  }
0x32b: {  	[sflag:s3] =	ssyncadd.s32 @!p1 $0xFFFFFE80  }
0x32c: {  	_ =	swait.ge @!p1 [sflag:s3], $0x180  }
0x32d: {  	[sflag:s3] =	ssyncset.done @!p1 $0x0  }
0x32e: {  	s10 =	simm.s32 @!p1 $0x2400;
	[sflag:s3] =	ssyncadd.s32 @!p1 $0xFFFFFE80;
	s3 =	simm.s32 @!p1 $0x180  }
0x32f: {  	[tilespmem:s10], [sflag:$0x6] =	stream.indirect.gather @!p1 [hbm4b:s8+s3], $0x10, s3, s3, $0xb8;
	[tilespmem:$0x19C10] =	vst v63  }
0x330: {  	s11 =	simm.s32 @!p1 $0x8400;
	s10 =	simm.s32 @!p1 $0x780  }
0x331: {  	[tilespmem:s11], [sflag:$0x6] =	stream.indirect.gather @!p1 [hbm4b:s9+s3], $0x10, s10, s3, $0xb8;
	[tilespmem:$0x19C10] =	vst v63  }
0x332: {  	_ =	swait.ge [sflag:s13], $0x1800  }
0x333: {  	[sflag:s13] =	ssyncset.done $0x0  }
0x334: {  	[sflag:s13] =	ssyncadd.s32 $0xFFFFE800  }
0x335: {  	_ =	swait.ge [sflag:s13], $0x1800  }
0x336: {  	s31 =	simm.s32 $0xB480;
	s3 =	simm.s32 $0xFFFFFFF0;
	[sflag:s13] =	ssyncset.done $0x0  }
0x337: {  	s10 =	simm.s32 $0xE480;
	s11 =	simm.s32 $0x5480;
	[sflag:s13] =	ssyncadd.s32 $0xFFFFE800  }
.LBB2_15:
0x338: {  	v3 =	vld [tilespmem:s11+$0xFFFFFF80]  }
0x339: {  	v4 =	vld [tilespmem:s31+$0xFFFFFF80];
	_ =	sdelay $0x4  }
0x33a: {  	v3 =	vadd.f32 v4, v3;
	_ =	sdelay $0x1  }
0x33b: {  	v4 =	vmul.f32 $2.000000030e-01, v3;
	_ =	sdelay $0x1  }
0x33c: {  	v3 =	vmax.f32 v3, v4  }
0x33d: {  	v3 =	vsub.f32 v3, v2;
	_ =	sdelay $0x1  }
0x33e: {  	v3 =	vmul.f32 $1.442695020e+00, v3;
	_ =	sdelay $0x1  }
0x33f: {  	(erf) = vpow2.f32 v3;
	_ =	sdelay $0x8  }
0x340: {  	v3 =	vpop (erf)  }
0x341: {  	[tilespmem:s10+$0xFFFFFF80] =	vst v3  }
0x342: {  	v3 =	vld [tilespmem:s11+$0xFFFFFF90]  }
0x343: {  	v49 =	vld [tilespmem:s31+$0xFFFFFF90];
	_ =	sdelay $0x4  }
0x344: {  	v3 =	vadd.f32 v49, v3;
	_ =	sdelay $0x1  }
0x345: {  	v4 =	vmul.f32 $2.000000030e-01, v3;
	_ =	sdelay $0x1  }
0x346: {  	v3 =	vmax.f32 v3, v4  }
0x347: {  	v3 =	vsub.f32 v3, v2;
	_ =	sdelay $0x1  }
0x348: {  	v3 =	vmul.f32 $1.442695020e+00, v3;
	_ =	sdelay $0x1  }
0x349: {  	(erf) = vpow2.f32 v3;
	_ =	sdelay $0x8  }
0x34a: {  	v3 =	vpop (erf)  }
0x34b: {  	[tilespmem:s10+$0xFFFFFF90] =	vst v3  }
0x34c: {  	v3 =	vld [tilespmem:s11+$0xFFFFFFA0]  }
0x34d: {  	v50 =	vld [tilespmem:s31+$0xFFFFFFA0];
	_ =	sdelay $0x4  }
0x34e: {  	v3 =	vadd.f32 v50, v3;
	_ =	sdelay $0x1  }
0x34f: {  	v4 =	vmul.f32 $2.000000030e-01, v3;
	_ =	sdelay $0x1  }
0x350: {  	v3 =	vmax.f32 v3, v4  }
0x351: {  	v3 =	vsub.f32 v3, v2;
	_ =	sdelay $0x1  }
0x352: {  	v3 =	vmul.f32 $1.442695020e+00, v3;
	_ =	sdelay $0x1  }
0x353: {  	(erf) = vpow2.f32 v3;
	_ =	sdelay $0x8  }
0x354: {  	v3 =	vpop (erf)  }
0x355: {  	[tilespmem:s10+$0xFFFFFFA0] =	vst v3  }
0x356: {  	v3 =	vld [tilespmem:s11+$0xFFFFFFB0]  }
0x357: {  	v51 =	vld [tilespmem:s31+$0xFFFFFFB0];
	_ =	sdelay $0x4  }
0x358: {  	v3 =	vadd.f32 v51, v3;
	_ =	sdelay $0x1  }
0x359: {  	v4 =	vmul.f32 $2.000000030e-01, v3;
	_ =	sdelay $0x1  }
0x35a: {  	v3 =	vmax.f32 v3, v4  }
0x35b: {  	v3 =	vsub.f32 v3, v2;
	_ =	sdelay $0x1  }
0x35c: {  	v3 =	vmul.f32 $1.442695020e+00, v3;
	_ =	sdelay $0x1  }
0x35d: {  	(erf) = vpow2.f32 v3;
	_ =	sdelay $0x8  }
0x35e: {  	v3 =	vpop (erf)  }
0x35f: {  	[tilespmem:s10+$0xFFFFFFB0] =	vst v3  }
0x360: {  	v3 =	vld [tilespmem:s11+$0xFFFFFFC0]  }
0x361: {  	v52 =	vld [tilespmem:s31+$0xFFFFFFC0];
	_ =	sdelay $0x4  }
0x362: {  	v3 =	vadd.f32 v52, v3;
	_ =	sdelay $0x1  }
0x363: {  	v4 =	vmul.f32 $2.000000030e-01, v3;
	_ =	sdelay $0x1  }
0x364: {  	v3 =	vmax.f32 v3, v4  }
0x365: {  	v3 =	vsub.f32 v3, v2;
	_ =	sdelay $0x1  }
0x366: {  	v3 =	vmul.f32 $1.442695020e+00, v3;
	_ =	sdelay $0x1  }
0x367: {  	(erf) = vpow2.f32 v3;
	_ =	sdelay $0x8  }
0x368: {  	v3 =	vpop (erf)  }
0x369: {  	[tilespmem:s10+$0xFFFFFFC0] =	vst v3  }
0x36a: {  	v3 =	vld [tilespmem:s11+$0xFFFFFFD0]  }
0x36b: {  	v53 =	vld [tilespmem:s31+$0xFFFFFFD0];
	_ =	sdelay $0x4  }
0x36c: {  	v3 =	vadd.f32 v53, v3;
	_ =	sdelay $0x1  }
0x36d: {  	v4 =	vmul.f32 $2.000000030e-01, v3;
	_ =	sdelay $0x1  }
0x36e: {  	v3 =	vmax.f32 v3, v4  }
0x36f: {  	v3 =	vsub.f32 v3, v2;
	_ =	sdelay $0x1  }
0x370: {  	v3 =	vmul.f32 $1.442695020e+00, v3;
	_ =	sdelay $0x1  }
0x371: {  	(erf) = vpow2.f32 v3;
	_ =	sdelay $0x8  }
0x372: {  	v3 =	vpop (erf)  }
0x373: {  	[tilespmem:s10+$0xFFFFFFD0] =	vst v3  }
0x374: {  	v3 =	vld [tilespmem:s11+$0xFFFFFFE0]  }
0x375: {  	v54 =	vld [tilespmem:s31+$0xFFFFFFE0];
	_ =	sdelay $0x4  }
0x376: {  	v3 =	vadd.f32 v54, v3;
	_ =	sdelay $0x1  }
0x377: {  	v4 =	vmul.f32 $2.000000030e-01, v3;
	_ =	sdelay $0x1  }
0x378: {  	v3 =	vmax.f32 v3, v4  }
0x379: {  	v3 =	vsub.f32 v3, v2;
	_ =	sdelay $0x1  }
0x37a: {  	v3 =	vmul.f32 $1.442695020e+00, v3;
	_ =	sdelay $0x1  }
0x37b: {  	(erf) = vpow2.f32 v3;
	_ =	sdelay $0x8  }
0x37c: {  	v3 =	vpop (erf)  }
0x37d: {  	[tilespmem:s10+$0xFFFFFFE0] =	vst v3  }
0x37e: {  	v3 =	vld [tilespmem:s11+$0xFFFFFFF0]  }
0x37f: {  	v55 =	vld [tilespmem:s31+$0xFFFFFFF0];
	_ =	sdelay $0x4  }
0x380: {  	v3 =	vadd.f32 v55, v3;
	_ =	sdelay $0x1  }
0x381: {  	v4 =	vmul.f32 $2.000000030e-01, v3;
	_ =	sdelay $0x1  }
0x382: {  	v3 =	vmax.f32 v3, v4  }
0x383: {  	v3 =	vsub.f32 v3, v2;
	_ =	sdelay $0x1  }
0x384: {  	v3 =	vmul.f32 $1.442695020e+00, v3;
	_ =	sdelay $0x1  }
0x385: {  	(erf) = vpow2.f32 v3;
	_ =	sdelay $0x8  }
0x386: {  	v3 =	vpop (erf)  }
0x387: {  	[tilespmem:s10+$0xFFFFFFF0] =	vst v3  }
0x388: {  	v3 =	vld [tilespmem:s11+$0x0]  }
0x389: {  	v56 =	vld [tilespmem:s31+$0x0];
	_ =	sdelay $0x4  }
0x38a: {  	v3 =	vadd.f32 v56, v3;
	_ =	sdelay $0x1  }
0x38b: {  	v4 =	vmul.f32 $2.000000030e-01, v3;
	_ =	sdelay $0x1  }
0x38c: {  	v3 =	vmax.f32 v3, v4  }
0x38d: {  	v3 =	vsub.f32 v3, v2;
	_ =	sdelay $0x1  }
0x38e: {  	v3 =	vmul.f32 $1.442695020e+00, v3;
	_ =	sdelay $0x1  }
0x38f: {  	(erf) = vpow2.f32 v3;
	_ =	sdelay $0x8  }
0x390: {  	v3 =	vpop (erf)  }
0x391: {  	[tilespmem:s10+$0x0] =	vst v3  }
0x392: {  	v3 =	vld [tilespmem:s11+$0x10]  }
0x393: {  	v57 =	vld [tilespmem:s31+$0x10];
	_ =	sdelay $0x4  }
0x394: {  	v3 =	vadd.f32 v57, v3;
	_ =	sdelay $0x1  }
0x395: {  	v4 =	vmul.f32 $2.000000030e-01, v3;
	_ =	sdelay $0x1  }
0x396: {  	v3 =	vmax.f32 v3, v4  }
0x397: {  	v3 =	vsub.f32 v3, v2;
	_ =	sdelay $0x1  }
0x398: {  	v3 =	vmul.f32 $1.442695020e+00, v3;
	_ =	sdelay $0x1  }
0x399: {  	(erf) = vpow2.f32 v3;
	_ =	sdelay $0x8  }
0x39a: {  	v3 =	vpop (erf)  }
0x39b: {  	[tilespmem:s10+$0x10] =	vst v3  }
0x39c: {  	v3 =	vld [tilespmem:s11+$0x20]  }
0x39d: {  	v58 =	vld [tilespmem:s31+$0x20];
	_ =	sdelay $0x4  }
0x39e: {  	v3 =	vadd.f32 v58, v3;
	_ =	sdelay $0x1  }
0x39f: {  	v4 =	vmul.f32 $2.000000030e-01, v3;
	_ =	sdelay $0x1  }
0x3a0: {  	v3 =	vmax.f32 v3, v4  }
0x3a1: {  	v3 =	vsub.f32 v3, v2;
	_ =	sdelay $0x1  }
0x3a2: {  	v3 =	vmul.f32 $1.442695020e+00, v3;
	_ =	sdelay $0x1  }
0x3a3: {  	(erf) = vpow2.f32 v3;
	_ =	sdelay $0x8  }
0x3a4: {  	v3 =	vpop (erf)  }
0x3a5: {  	[tilespmem:s10+$0x20] =	vst v3  }
0x3a6: {  	v3 =	vld [tilespmem:s11+$0x30]  }
0x3a7: {  	v59 =	vld [tilespmem:s31+$0x30];
	_ =	sdelay $0x4  }
0x3a8: {  	v3 =	vadd.f32 v59, v3;
	_ =	sdelay $0x1  }
0x3a9: {  	v4 =	vmul.f32 $2.000000030e-01, v3;
	_ =	sdelay $0x1  }
0x3aa: {  	v3 =	vmax.f32 v3, v4  }
0x3ab: {  	v3 =	vsub.f32 v3, v2;
	_ =	sdelay $0x1  }
0x3ac: {  	v3 =	vmul.f32 $1.442695020e+00, v3;
	_ =	sdelay $0x1  }
0x3ad: {  	(erf) = vpow2.f32 v3;
	_ =	sdelay $0x8  }
0x3ae: {  	v3 =	vpop (erf)  }
0x3af: {  	[tilespmem:s10+$0x30] =	vst v3  }
0x3b0: {  	v3 =	vld [tilespmem:s11+$0x40]  }
0x3b1: {  	v60 =	vld [tilespmem:s31+$0x40];
	_ =	sdelay $0x4  }
0x3b2: {  	v3 =	vadd.f32 v60, v3;
	_ =	sdelay $0x1  }
0x3b3: {  	v4 =	vmul.f32 $2.000000030e-01, v3;
	_ =	sdelay $0x1  }
0x3b4: {  	v3 =	vmax.f32 v3, v4  }
0x3b5: {  	v3 =	vsub.f32 v3, v2;
	_ =	sdelay $0x1  }
0x3b6: {  	v3 =	vmul.f32 $1.442695020e+00, v3;
	_ =	sdelay $0x1  }
0x3b7: {  	(erf) = vpow2.f32 v3;
	_ =	sdelay $0x8  }
0x3b8: {  	v3 =	vpop (erf)  }
0x3b9: {  	[tilespmem:s10+$0x40] =	vst v3  }
0x3ba: {  	v3 =	vld [tilespmem:s11+$0x50]  }
0x3bb: {  	v61 =	vld [tilespmem:s31+$0x50];
	_ =	sdelay $0x4  }
0x3bc: {  	v3 =	vadd.f32 v61, v3;
	_ =	sdelay $0x1  }
0x3bd: {  	v4 =	vmul.f32 $2.000000030e-01, v3;
	_ =	sdelay $0x1  }
0x3be: {  	v3 =	vmax.f32 v3, v4  }
0x3bf: {  	v3 =	vsub.f32 v3, v2;
	_ =	sdelay $0x1  }
0x3c0: {  	v3 =	vmul.f32 $1.442695020e+00, v3;
	_ =	sdelay $0x1  }
0x3c1: {  	(erf) = vpow2.f32 v3;
	_ =	sdelay $0x8  }
0x3c2: {  	v3 =	vpop (erf)  }
0x3c3: {  	[tilespmem:s10+$0x50] =	vst v3  }
0x3c4: {  	v3 =	vld [tilespmem:s11+$0x60]  }
0x3c5: {  	v62 =	vld [tilespmem:s31+$0x60];
	_ =	sdelay $0x4  }
0x3c6: {  	v3 =	vadd.f32 v62, v3;
	_ =	sdelay $0x1  }
0x3c7: {  	v4 =	vmul.f32 $2.000000030e-01, v3;
	_ =	sdelay $0x1  }
0x3c8: {  	v3 =	vmax.f32 v3, v4  }
0x3c9: {  	v3 =	vsub.f32 v3, v2;
	_ =	sdelay $0x1  }
0x3ca: {  	v3 =	vmul.f32 $1.442695020e+00, v3;
	_ =	sdelay $0x1  }
0x3cb: {  	(erf) = vpow2.f32 v3;
	_ =	sdelay $0x8  }
0x3cc: {  	v3 =	vpop (erf)  }
0x3cd: {  	[tilespmem:s10+$0x60] =	vst v3  }
0x3ce: {  	v3 =	vld [tilespmem:s11+$0x70]  }
0x3cf: {  	v63 =	vld [tilespmem:s31+$0x70];
	_ =	sdelay $0x4  }
0x3d0: {  	v3 =	vadd.f32 v63, v3;
	_ =	sdelay $0x1  }
0x3d1: {  	v4 =	vmul.f32 $2.000000030e-01, v3;
	_ =	sdelay $0x1  }
0x3d2: {  	v3 =	vmax.f32 v3, v4  }
0x3d3: {  	v3 =	vsub.f32 v3, v2;
	_ =	sdelay $0x1  }
0x3d4: {  	v3 =	vmul.f32 $1.442695020e+00, v3;
	_ =	sdelay $0x1  }
0x3d5: {  	(erf) = vpow2.f32 v3;
	_ =	sdelay $0x3  }
0x3d6: {  	s3 =	sadd.s32 $0x10, s3  }
0x3d7: {  	p2 =	slt.u32 s3, $0x170  }
.Ltmp8:
0x3d8: {  	_ = 	snop;
	(pc) =	sbr.rel @p2 .LBB2_15-.Ltmp8, $3  }
0x3d9: {  	_ =	sdelay $0x1  }
0x3da: {  	v3 =	vpop (erf)  }
0x3db: {  	s31 =	sadd.s32 $0x100, s31;
	s11 =	sadd.s32 $0x100, s11;
	[tilespmem:s10+$0x70] =	vst v3;
	s10 =	sadd.s32 $0x100, s10  }
0x3dc: {  	s3 =	simm.s32 $0x0  }
0x3dd: {  	v3 =	vmov s3  }
0x3de: {  	[spmem:s5] =	stream.indirect.scatter.add.f32 [tilespmem:s25], [sflag:$0xD], $0x10, s16, s7, $0xb8;
	v3 =	vshll.u32 v3, $0x4;
	[tilespmem:$0x19C10] =	vst v63  }
0x3df: {  	_ =	swait.ge [sflag:s1], $0x1800;
	v3 =	vor.u32 v0, v3  }
0x3e0: {  	[sflag:s1] =	ssyncset.done $0x0;
	v3 =	vor.u32 v1, v3  }
0x3e1: {  	s3 =	simm.s32 @!p0 $0xC;
	[sflag:s1] =	ssyncadd.s32 $0xFFFFE800  }
0x3e2: {  	s10 =	simm.s32 $0x4;
	_ =	swait.ge @!p0 [sflag:s3], $0x600  }
0x3e3: {  	v4 =	vmov s10;
	[sflag:s3] =	ssyncset.done @!p0 $0x0  }
0x3e4: {  	v4 =	vshll.u32 v4, $0x4;
	[sflag:s3] =	ssyncadd.s32 @!p0 $0xFFFFFA00  }
0x3e5: {  	v4 =	vor.u32 v0, v4;
	v3 =	vld.idx.msk [tilespmem:v3+s25+$0x0], $0xffff  }
0x3e6: {  	v4 =	vor.u32 v1, v4;
	_ =	sdelay $0x1  }
0x3e7: {  	s11 =	simm.s32 $0x8  }
0x3e8: {  	v5 =	vmov s11;
	s3 =	simm.s32 $0xDE20  }
0x3e9: {  	[tilespmem:s3+$0xFFFFFFE0] =	vst v3;
	v3 =	vshll.u32 v5, $0x4  }
0x3ea: {  	v4 =	vld.idx.msk [tilespmem:v4+s25+$0x0], $0xffff;
	v3 =	vor.u32 v0, v3  }
0x3eb: {  	v3 =	vor.u32 v1, v3;
	_ =	sdelay $0x1  }
0x3ec: {  	s31 =	simm.s32 $0xC  }
0x3ed: {  	v5 =	vmov s31  }
0x3ee: {  	v5 =	vshll.u32 v5, $0x4;
	[tilespmem:s3+$0xFFFFFFF0] =	vst v4  }
0x3ef: {  	v4 =	vor.u32 v0, v5;
	v3 =	vld.idx.msk [tilespmem:v3+s25+$0x0], $0xffff  }
0x3f0: {  	v4 =	vor.u32 v1, v4;
	_ =	sdelay $0x2  }
0x3f1: {  	s10 =	simm.s32 $0x0;
	s11 =	simm.s32 $0x10  }
.LBB2_17:
0x3f2: {  	v5 =	vmov s11;
	s10 =	sadd.s32 $0x4, s10;
	[tilespmem:s3+$0x0] =	vst v3  }
0x3f3: {  	v3 =	vshll.u32 v5, $0x4;
	p0 =	slt.u32 s10, $0x5C;
	v4 =	vld.idx.msk [tilespmem:v4+s25+$0x0], $0xffff  }
0x3f4: {  	v3 =	vor.u32 v0, v3  }
0x3f5: {  	v3 =	vor.u32 v1, v3;
	_ =	sdelay $0x2  }
0x3f6: {  	s31 =	sadd.s32 $0x4, s11  }
0x3f7: {  	v5 =	vmov s31;
	[tilespmem:s3+$0x10] =	vst v4  }
0x3f8: {  	v4 =	vshll.u32 v5, $0x4;
	v3 =	vld.idx.msk [tilespmem:v3+s25+$0x0], $0xffff  }
0x3f9: {  	v4 =	vor.u32 v0, v4  }
0x3fa: {  	v4 =	vor.u32 v1, v4;
	_ =	sdelay $0x2  }
0x3fb: {  	s31 =	sadd.s32 $0x8, s11;
	s3 =	sadd.s32 $0x40, s3  }
0x3fc: {  	[tilespmem:s3+$0xFFFFFFE0] =	vst v3;
	v3 =	vmov s31  }
0x3fd: {  	v4 =	vld.idx.msk [tilespmem:v4+s25+$0x0], $0xffff;
	v3 =	vshll.u32 v3, $0x4  }
0x3fe: {  	v3 =	vor.u32 v0, v3  }
0x3ff: {  	v3 =	vor.u32 v1, v3;
	_ =	sdelay $0x2  }
0x400: {  	s31 =	sadd.s32 $0xC, s11  }
0x401: {  	[tilespmem:s3+$0xFFFFFFF0] =	vst v4;
	v4 =	vmov s31  }
0x402: {  	v3 =	vld.idx.msk [tilespmem:v3+s25+$0x0], $0xffff;
	v4 =	vshll.u32 v4, $0x4  }
.Ltmp9:
0x403: {  	v4 =	vor.u32 v0, v4;
	(pc) =	sbr.rel @p0 .LBB2_17-.Ltmp9, $2  }
0x404: {  	v4 =	vor.u32 v1, v4;
	_ =	sdelay $0x2  }
0x405: {  	s11 =	sadd.s32 $0x10, s11  }
0x406: {  	_ =	sdelay $0x2  }
0x407: {  	[tilespmem:s3+$0x0] =	vst v3  }
0x408: {  	v3 =	vld.idx.msk [tilespmem:v4+s25+$0x0], $0xffff;
	_ =	sdelay $0x1  }
.Ltmp10:
0x409: {  	_ = 	snop;
	(pc) =	sbr.rel @p1 .LBB2_20-.Ltmp10, $4  }
0x40a: {  	s10 =	sadd.s32 s12, s26  }
0x40b: {  	s10 =	sshrl.u32 s10, $0x1  }
0x40c: {  	s31 =	simm.s32 $0xDE00;
	s11 =	sadd.s32 s4, s10;
	[tilespmem:s3+$0x10] =	vst v3  }
0x40d: {  	[hbm4b:s11+s6] =	stream.linear.scatter [tilespmem:s31], [sflag:$0xC], $0x600, $0x38;
	[tilespmem:$0x19C10] =	vst v63  }
0x40e: {  	s3 =	rddreg [dreg:$0x16]  }
0x40f: {  	s3 =	sadd.s32 s12, s3  }
0x410: {  	s3 =	sshrl.u32 s3, $0x3  }
0x411: {  	s10 =	sadd.s32 s0, s3  }
0x412: {  	[tilespmem:s15], [sflag:$0x4] =	stream.linear.gather [hbm4b:s10+s6], $0x180, $0x38;
	[tilespmem:$0x19C10] =	vst v63  }
0x413: {  	s3 =	sadd.s32 s2, s3  }
0x414: {  	[tilespmem:s16], [sflag:$0x4] =	stream.linear.gather [hbm4b:s3+s6], $0x180, $0x38;
	[tilespmem:$0x19C10] =	vst v63  }
0x415: {  	_ =	swait.ge [sflag:s21], $0x180  }
0x416: {  	[sflag:s21] =	ssyncset.done $0x0  }
0x417: {  	[sflag:s21] =	ssyncadd.s32 $0xFFFFFE80  }
0x418: {  	_ =	swait.ge [sflag:s21], $0x180  }
.Ltmp11:
0x419: {  	[sflag:s21] =	ssyncset.done $0x0;
	(pc) =	sbr.rel .LBB2_2-.Ltmp11, $4  }
0x41a: {  	s11 =	simm.s32 $0x300;
	s12 =	simm.s32 $0x3C00;
	[sflag:s21] =	ssyncadd.s32 $0xFFFFFE80  }
0x41b: {  	[tilespmem:s12], [sflag:$0x7] =	stream.indirect.gather [hbm4b:s8+s7], $0x10, s11, s7, $0xb8;
	[tilespmem:$0x19C10] =	vst v63  }
0x41c: {  	s31 =	simm.s32 $0x9C00;
	s22 =	sadd.s32 $0x1, s22  }
0x41d: {  	[tilespmem:s31], [sflag:$0x7] =	stream.indirect.gather [hbm4b:s9+s7], $0x10, s14, s7, $0xb8;
	[tilespmem:$0x19C10] =	vst v63  }
.LBB2_21:
0x41e: {  	_ =	sfence.sel $0x180000  }
0x41f: {  	[bflag:$0x0] =	sbarrier.arrive $0xFFFF  }
0x420: {  	_ =	strace $0x90000047  }
0x421: {  	s0 =	stileid.u32;
	[bflag:$0x2] =	sbarrier.arrive $0xFFFF  }
0x422: {  	p0 =	sne.s32 s0, $0x0;
	s0 =	rddreg [dreg:$0x7]  }
0x423: {  	s0 =	sadd.s32 @!p0 $0x100000, s0  }
0x424: {  	[sflag:s0] =	ssyncadd.tile.s32 @!p0 $0x1;
	_ =	shalt  }
.Lfunc_end2:
_tile_overlayer_lowered:
.L_overlay_start_2:
0x425: {  	(tag) =	ssettag $0x2  }
0x426: {  	s0 =	rddreg [dreg:$0x0];
	s2 =	stileid.u32  }
0x427: {  	s1 =	rddreg [dreg:$0x1];
	p0 =	sne.s32 s2, $0x0  }
0x428: {  	s3 =	rddreg [dreg:$0x2];
	[bflag:$0x3] =	sbarrier.arrive $0xFFFF;
	s2 =	simm.s32 @!p0 $0x1C0D  }
0x429: {  	[timem:s3], [sflag:s2] =	dma.local @!p0 [hbm:s0], s1  }
0x42a: {  	s0 =	simm.s32 @!p0 $0xD  }
0x42b: {  	_ =	swait.ge @!p0 [sflag:s0], s1  }
0x42c: {  	s1 =	ssub.s32 @!p0 $0x0, s1;
	[sflag:s0] =	ssyncset.done @!p0 $0x0  }
0x42d: {  	[sflag:s0] =	ssyncadd.s32 @!p0 s1  }
0x42e: {  	[bflag:$0x3] =	sbarrier.arrive $0xFFFF  }
0x42f: {  	_ =	shalt  }

</sc_bundles>
